<compile_context>
chip_gen: v7x
topology: tpu7x:2x2x1
jax: 0.10.2.dev20260603
libtpu: 0.0.44.dev20260713+nightly
codegen_flags: <defaults>
</compile_context>

<pallas_src>
import functools

import jax
import jax.numpy as jnp
from jax import lax
from jax.experimental import pallas as pl
from jax.experimental.pallas import tpu as pltpu
from jax.experimental.pallas import tpu_sc as plsc

_OUT_T = 512
_W = 4


def _sc_segment_sum(xr, n_out, d):
    info = plsc.get_sparse_core_info()
    nc, ns, lanes = info.num_cores, info.num_subcores, info.num_lanes
    nw = nc * ns
    rows_per_w = n_out // nw
    ch = 16
    n_ch = rows_per_w // ch

    mesh = plsc.VectorSubcoreMesh(core_axis_name="c", subcore_axis_name="s")

    @functools.partial(
        pl.kernel,
        mesh=mesh,
        out_type=jax.ShapeDtypeStruct((n_out, d), jnp.float32),
        scratch_types=[
            pltpu.VMEM((_W * ch, d), jnp.float32),
            pltpu.VMEM((_W * ch, d), jnp.float32),
            pltpu.VMEM((ch, d), jnp.float32),
            pltpu.VMEM((ch, d), jnp.float32),
            pltpu.SemaphoreType.DMA,
            pltpu.SemaphoreType.DMA,
            pltpu.SemaphoreType.DMA,
            pltpu.SemaphoreType.DMA,
        ],
    )
    def k(x_hbm, o_hbm, inb0, inb1, outb0, outb1, si0, si1, so0, so1):
        wid = lax.axis_index("s") * nc + lax.axis_index("c")
        base_out = wid * rows_per_w

        def start_in(i, buf, sem):
            r0 = (base_out + i * ch) * _W
            pltpu.async_copy(x_hbm.at[pl.ds(r0, _W * ch)], buf, sem)

        def wait_in(buf, sem):
            pltpu.make_async_copy(x_hbm.at[pl.ds(0, _W * ch)], buf, sem).wait()

        def start_out(i, buf, sem):
            pltpu.async_copy(buf, o_hbm.at[pl.ds(base_out + i * ch, ch)], sem)

        def wait_out(buf, sem):
            pltpu.make_async_copy(buf, o_hbm.at[pl.ds(0, ch)], sem).wait()

        def compute(inb, outb):
            @plsc.parallel_loop(0, ch, unroll=2)
            def _row(r):
                for c in range(d // lanes):
                    col = pl.ds(c * lanes, lanes)
                    outb[r, col] = (inb[_W * r, col] + inb[_W * r + 1, col]) + (
                        inb[_W * r + 2, col] + inb[_W * r + 3, col]
                    )

        start_in(0, inb0, si0)

        def body(j, carry):
            a = 2 * j
            b = a + 1
            start_in(b, inb1, si1)
            wait_in(inb0, si0)

            @pl.when(j != 0)
            def _():
                wait_out(outb0, so0)

            compute(inb0, outb0)
            start_out(a, outb0, so0)

            @pl.when(b + 1 < n_ch)
            def _():
                start_in(b + 1, inb0, si0)

            wait_in(inb1, si1)

            @pl.when(j != 0)
            def _():
                wait_out(outb1, so1)

            compute(inb1, outb1)
            start_out(b, outb1, so1)
            return carry

        lax.fori_loop(0, n_ch // 2, body, 0)
        wait_out(outb0, so0)
        wait_out(outb1, so1)

    return k(xr)


def kernel(x, out_T):
    b, in_t, d = x.shape
    xr = x.reshape(b * in_t, d)
    out = _sc_segment_sum(xr, b * _OUT_T, d)
    return out.reshape(b, _OUT_T, d)

# --- scband reference (transcript-rebuilt; emitter-appended) ---
"""Pipeline reference for scband-time-trans-33122787787180 (READ-ONLY COPY).

The authoritative reference and input builder live on the scoring server;
editing this copy changes nothing except your own understanding.
"""

import jax, jax.numpy as jnp
import numpy as np


def _segment_ids(in_T, out_T):
    # table_spwn(in_T, out_T): partition in_T input frames into out_T contiguous
    # groups; trans_table[i] = indices t with floor(t*out_T/in_T) == i.
    return np.floor(np.arange(in_T) * out_T / in_T).astype(np.int32)


def setup_inputs(seed: int = 0) -> dict:
    key = jax.random.key(seed)
    x = jax.random.normal(key, (16, 2048, 512), dtype=jnp.float32)
    return {"x": x, "out_T": 512}


def reference(x, out_T):
    in_T = x.shape[1]
    out_T_static = 512
    out_T_zero = (jnp.asarray(out_T) - out_T_static).astype(x.dtype)
    if in_T == out_T_static:
        return x + out_T_zero
    seg = jnp.asarray(_segment_ids(in_T, out_T_static))
    # o[:, i, ...] = sum_{j in trans_table[i]} x[:, j, ...]
    xt = jnp.moveaxis(x, 1, 0)  # [T, B, D]
    ot = jax.ops.segment_sum(xt, seg, num_segments=out_T_static)  # [out_T, B, D]
    ot = ot + out_T_zero
    return jnp.moveaxis(ot, 0, 1)  # [B, out_T, D]

if __name__ == "__main__":
    import jax
    _d = setup_inputs()
    print(jax.jit(kernel)(*tuple(_d.values())))

</pallas_src>

<mosaic_0001>
#map = affine_map<(d0, d1) -> (0, 0)>
module attributes {stable_mosaic.version = 14 : i64} {
  func.func @k(%arg0: i32, %arg1: i32, %arg2: memref<32768x512xf32, #tpu.memory_space<hbm>>, %arg3: memref<8192x512xf32, #tpu.memory_space<hbm>>, %arg4: memref<64x512xf32, #tpu.memory_space<vmem>>, %arg5: memref<64x512xf32, #tpu.memory_space<vmem>>, %arg6: memref<16x512xf32, #tpu.memory_space<vmem>>, %arg7: memref<16x512xf32, #tpu.memory_space<vmem>>, %arg8: memref<!tpu.dma_semaphore, #tpu.memory_space<semaphore_mem>>, %arg9: memref<!tpu.dma_semaphore, #tpu.memory_space<semaphore_mem>>, %arg10: memref<!tpu.dma_semaphore, #tpu.memory_space<semaphore_mem>>, %arg11: memref<!tpu.dma_semaphore, #tpu.memory_space<semaphore_mem>>) attributes {dimension_semantics = [#tpu.dimension_semantics<core_parallel>, #tpu.dimension_semantics<subcore_parallel>], iteration_bounds = array<i64: 2, 16>, scalar_prefetch = 0 : i64, scratch_operands = 8 : i64, tpu.core_type = #tpu.core_type<sc_vector_subcore>, window_params = [{transform_indices = #map}, {transform_indices = #map}]} {
    %mul3A = arith.constant 2 : i32
    %mul3A_0 = arith.muli %arg1, %mul3A : i32
    %add3A = arith.addi %mul3A_0, %arg0 : i32
    %mul3A_1 = arith.constant 256 : i32
    %mul3A_2 = arith.muli %add3A, %mul3A_1 : i32
    %add3A_3 = arith.constant 0 : i32
    %add3A_4 = arith.addi %mul3A_2, %add3A_3 : i32
    %mul3A_5 = arith.constant 4 : i32
    %mul3A_6 = arith.muli %add3A_4, %mul3A_5 : i32
    %dma_start3A = arith.constant 0 : i32
    %dma_start3A_7 = tpu.memref_slice %arg2[%mul3A_6, %dma_start3A] : memref<32768x512xf32, #tpu.memory_space<hbm>> -> memref<64x512xf32, #tpu.memory_space<hbm>>
    %dma_start3A_8 = arith.constant 0 : i32
    %dma_start3A_9 = tpu.memref_slice %arg2[%mul3A_6, %dma_start3A_8] : memref<32768x512xf32, #tpu.memory_space<hbm>> -> memref<64x512xf32, #tpu.memory_space<hbm>>
    tpu.enqueue_dma source(%dma_start3A_9 : memref<64x512xf32, #tpu.memory_space<hbm>>) target(%arg4 : memref<64x512xf32, #tpu.memory_space<vmem>>) target_semaphore(%arg8 : memref<!tpu.dma_semaphore, #tpu.memory_space<semaphore_mem>>)
    %scan3A = arith.constant 0 : i32
    %scan3A_10 = arith.constant 0 : i32
    %scan3A_11 = arith.constant 8 : i32
    %scan3A_12 = arith.addi %scan3A_10, %scan3A_11 : i32
    %scan3A_13 = arith.constant 1 : i32
    scf.for %scan3A_26 = %scan3A_10 to %scan3A_12 step %scan3A_13  : i32 {
      %mul3A_27 = arith.constant 2 : i32
      %mul3A_28 = arith.muli %mul3A_27, %scan3A_26 : i32
      %add3A_29 = arith.constant 1 : i32
      %add3A_30 = arith.addi %mul3A_28, %add3A_29 : i32
      %mul3A_31 = arith.constant 16 : i32
      %mul3A_32 = arith.muli %add3A_30, %mul3A_31 : i32
      %add3A_33 = arith.addi %mul3A_2, %mul3A_32 : i32
      %mul3A_34 = arith.constant 4 : i32
      %mul3A_35 = arith.muli %add3A_33, %mul3A_34 : i32
      %dma_start3A_36 = arith.constant 0 : i32
      %dma_start3A_37 = tpu.memref_slice %arg2[%mul3A_35, %dma_start3A_36] : memref<32768x512xf32, #tpu.memory_space<hbm>> -> memref<64x512xf32, #tpu.memory_space<hbm>>
      %dma_start3A_38 = arith.constant 0 : i32
      %dma_start3A_39 = tpu.memref_slice %arg2[%mul3A_35, %dma_start3A_38] : memref<32768x512xf32, #tpu.memory_space<hbm>> -> memref<64x512xf32, #tpu.memory_space<hbm>>
      tpu.enqueue_dma source(%dma_start3A_39 : memref<64x512xf32, #tpu.memory_space<hbm>>) target(%arg5 : memref<64x512xf32, #tpu.memory_space<vmem>>) target_semaphore(%arg9 : memref<!tpu.dma_semaphore, #tpu.memory_space<semaphore_mem>>)
      %dma_wait3A_40 = arith.constant 0 : i32
      %dma_wait3A_41 = arith.constant 0 : i32
      %dma_wait3A_42 = tpu.memref_slice %arg2[%dma_wait3A_40, %dma_wait3A_41] : memref<32768x512xf32, #tpu.memory_space<hbm>> -> memref<64x512xf32, #tpu.memory_space<hbm>>
      %dma_wait3A_43 = arith.constant 0 : i32
      %dma_wait3A_44 = arith.constant 0 : i32
      %dma_wait3A_45 = tpu.memref_slice %arg2[%dma_wait3A_43, %dma_wait3A_44] : memref<32768x512xf32, #tpu.memory_space<hbm>> -> memref<64x512xf32, #tpu.memory_space<hbm>>
      tpu.wait_dma2 semaphore(%arg8 : memref<!tpu.dma_semaphore, #tpu.memory_space<semaphore_mem>>) src(%dma_wait3A_45 : memref<64x512xf32, #tpu.memory_space<hbm>>) dst(%arg4 : memref<64x512xf32, #tpu.memory_space<vmem>>)
      %ne3A = arith.constant 0 : i32
      %ne3A_46 = arith.cmpi ne, %scan3A_26, %ne3A : i32
      %convert_element_type3A = arith.extui %ne3A_46 : i1 to i32
      %cond3A = arith.constant 0 : i32
      %cond3A_47 = arith.cmpi ne, %convert_element_type3A, %cond3A : i32
      scf.if %cond3A_47 {
        %dma_wait3A_84 = arith.constant 0 : i32
        %dma_wait3A_85 = arith.constant 0 : i32
        %dma_wait3A_86 = tpu.memref_slice %arg3[%dma_wait3A_84, %dma_wait3A_85] : memref<8192x512xf32, #tpu.memory_space<hbm>> -> memref<16x512xf32, #tpu.memory_space<hbm>>
        %dma_wait3A_87 = arith.constant 0 : i32
        %dma_wait3A_88 = arith.constant 0 : i32
        %dma_wait3A_89 = tpu.memref_slice %arg3[%dma_wait3A_87, %dma_wait3A_88] : memref<8192x512xf32, #tpu.memory_space<hbm>> -> memref<16x512xf32, #tpu.memory_space<hbm>>
        tpu.wait_dma2 semaphore(%arg10 : memref<!tpu.dma_semaphore, #tpu.memory_space<semaphore_mem>>) src(%arg6 : memref<16x512xf32, #tpu.memory_space<vmem>>) dst(%dma_wait3A_89 : memref<16x512xf32, #tpu.memory_space<hbm>>)
      } else {
      }
      %parallel_loop3A = arith.constant 0 : i32
      %parallel_loop3A_48 = arith.constant 16 : i32
      %parallel_loop3A_49 = arith.constant 1 : i32
      scf.for %parallel_loop3A_84 = %parallel_loop3A to %parallel_loop3A_48 step %parallel_loop3A_49  : i32 {
        %parallel_loop3A_85 = arith.constant 4 : i32
        %parallel_loop3A_86 = arith.muli %parallel_loop3A_85, %parallel_loop3A_84 : i32
        %parallel_loop3A_87 = arith.index_cast %parallel_loop3A_86 : i32 to index
        %parallel_loop3A_88 = arith.constant 0 : index
        %parallel_loop3A_89 = tpu.vector_load %arg4[%parallel_loop3A_87, %parallel_loop3A_88] {strides = array<i32>} : memref<64x512xf32, #tpu.memory_space<vmem>>, vector<1x16xf32>,
        %parallel_loop3A_90 = vector.shape_cast %parallel_loop3A_89 : vector<1x16xf32> to vector<16xf32>
        %parallel_loop3A_91 = arith.constant 4 : i32
        %parallel_loop3A_92 = arith.muli %parallel_loop3A_91, %parallel_loop3A_84 : i32
        %parallel_loop3A_93 = arith.constant 1 : i32
        %parallel_loop3A_94 = arith.addi %parallel_loop3A_92, %parallel_loop3A_93 : i32
        %parallel_loop3A_95 = arith.index_cast %parallel_loop3A_94 : i32 to index
        %parallel_loop3A_96 = arith.constant 0 : index
        %parallel_loop3A_97 = tpu.vector_load %arg4[%parallel_loop3A_95, %parallel_loop3A_96] {strides = array<i32>} : memref<64x512xf32, #tpu.memory_space<vmem>>, vector<1x16xf32>,
        %parallel_loop3A_98 = vector.shape_cast %parallel_loop3A_97 : vector<1x16xf32> to vector<16xf32>
        %parallel_loop3A_99 = arith.addf %parallel_loop3A_90, %parallel_loop3A_98 : vector<16xf32>
        %parallel_loop3A_100 = arith.constant 4 : i32
        %parallel_loop3A_101 = arith.muli %parallel_loop3A_100, %parallel_loop3A_84 : i32
        %parallel_loop3A_102 = arith.constant 2 : i32
        %parallel_loop3A_103 = arith.addi %parallel_loop3A_101, %parallel_loop3A_102 : i32
        %parallel_loop3A_104 = arith.index_cast %parallel_loop3A_103 : i32 to index
        %parallel_loop3A_105 = arith.constant 0 : index
        %parallel_loop3A_106 = tpu.vector_load %arg4[%parallel_loop3A_104, %parallel_loop3A_105] {strides = array<i32>} : memref<64x512xf32, #tpu.memory_space<vmem>>, vector<1x16xf32>,
        %parallel_loop3A_107 = vector.shape_cast %parallel_loop3A_106 : vector<1x16xf32> to vector<16xf32>
        %parallel_loop3A_108 = arith.constant 4 : i32
        %parallel_loop3A_109 = arith.muli %parallel_loop3A_108, %parallel_loop3A_84 : i32
        %parallel_loop3A_110 = arith.constant 3 : i32
        %parallel_loop3A_111 = arith.addi %parallel_loop3A_109, %parallel_loop3A_110 : i32
        %parallel_loop3A_112 = arith.index_cast %parallel_loop3A_111 : i32 to index
        %parallel_loop3A_113 = arith.constant 0 : index
        %parallel_loop3A_114 = tpu.vector_load %arg4[%parallel_loop3A_112, %parallel_loop3A_113] {strides = array<i32>} : memref<64x512xf32, #tpu.memory_space<vmem>>, vector<1x16xf32>,
        %parallel_loop3A_115 = vector.shape_cast %parallel_loop3A_114 : vector<1x16xf32> to vector<16xf32>
        %parallel_loop3A_116 = arith.addf %parallel_loop3A_107, %parallel_loop3A_115 : vector<16xf32>
        %parallel_loop3A_117 = arith.addf %parallel_loop3A_99, %parallel_loop3A_116 : vector<16xf32>
        %parallel_loop3A_118 = arith.index_cast %parallel_loop3A_84 : i32 to index
        %parallel_loop3A_119 = arith.constant 0 : index
        %parallel_loop3A_120 = tpu.vector_load %arg6[%parallel_loop3A_118, %parallel_loop3A_119] {strides = array<i32>} : memref<16x512xf32, #tpu.memory_space<vmem>>, vector<1x16xf32>,
        %parallel_loop3A_121 = vector.shape_cast %parallel_loop3A_120 : vector<1x16xf32> to vector<16xf32>
        %parallel_loop3A_122 = vector.shape_cast %parallel_loop3A_117 : vector<16xf32> to vector<1x16xf32>
        tpu.vector_store %arg6[%parallel_loop3A_118, %parallel_loop3A_119], %parallel_loop3A_122 {strides = array<i32>} : memref<16x512xf32, #tpu.memory_space<vmem>>, vector<1x16xf32>,
        %parallel_loop3A_123 = arith.constant 4 : i32
        %parallel_loop3A_124 = arith.muli %parallel_loop3A_123, %parallel_loop3A_84 : i32
        %parallel_loop3A_125 = arith.index_cast %parallel_loop3A_124 : i32 to index
        %parallel_loop3A_126 = arith.constant 16 : index
        %parallel_loop3A_127 = tpu.vector_load %arg4[%parallel_loop3A_125, %parallel_loop3A_126] {strides = array<i32>} : memref<64x512xf32, #tpu.memory_space<vmem>>, vector<1x16xf32>,
        %parallel_loop3A_128 = vector.shape_cast %parallel_loop3A_127 : vector<1x16xf32> to vector<16xf32>
        %parallel_loop3A_129 = arith.constant 4 : i32
        %parallel_loop3A_130 = arith.muli %parallel_loop3A_129, %parallel_loop3A_84 : i32
        %parallel_loop3A_131 = arith.constant 1 : i32
        %parallel_loop3A_132 = arith.addi %parallel_loop3A_130, %parallel_loop3A_131 : i32
        %parallel_loop3A_133 = arith.index_cast %parallel_loop3A_132 : i32 to index
        %parallel_loop3A_134 = arith.constant 16 : index
        %parallel_loop3A_135 = tpu.vector_load %arg4[%parallel_loop3A_133, %parallel_loop3A_134] {strides = array<i32>} : memref<64x512xf32, #tpu.memory_space<vmem>>, vector<1x16xf32>,
        %parallel_loop3A_136 = vector.shape_cast %parallel_loop3A_135 : vector<1x16xf32> to vector<16xf32>
        %parallel_loop3A_137 = arith.addf %parallel_loop3A_128, %parallel_loop3A_136 : vector<16xf32>
        %parallel_loop3A_138 = arith.constant 4 : i32
        %parallel_loop3A_139 = arith.muli %parallel_loop3A_138, %parallel_loop3A_84 : i32
        %parallel_loop3A_140 = arith.constant 2 : i32
        %parallel_loop3A_141 = arith.addi %parallel_loop3A_139, %parallel_loop3A_140 : i32
        %parallel_loop3A_142 = arith.index_cast %parallel_loop3A_141 : i32 to index
        %parallel_loop3A_143 = arith.constant 16 : index
        %parallel_loop3A_144 = tpu.vector_load %arg4[%parallel_loop3A_142, %parallel_loop3A_143] {strides = array<i32>} : memref<64x512xf32, #tpu.memory_space<vmem>>, vector<1x16xf32>,
        %parallel_loop3A_145 = vector.shape_cast %parallel_loop3A_144 : vector<1x16xf32> to vector<16xf32>
        %parallel_loop3A_146 = arith.constant 4 : i32
        %parallel_loop3A_147 = arith.muli %parallel_loop3A_146, %parallel_loop3A_84 : i32
        %parallel_loop3A_148 = arith.constant 3 : i32
        %parallel_loop3A_149 = arith.addi %parallel_loop3A_147, %parallel_loop3A_148 : i32
        %parallel_loop3A_150 = arith.index_cast %parallel_loop3A_149 : i32 to index
        %parallel_loop3A_151 = arith.constant 16 : index
        %parallel_loop3A_152 = tpu.vector_load %arg4[%parallel_loop3A_150, %parallel_loop3A_151] {strides = array<i32>} : memref<64x512xf32, #tpu.memory_space<vmem>>, vector<1x16xf32>,
        %parallel_loop3A_153 = vector.shape_cast %parallel_loop3A_152 : vector<1x16xf32> to vector<16xf32>
        %parallel_loop3A_154 = arith.addf %parallel_loop3A_145, %parallel_loop3A_153 : vector<16xf32>
        %parallel_loop3A_155 = arith.addf %parallel_loop3A_137, %parallel_loop3A_154 : vector<16xf32>
        %parallel_loop3A_156 = arith.index_cast %parallel_loop3A_84 : i32 to index
        %parallel_loop3A_157 = arith.constant 16 : index
        %parallel_loop3A_158 = tpu.vector_load %arg6[%parallel_loop3A_156, %parallel_loop3A_157] {strides = array<i32>} : memref<16x512xf32, #tpu.memory_space<vmem>>, vector<1x16xf32>,
        %parallel_loop3A_159 = vector.shape_cast %parallel_loop3A_158 : vector<1x16xf32> to vector<16xf32>
        %parallel_loop3A_160 = vector.shape_cast %parallel_loop3A_155 : vector<16xf32> to vector<1x16xf32>
        tpu.vector_store %arg6[%parallel_loop3A_156, %parallel_loop3A_157], %parallel_loop3A_160 {strides = array<i32>} : memref<16x512xf32, #tpu.memory_space<vmem>>, vector<1x16xf32>,
        %parallel_loop3A_161 = arith.constant 4 : i32
        %parallel_loop3A_162 = arith.muli %parallel_loop3A_161, %parallel_loop3A_84 : i32
        %parallel_loop3A_163 = arith.index_cast %parallel_loop3A_162 : i32 to index
        %parallel_loop3A_164 = arith.constant 32 : index
        %parallel_loop3A_165 = tpu.vector_load %arg4[%parallel_loop3A_163, %parallel_loop3A_164] {strides = array<i32>} : memref<64x512xf32, #tpu.memory_space<vmem>>, vector<1x16xf32>,
        %parallel_loop3A_166 = vector.shape_cast %parallel_loop3A_165 : vector<1x16xf32> to vector<16xf32>
        %parallel_loop3A_167 = arith.constant 4 : i32
        %parallel_loop3A_168 = arith.muli %parallel_loop3A_167, %parallel_loop3A_84 : i32
        %parallel_loop3A_169 = arith.constant 1 : i32
        %parallel_loop3A_170 = arith.addi %parallel_loop3A_168, %parallel_loop3A_169 : i32
        %parallel_loop3A_171 = arith.index_cast %parallel_loop3A_170 : i32 to index
        %parallel_loop3A_172 = arith.constant 32 : index
        %parallel_loop3A_173 = tpu.vector_load %arg4[%parallel_loop3A_171, %parallel_loop3A_172] {strides = array<i32>} : memref<64x512xf32, #tpu.memory_space<vmem>>, vector<1x16xf32>,
        %parallel_loop3A_174 = vector.shape_cast %parallel_loop3A_173 : vector<1x16xf32> to vector<16xf32>
        %parallel_loop3A_175 = arith.addf %parallel_loop3A_166, %parallel_loop3A_174 : vector<16xf32>
        %parallel_loop3A_176 = arith.constant 4 : i32
        %parallel_loop3A_177 = arith.muli %parallel_loop3A_176, %parallel_loop3A_84 : i32
        %parallel_loop3A_178 = arith.constant 2 : i32
        %parallel_loop3A_179 = arith.addi %parallel_loop3A_177, %parallel_loop3A_178 : i32
        %parallel_loop3A_180 = arith.index_cast %parallel_loop3A_179 : i32 to index
        %parallel_loop3A_181 = arith.constant 32 : index
        %parallel_loop3A_182 = tpu.vector_load %arg4[%parallel_loop3A_180, %parallel_loop3A_181] {strides = array<i32>} : memref<64x512xf32, #tpu.memory_space<vmem>>, vector<1x16xf32>,
        %parallel_loop3A_183 = vector.shape_cast %parallel_loop3A_182 : vector<1x16xf32> to vector<16xf32>
        %parallel_loop3A_184 = arith.constant 4 : i32
        %parallel_loop3A_185 = arith.muli %parallel_loop3A_184, %parallel_loop3A_84 : i32
        %parallel_loop3A_186 = arith.constant 3 : i32
        %parallel_loop3A_187 = arith.addi %parallel_loop3A_185, %parallel_loop3A_186 : i32
        %parallel_loop3A_188 = arith.index_cast %parallel_loop3A_187 : i32 to index
        %parallel_loop3A_189 = arith.constant 32 : index
        %parallel_loop3A_190 = tpu.vector_load %arg4[%parallel_loop3A_188, %parallel_loop3A_189] {strides = array<i32>} : memref<64x512xf32, #tpu.memory_space<vmem>>, vector<1x16xf32>,
        %parallel_loop3A_191 = vector.shape_cast %parallel_loop3A_190 : vector<1x16xf32> to vector<16xf32>
        %parallel_loop3A_192 = arith.addf %parallel_loop3A_183, %parallel_loop3A_191 : vector<16xf32>
        %parallel_loop3A_193 = arith.addf %parallel_loop3A_175, %parallel_loop3A_192 : vector<16xf32>
        %parallel_loop3A_194 = arith.index_cast %parallel_loop3A_84 : i32 to index
        %parallel_loop3A_195 = arith.constant 32 : index
        %parallel_loop3A_196 = tpu.vector_load %arg6[%parallel_loop3A_194, %parallel_loop3A_195] {strides = array<i32>} : memref<16x512xf32, #tpu.memory_space<vmem>>, vector<1x16xf32>,
        %parallel_loop3A_197 = vector.shape_cast %parallel_loop3A_196 : vector<1x16xf32> to vector<16xf32>
        %parallel_loop3A_198 = vector.shape_cast %parallel_loop3A_193 : vector<16xf32> to vector<1x16xf32>
        tpu.vector_store %arg6[%parallel_loop3A_194, %parallel_loop3A_195], %parallel_loop3A_198 {strides = array<i32>} : memref<16x512xf32, #tpu.memory_space<vmem>>, vector<1x16xf32>,
        %parallel_loop3A_199 = arith.constant 4 : i32
        %parallel_loop3A_200 = arith.muli %parallel_loop3A_199, %parallel_loop3A_84 : i32
        %parallel_loop3A_201 = arith.index_cast %parallel_loop3A_200 : i32 to index
        %parallel_loop3A_202 = arith.constant 48 : index
        %parallel_loop3A_203 = tpu.vector_load %arg4[%parallel_loop3A_201, %parallel_loop3A_202] {strides = array<i32>} : memref<64x512xf32, #tpu.memory_space<vmem>>, vector<1x16xf32>,
        %parallel_loop3A_204 = vector.shape_cast %parallel_loop3A_203 : vector<1x16xf32> to vector<16xf32>
        %parallel_loop3A_205 = arith.constant 4 : i32
        %parallel_loop3A_206 = arith.muli %parallel_loop3A_205, %parallel_loop3A_84 : i32
        %parallel_loop3A_207 = arith.constant 1 : i32
        %parallel_loop3A_208 = arith.addi %parallel_loop3A_206, %parallel_loop3A_207 : i32
        %parallel_loop3A_209 = arith.index_cast %parallel_loop3A_208 : i32 to index
        %parallel_loop3A_210 = arith.constant 48 : index
        %parallel_loop3A_211 = tpu.vector_load %arg4[%parallel_loop3A_209, %parallel_loop3A_210] {strides = array<i32>} : memref<64x512xf32, #tpu.memory_space<vmem>>, vector<1x16xf32>,
        %parallel_loop3A_212 = vector.shape_cast %parallel_loop3A_211 : vector<1x16xf32> to vector<16xf32>
        %parallel_loop3A_213 = arith.addf %parallel_loop3A_204, %parallel_loop3A_212 : vector<16xf32>
        %parallel_loop3A_214 = arith.constant 4 : i32
        %parallel_loop3A_215 = arith.muli %parallel_loop3A_214, %parallel_loop3A_84 : i32
        %parallel_loop3A_216 = arith.constant 2 : i32
        %parallel_loop3A_217 = arith.addi %parallel_loop3A_215, %parallel_loop3A_216 : i32
        %parallel_loop3A_218 = arith.index_cast %parallel_loop3A_217 : i32 to index
        %parallel_loop3A_219 = arith.constant 48 : index
        %parallel_loop3A_220 = tpu.vector_load %arg4[%parallel_loop3A_218, %parallel_loop3A_219] {strides = array<i32>} : memref<64x512xf32, #tpu.memory_space<vmem>>, vector<1x16xf32>,
        %parallel_loop3A_221 = vector.shape_cast %parallel_loop3A_220 : vector<1x16xf32> to vector<16xf32>
        %parallel_loop3A_222 = arith.constant 4 : i32
        %parallel_loop3A_223 = arith.muli %parallel_loop3A_222, %parallel_loop3A_84 : i32
        %parallel_loop3A_224 = arith.constant 3 : i32
        %parallel_loop3A_225 = arith.addi %parallel_loop3A_223, %parallel_loop3A_224 : i32
        %parallel_loop3A_226 = arith.index_cast %parallel_loop3A_225 : i32 to index
        %parallel_loop3A_227 = arith.constant 48 : index
        %parallel_loop3A_228 = tpu.vector_load %arg4[%parallel_loop3A_226, %parallel_loop3A_227] {strides = array<i32>} : memref<64x512xf32, #tpu.memory_space<vmem>>, vector<1x16xf32>,
        %parallel_loop3A_229 = vector.shape_cast %parallel_loop3A_228 : vector<1x16xf32> to vector<16xf32>
        %parallel_loop3A_230 = arith.addf %parallel_loop3A_221, %parallel_loop3A_229 : vector<16xf32>
        %parallel_loop3A_231 = arith.addf %parallel_loop3A_213, %parallel_loop3A_230 : vector<16xf32>
        %parallel_loop3A_232 = arith.index_cast %parallel_loop3A_84 : i32 to index
        %parallel_loop3A_233 = arith.constant 48 : index
        %parallel_loop3A_234 = tpu.vector_load %arg6[%parallel_loop3A_232, %parallel_loop3A_233] {strides = array<i32>} : memref<16x512xf32, #tpu.memory_space<vmem>>, vector<1x16xf32>,
        %parallel_loop3A_235 = vector.shape_cast %parallel_loop3A_234 : vector<1x16xf32> to vector<16xf32>
        %parallel_loop3A_236 = vector.shape_cast %parallel_loop3A_231 : vector<16xf32> to vector<1x16xf32>
        tpu.vector_store %arg6[%parallel_loop3A_232, %parallel_loop3A_233], %parallel_loop3A_236 {strides = array<i32>} : memref<16x512xf32, #tpu.memory_space<vmem>>, vector<1x16xf32>,
        %parallel_loop3A_237 = arith.constant 4 : i32
        %parallel_loop3A_238 = arith.muli %parallel_loop3A_237, %parallel_loop3A_84 : i32
        %parallel_loop3A_239 = arith.index_cast %parallel_loop3A_238 : i32 to index
        %parallel_loop3A_240 = arith.constant 64 : index
        %parallel_loop3A_241 = tpu.vector_load %arg4[%parallel_loop3A_239, %parallel_loop3A_240] {strides = array<i32>} : memref<64x512xf32, #tpu.memory_space<vmem>>, vector<1x16xf32>,
        %parallel_loop3A_242 = vector.shape_cast %parallel_loop3A_241 : vector<1x16xf32> to vector<16xf32>
        %parallel_loop3A_243 = arith.constant 4 : i32
        %parallel_loop3A_244 = arith.muli %parallel_loop3A_243, %parallel_loop3A_84 : i32
        %parallel_loop3A_245 = arith.constant 1 : i32
        %parallel_loop3A_246 = arith.addi %parallel_loop3A_244, %parallel_loop3A_245 : i32
        %parallel_loop3A_247 = arith.index_cast %parallel_loop3A_246 : i32 to index
        %parallel_loop3A_248 = arith.constant 64 : index
        %parallel_loop3A_249 = tpu.vector_load %arg4[%parallel_loop3A_247, %parallel_loop3A_248] {strides = array<i32>} : memref<64x512xf32, #tpu.memory_space<vmem>>, vector<1x16xf32>,
        %parallel_loop3A_250 = vector.shape_cast %parallel_loop3A_249 : vector<1x16xf32> to vector<16xf32>
        %parallel_loop3A_251 = arith.addf %parallel_loop3A_242, %parallel_loop3A_250 : vector<16xf32>
        %parallel_loop3A_252 = arith.constant 4 : i32
        %parallel_loop3A_253 = arith.muli %parallel_loop3A_252, %parallel_loop3A_84 : i32
        %parallel_loop3A_254 = arith.constant 2 : i32
        %parallel_loop3A_255 = arith.addi %parallel_loop3A_253, %parallel_loop3A_254 : i32
        %parallel_loop3A_256 = arith.index_cast %parallel_loop3A_255 : i32 to index
        %parallel_loop3A_257 = arith.constant 64 : index
        %parallel_loop3A_258 = tpu.vector_load %arg4[%parallel_loop3A_256, %parallel_loop3A_257] {strides = array<i32>} : memref<64x512xf32, #tpu.memory_space<vmem>>, vector<1x16xf32>,
        %parallel_loop3A_259 = vector.shape_cast %parallel_loop3A_258 : vector<1x16xf32> to vector<16xf32>
        %parallel_loop3A_260 = arith.constant 4 : i32
        %parallel_loop3A_261 = arith.muli %parallel_loop3A_260, %parallel_loop3A_84 : i32
        %parallel_loop3A_262 = arith.constant 3 : i32
        %parallel_loop3A_263 = arith.addi %parallel_loop3A_261, %parallel_loop3A_262 : i32
        %parallel_loop3A_264 = arith.index_cast %parallel_loop3A_263 : i32 to index
        %parallel_loop3A_265 = arith.constant 64 : index
        %parallel_loop3A_266 = tpu.vector_load %arg4[%parallel_loop3A_264, %parallel_loop3A_265] {strides = array<i32>} : memref<64x512xf32, #tpu.memory_space<vmem>>, vector<1x16xf32>,
        %parallel_loop3A_267 = vector.shape_cast %parallel_loop3A_266 : vector<1x16xf32> to vector<16xf32>
        %parallel_loop3A_268 = arith.addf %parallel_loop3A_259, %parallel_loop3A_267 : vector<16xf32>
        %parallel_loop3A_269 = arith.addf %parallel_loop3A_251, %parallel_loop3A_268 : vector<16xf32>
        %parallel_loop3A_270 = arith.index_cast %parallel_loop3A_84 : i32 to index
        %parallel_loop3A_271 = arith.constant 64 : index
        %parallel_loop3A_272 = tpu.vector_load %arg6[%parallel_loop3A_270, %parallel_loop3A_271] {strides = array<i32>} : memref<16x512xf32, #tpu.memory_space<vmem>>, vector<1x16xf32>,
        %parallel_loop3A_273 = vector.shape_cast %parallel_loop3A_272 : vector<1x16xf32> to vector<16xf32>
        %parallel_loop3A_274 = vector.shape_cast %parallel_loop3A_269 : vector<16xf32> to vector<1x16xf32>
        tpu.vector_store %arg6[%parallel_loop3A_270, %parallel_loop3A_271], %parallel_loop3A_274 {strides = array<i32>} : memref<16x512xf32, #tpu.memory_space<vmem>>, vector<1x16xf32>,
        %parallel_loop3A_275 = arith.constant 4 : i32
        %parallel_loop3A_276 = arith.muli %parallel_loop3A_275, %parallel_loop3A_84 : i32
        %parallel_loop3A_277 = arith.index_cast %parallel_loop3A_276 : i32 to index
        %parallel_loop3A_278 = arith.constant 80 : index
        %parallel_loop3A_279 = tpu.vector_load %arg4[%parallel_loop3A_277, %parallel_loop3A_278] {strides = array<i32>} : memref<64x512xf32, #tpu.memory_space<vmem>>, vector<1x16xf32>,
        %parallel_loop3A_280 = vector.shape_cast %parallel_loop3A_279 : vector<1x16xf32> to vector<16xf32>
        %parallel_loop3A_281 = arith.constant 4 : i32
        %parallel_loop3A_282 = arith.muli %parallel_loop3A_281, %parallel_loop3A_84 : i32
        %parallel_loop3A_283 = arith.constant 1 : i32
        %parallel_loop3A_284 = arith.addi %parallel_loop3A_282, %parallel_loop3A_283 : i32
        %parallel_loop3A_285 = arith.index_cast %parallel_loop3A_284 : i32 to index
        %parallel_loop3A_286 = arith.constant 80 : index
        %parallel_loop3A_287 = tpu.vector_load %arg4[%parallel_loop3A_285, %parallel_loop3A_286] {strides = array<i32>} : memref<64x512xf32, #tpu.memory_space<vmem>>, vector<1x16xf32>,
        %parallel_loop3A_288 = vector.shape_cast %parallel_loop3A_287 : vector<1x16xf32> to vector<16xf32>
        %parallel_loop3A_289 = arith.addf %parallel_loop3A_280, %parallel_loop3A_288 : vector<16xf32>
        %parallel_loop3A_290 = arith.constant 4 : i32
        %parallel_loop3A_291 = arith.muli %parallel_loop3A_290, %parallel_loop3A_84 : i32
        %parallel_loop3A_292 = arith.constant 2 : i32
        %parallel_loop3A_293 = arith.addi %parallel_loop3A_291, %parallel_loop3A_292 : i32
        %parallel_loop3A_294 = arith.index_cast %parallel_loop3A_293 : i32 to index
        %parallel_loop3A_295 = arith.constant 80 : index
        %parallel_loop3A_296 = tpu.vector_load %arg4[%parallel_loop3A_294, %parallel_loop3A_295] {strides = array<i32>} : memref<64x512xf32, #tpu.memory_space<vmem>>, vector<1x16xf32>,
        %parallel_loop3A_297 = vector.shape_cast %parallel_loop3A_296 : vector<1x16xf32> to vector<16xf32>
        %parallel_loop3A_298 = arith.constant 4 : i32
        %parallel_loop3A_299 = arith.muli %parallel_loop3A_298, %parallel_loop3A_84 : i32
        %parallel_loop3A_300 = arith.constant 3 : i32
        %parallel_loop3A_301 = arith.addi %parallel_loop3A_299, %parallel_loop3A_300 : i32
        %parallel_loop3A_302 = arith.index_cast %parallel_loop3A_301 : i32 to index
        %parallel_loop3A_303 = arith.constant 80 : index
        %parallel_loop3A_304 = tpu.vector_load %arg4[%parallel_loop3A_302, %parallel_loop3A_303] {strides = array<i32>} : memref<64x512xf32, #tpu.memory_space<vmem>>, vector<1x16xf32>,
        %parallel_loop3A_305 = vector.shape_cast %parallel_loop3A_304 : vector<1x16xf32> to vector<16xf32>
        %parallel_loop3A_306 = arith.addf %parallel_loop3A_297, %parallel_loop3A_305 : vector<16xf32>
        %parallel_loop3A_307 = arith.addf %parallel_loop3A_289, %parallel_loop3A_306 : vector<16xf32>
        %parallel_loop3A_308 = arith.index_cast %parallel_loop3A_84 : i32 to index
        %parallel_loop3A_309 = arith.constant 80 : index
        %parallel_loop3A_310 = tpu.vector_load %arg6[%parallel_loop3A_308, %parallel_loop3A_309] {strides = array<i32>} : memref<16x512xf32, #tpu.memory_space<vmem>>, vector<1x16xf32>,
        %parallel_loop3A_311 = vector.shape_cast %parallel_loop3A_310 : vector<1x16xf32> to vector<16xf32>
        %parallel_loop3A_312 = vector.shape_cast %parallel_loop3A_307 : vector<16xf32> to vector<1x16xf32>
        tpu.vector_store %arg6[%parallel_loop3A_308, %parallel_loop3A_309], %parallel_loop3A_312 {strides = array<i32>} : memref<16x512xf32, #tpu.memory_space<vmem>>, vector<1x16xf32>,
        %parallel_loop3A_313 = arith.constant 4 : i32
        %parallel_loop3A_314 = arith.muli %parallel_loop3A_313, %parallel_loop3A_84 : i32
        %parallel_loop3A_315 = arith.index_cast %parallel_loop3A_314 : i32 to index
        %parallel_loop3A_316 = arith.constant 96 : index
        %parallel_loop3A_317 = tpu.vector_load %arg4[%parallel_loop3A_315, %parallel_loop3A_316] {strides = array<i32>} : memref<64x512xf32, #tpu.memory_space<vmem>>, vector<1x16xf32>,
        %parallel_loop3A_318 = vector.shape_cast %parallel_loop3A_317 : vector<1x16xf32> to vector<16xf32>
        %parallel_loop3A_319 = arith.constant 4 : i32
        %parallel_loop3A_320 = arith.muli %parallel_loop3A_319, %parallel_loop3A_84 : i32
        %parallel_loop3A_321 = arith.constant 1 : i32
        %parallel_loop3A_322 = arith.addi %parallel_loop3A_320, %parallel_loop3A_321 : i32
        %parallel_loop3A_323 = arith.index_cast %parallel_loop3A_322 : i32 to index
        %parallel_loop3A_324 = arith.constant 96 : index
        %parallel_loop3A_325 = tpu.vector_load %arg4[%parallel_loop3A_323, %parallel_loop3A_324] {strides = array<i32>} : memref<64x512xf32, #tpu.memory_space<vmem>>, vector<1x16xf32>,
        %parallel_loop3A_326 = vector.shape_cast %parallel_loop3A_325 : vector<1x16xf32> to vector<16xf32>
        %parallel_loop3A_327 = arith.addf %parallel_loop3A_318, %parallel_loop3A_326 : vector<16xf32>
        %parallel_loop3A_328 = arith.constant 4 : i32
        %parallel_loop3A_329 = arith.muli %parallel_loop3A_328, %parallel_loop3A_84 : i32
        %parallel_loop3A_330 = arith.constant 2 : i32
        %parallel_loop3A_331 = arith.addi %parallel_loop3A_329, %parallel_loop3A_330 : i32
        %parallel_loop3A_332 = arith.index_cast %parallel_loop3A_331 : i32 to index
        %parallel_loop3A_333 = arith.constant 96 : index
        %parallel_loop3A_334 = tpu.vector_load %arg4[%parallel_loop3A_332, %parallel_loop3A_333] {strides = array<i32>} : memref<64x512xf32, #tpu.memory_space<vmem>>, vector<1x16xf32>,
        %parallel_loop3A_335 = vector.shape_cast %parallel_loop3A_334 : vector<1x16xf32> to vector<16xf32>
        %parallel_loop3A_336 = arith.constant 4 : i32
        %parallel_loop3A_337 = arith.muli %parallel_loop3A_336, %parallel_loop3A_84 : i32
        %parallel_loop3A_338 = arith.constant 3 : i32
        %parallel_loop3A_339 = arith.addi %parallel_loop3A_337, %parallel_loop3A_338 : i32
        %parallel_loop3A_340 = arith.index_cast %parallel_loop3A_339 : i32 to index
        %parallel_loop3A_341 = arith.constant 96 : index
        %parallel_loop3A_342 = tpu.vector_load %arg4[%parallel_loop3A_340, %parallel_loop3A_341] {strides = array<i32>} : memref<64x512xf32, #tpu.memory_space<vmem>>, vector<1x16xf32>,
        %parallel_loop3A_343 = vector.shape_cast %parallel_loop3A_342 : vector<1x16xf32> to vector<16xf32>
        %parallel_loop3A_344 = arith.addf %parallel_loop3A_335, %parallel_loop3A_343 : vector<16xf32>
        %parallel_loop3A_345 = arith.addf %parallel_loop3A_327, %parallel_loop3A_344 : vector<16xf32>
        %parallel_loop3A_346 = arith.index_cast %parallel_loop3A_84 : i32 to index
        %parallel_loop3A_347 = arith.constant 96 : index
        %parallel_loop3A_348 = tpu.vector_load %arg6[%parallel_loop3A_346, %parallel_loop3A_347] {strides = array<i32>} : memref<16x512xf32, #tpu.memory_space<vmem>>, vector<1x16xf32>,
        %parallel_loop3A_349 = vector.shape_cast %parallel_loop3A_348 : vector<1x16xf32> to vector<16xf32>
        %parallel_loop3A_350 = vector.shape_cast %parallel_loop3A_345 : vector<16xf32> to vector<1x16xf32>
        tpu.vector_store %arg6[%parallel_loop3A_346, %parallel_loop3A_347], %parallel_loop3A_350 {strides = array<i32>} : memref<16x512xf32, #tpu.memory_space<vmem>>, vector<1x16xf32>,
        %parallel_loop3A_351 = arith.constant 4 : i32
        %parallel_loop3A_352 = arith.muli %parallel_loop3A_351, %parallel_loop3A_84 : i32
        %parallel_loop3A_353 = arith.index_cast %parallel_loop3A_352 : i32 to index
        %parallel_loop3A_354 = arith.constant 112 : index
        %parallel_loop3A_355 = tpu.vector_load %arg4[%parallel_loop3A_353, %parallel_loop3A_354] {strides = array<i32>} : memref<64x512xf32, #tpu.memory_space<vmem>>, vector<1x16xf32>,
        %parallel_loop3A_356 = vector.shape_cast %parallel_loop3A_355 : vector<1x16xf32> to vector<16xf32>
        %parallel_loop3A_357 = arith.constant 4 : i32
        %parallel_loop3A_358 = arith.muli %parallel_loop3A_357, %parallel_loop3A_84 : i32
        %parallel_loop3A_359 = arith.constant 1 : i32
        %parallel_loop3A_360 = arith.addi %parallel_loop3A_358, %parallel_loop3A_359 : i32
        %parallel_loop3A_361 = arith.index_cast %parallel_loop3A_360 : i32 to index
        %parallel_loop3A_362 = arith.constant 112 : index
        %parallel_loop3A_363 = tpu.vector_load %arg4[%parallel_loop3A_361, %parallel_loop3A_362] {strides = array<i32>} : memref<64x512xf32, #tpu.memory_space<vmem>>, vector<1x16xf32>,
        %parallel_loop3A_364 = vector.shape_cast %parallel_loop3A_363 : vector<1x16xf32> to vector<16xf32>
        %parallel_loop3A_365 = arith.addf %parallel_loop3A_356, %parallel_loop3A_364 : vector<16xf32>
        %parallel_loop3A_366 = arith.constant 4 : i32
        %parallel_loop3A_367 = arith.muli %parallel_loop3A_366, %parallel_loop3A_84 : i32
        %parallel_loop3A_368 = arith.constant 2 : i32
        %parallel_loop3A_369 = arith.addi %parallel_loop3A_367, %parallel_loop3A_368 : i32
        %parallel_loop3A_370 = arith.index_cast %parallel_loop3A_369 : i32 to index
        %parallel_loop3A_371 = arith.constant 112 : index
        %parallel_loop3A_372 = tpu.vector_load %arg4[%parallel_loop3A_370, %parallel_loop3A_371] {strides = array<i32>} : memref<64x512xf32, #tpu.memory_space<vmem>>, vector<1x16xf32>,
        %parallel_loop3A_373 = vector.shape_cast %parallel_loop3A_372 : vector<1x16xf32> to vector<16xf32>
        %parallel_loop3A_374 = arith.constant 4 : i32
        %parallel_loop3A_375 = arith.muli %parallel_loop3A_374, %parallel_loop3A_84 : i32
        %parallel_loop3A_376 = arith.constant 3 : i32
        %parallel_loop3A_377 = arith.addi %parallel_loop3A_375, %parallel_loop3A_376 : i32
        %parallel_loop3A_378 = arith.index_cast %parallel_loop3A_377 : i32 to index
        %parallel_loop3A_379 = arith.constant 112 : index
        %parallel_loop3A_380 = tpu.vector_load %arg4[%parallel_loop3A_378, %parallel_loop3A_379] {strides = array<i32>} : memref<64x512xf32, #tpu.memory_space<vmem>>, vector<1x16xf32>,
        %parallel_loop3A_381 = vector.shape_cast %parallel_loop3A_380 : vector<1x16xf32> to vector<16xf32>
        %parallel_loop3A_382 = arith.addf %parallel_loop3A_373, %parallel_loop3A_381 : vector<16xf32>
        %parallel_loop3A_383 = arith.addf %parallel_loop3A_365, %parallel_loop3A_382 : vector<16xf32>
        %parallel_loop3A_384 = arith.index_cast %parallel_loop3A_84 : i32 to index
        %parallel_loop3A_385 = arith.constant 112 : index
        %parallel_loop3A_386 = tpu.vector_load %arg6[%parallel_loop3A_384, %parallel_loop3A_385] {strides = array<i32>} : memref<16x512xf32, #tpu.memory_space<vmem>>, vector<1x16xf32>,
        %parallel_loop3A_387 = vector.shape_cast %parallel_loop3A_386 : vector<1x16xf32> to vector<16xf32>
        %parallel_loop3A_388 = vector.shape_cast %parallel_loop3A_383 : vector<16xf32> to vector<1x16xf32>
        tpu.vector_store %arg6[%parallel_loop3A_384, %parallel_loop3A_385], %parallel_loop3A_388 {strides = array<i32>} : memref<16x512xf32, #tpu.memory_space<vmem>>, vector<1x16xf32>,
        %parallel_loop3A_389 = arith.constant 4 : i32
        %parallel_loop3A_390 = arith.muli %parallel_loop3A_389, %parallel_loop3A_84 : i32
        %parallel_loop3A_391 = arith.index_cast %parallel_loop3A_390 : i32 to index
        %parallel_loop3A_392 = arith.constant 128 : index
        %parallel_loop3A_393 = tpu.vector_load %arg4[%parallel_loop3A_391, %parallel_loop3A_392] {strides = array<i32>} : memref<64x512xf32, #tpu.memory_space<vmem>>, vector<1x16xf32>,
        %parallel_loop3A_394 = vector.shape_cast %parallel_loop3A_393 : vector<1x16xf32> to vector<16xf32>
        %parallel_loop3A_395 = arith.constant 4 : i32
        %parallel_loop3A_396 = arith.muli %parallel_loop3A_395, %parallel_loop3A_84 : i32
        %parallel_loop3A_397 = arith.constant 1 : i32
        %parallel_loop3A_398 = arith.addi %parallel_loop3A_396, %parallel_loop3A_397 : i32
        %parallel_loop3A_399 = arith.index_cast %parallel_loop3A_398 : i32 to index
        %parallel_loop3A_400 = arith.constant 128 : index
        %parallel_loop3A_401 = tpu.vector_load %arg4[%parallel_loop3A_399, %parallel_loop3A_400] {strides = array<i32>} : memref<64x512xf32, #tpu.memory_space<vmem>>, vector<1x16xf32>,
        %parallel_loop3A_402 = vector.shape_cast %parallel_loop3A_401 : vector<1x16xf32> to vector<16xf32>
        %parallel_loop3A_403 = arith.addf %parallel_loop3A_394, %parallel_loop3A_402 : vector<16xf32>
        %parallel_loop3A_404 = arith.constant 4 : i32
        %parallel_loop3A_405 = arith.muli %parallel_loop3A_404, %parallel_loop3A_84 : i32
        %parallel_loop3A_406 = arith.constant 2 : i32
        %parallel_loop3A_407 = arith.addi %parallel_loop3A_405, %parallel_loop3A_406 : i32
        %parallel_loop3A_408 = arith.index_cast %parallel_loop3A_407 : i32 to index
        %parallel_loop3A_409 = arith.constant 128 : index
        %parallel_loop3A_410 = tpu.vector_load %arg4[%parallel_loop3A_408, %parallel_loop3A_409] {strides = array<i32>} : memref<64x512xf32, #tpu.memory_space<vmem>>, vector<1x16xf32>,
        %parallel_loop3A_411 = vector.shape_cast %parallel_loop3A_410 : vector<1x16xf32> to vector<16xf32>
        %parallel_loop3A_412 = arith.constant 4 : i32
        %parallel_loop3A_413 = arith.muli %parallel_loop3A_412, %parallel_loop3A_84 : i32
        %parallel_loop3A_414 = arith.constant 3 : i32
        %parallel_loop3A_415 = arith.addi %parallel_loop3A_413, %parallel_loop3A_414 : i32
        %parallel_loop3A_416 = arith.index_cast %parallel_loop3A_415 : i32 to index
        %parallel_loop3A_417 = arith.constant 128 : index
        %parallel_loop3A_418 = tpu.vector_load %arg4[%parallel_loop3A_416, %parallel_loop3A_417] {strides = array<i32>} : memref<64x512xf32, #tpu.memory_space<vmem>>, vector<1x16xf32>,
        %parallel_loop3A_419 = vector.shape_cast %parallel_loop3A_418 : vector<1x16xf32> to vector<16xf32>
        %parallel_loop3A_420 = arith.addf %parallel_loop3A_411, %parallel_loop3A_419 : vector<16xf32>
        %parallel_loop3A_421 = arith.addf %parallel_loop3A_403, %parallel_loop3A_420 : vector<16xf32>
        %parallel_loop3A_422 = arith.index_cast %parallel_loop3A_84 : i32 to index
        %parallel_loop3A_423 = arith.constant 128 : index
        %parallel_loop3A_424 = tpu.vector_load %arg6[%parallel_loop3A_422, %parallel_loop3A_423] {strides = array<i32>} : memref<16x512xf32, #tpu.memory_space<vmem>>, vector<1x16xf32>,
        %parallel_loop3A_425 = vector.shape_cast %parallel_loop3A_424 : vector<1x16xf32> to vector<16xf32>
        %parallel_loop3A_426 = vector.shape_cast %parallel_loop3A_421 : vector<16xf32> to vector<1x16xf32>
        tpu.vector_store %arg6[%parallel_loop3A_422, %parallel_loop3A_423], %parallel_loop3A_426 {strides = array<i32>} : memref<16x512xf32, #tpu.memory_space<vmem>>, vector<1x16xf32>,
        %parallel_loop3A_427 = arith.constant 4 : i32
        %parallel_loop3A_428 = arith.muli %parallel_loop3A_427, %parallel_loop3A_84 : i32
        %parallel_loop3A_429 = arith.index_cast %parallel_loop3A_428 : i32 to index
        %parallel_loop3A_430 = arith.constant 144 : index
        %parallel_loop3A_431 = tpu.vector_load %arg4[%parallel_loop3A_429, %parallel_loop3A_430] {strides = array<i32>} : memref<64x512xf32, #tpu.memory_space<vmem>>, vector<1x16xf32>,
        %parallel_loop3A_432 = vector.shape_cast %parallel_loop3A_431 : vector<1x16xf32> to vector<16xf32>
        %parallel_loop3A_433 = arith.constant 4 : i32
        %parallel_loop3A_434 = arith.muli %parallel_loop3A_433, %parallel_loop3A_84 : i32
        %parallel_loop3A_435 = arith.constant 1 : i32
        %parallel_loop3A_436 = arith.addi %parallel_loop3A_434, %parallel_loop3A_435 : i32
        %parallel_loop3A_437 = arith.index_cast %parallel_loop3A_436 : i32 to index
        %parallel_loop3A_438 = arith.constant 144 : index
        %parallel_loop3A_439 = tpu.vector_load %arg4[%parallel_loop3A_437, %parallel_loop3A_438] {strides = array<i32>} : memref<64x512xf32, #tpu.memory_space<vmem>>, vector<1x16xf32>,
        %parallel_loop3A_440 = vector.shape_cast %parallel_loop3A_439 : vector<1x16xf32> to vector<16xf32>
        %parallel_loop3A_441 = arith.addf %parallel_loop3A_432, %parallel_loop3A_440 : vector<16xf32>
        %parallel_loop3A_442 = arith.constant 4 : i32
        %parallel_loop3A_443 = arith.muli %parallel_loop3A_442, %parallel_loop3A_84 : i32
        %parallel_loop3A_444 = arith.constant 2 : i32
        %parallel_loop3A_445 = arith.addi %parallel_loop3A_443, %parallel_loop3A_444 : i32
        %parallel_loop3A_446 = arith.index_cast %parallel_loop3A_445 : i32 to index
        %parallel_loop3A_447 = arith.constant 144 : index
        %parallel_loop3A_448 = tpu.vector_load %arg4[%parallel_loop3A_446, %parallel_loop3A_447] {strides = array<i32>} : memref<64x512xf32, #tpu.memory_space<vmem>>, vector<1x16xf32>,
        %parallel_loop3A_449 = vector.shape_cast %parallel_loop3A_448 : vector<1x16xf32> to vector<16xf32>
        %parallel_loop3A_450 = arith.constant 4 : i32
        %parallel_loop3A_451 = arith.muli %parallel_loop3A_450, %parallel_loop3A_84 : i32
        %parallel_loop3A_452 = arith.constant 3 : i32
        %parallel_loop3A_453 = arith.addi %parallel_loop3A_451, %parallel_loop3A_452 : i32
        %parallel_loop3A_454 = arith.index_cast %parallel_loop3A_453 : i32 to index
        %parallel_loop3A_455 = arith.constant 144 : index
        %parallel_loop3A_456 = tpu.vector_load %arg4[%parallel_loop3A_454, %parallel_loop3A_455] {strides = array<i32>} : memref<64x512xf32, #tpu.memory_space<vmem>>, vector<1x16xf32>,
        %parallel_loop3A_457 = vector.shape_cast %parallel_loop3A_456 : vector<1x16xf32> to vector<16xf32>
        %parallel_loop3A_458 = arith.addf %parallel_loop3A_449, %parallel_loop3A_457 : vector<16xf32>
        %parallel_loop3A_459 = arith.addf %parallel_loop3A_441, %parallel_loop3A_458 : vector<16xf32>
        %parallel_loop3A_460 = arith.index_cast %parallel_loop3A_84 : i32 to index
        %parallel_loop3A_461 = arith.constant 144 : index
        %parallel_loop3A_462 = tpu.vector_load %arg6[%parallel_loop3A_460, %parallel_loop3A_461] {strides = array<i32>} : memref<16x512xf32, #tpu.memory_space<vmem>>, vector<1x16xf32>,
        %parallel_loop3A_463 = vector.shape_cast %parallel_loop3A_462 : vector<1x16xf32> to vector<16xf32>
        %parallel_loop3A_464 = vector.shape_cast %parallel_loop3A_459 : vector<16xf32> to vector<1x16xf32>
        tpu.vector_store %arg6[%parallel_loop3A_460, %parallel_loop3A_461], %parallel_loop3A_464 {strides = array<i32>} : memref<16x512xf32, #tpu.memory_space<vmem>>, vector<1x16xf32>,
        %parallel_loop3A_465 = arith.constant 4 : i32
        %parallel_loop3A_466 = arith.muli %parallel_loop3A_465, %parallel_loop3A_84 : i32
        %parallel_loop3A_467 = arith.index_cast %parallel_loop3A_466 : i32 to index
        %parallel_loop3A_468 = arith.constant 160 : index
        %parallel_loop3A_469 = tpu.vector_load %arg4[%parallel_loop3A_467, %parallel_loop3A_468] {strides = array<i32>} : memref<64x512xf32, #tpu.memory_space<vmem>>, vector<1x16xf32>,
        %parallel_loop3A_470 = vector.shape_cast %parallel_loop3A_469 : vector<1x16xf32> to vector<16xf32>
        %parallel_loop3A_471 = arith.constant 4 : i32
        %parallel_loop3A_472 = arith.muli %parallel_loop3A_471, %parallel_loop3A_84 : i32
        %parallel_loop3A_473 = arith.constant 1 : i32
        %parallel_loop3A_474 = arith.addi %parallel_loop3A_472, %parallel_loop3A_473 : i32
        %parallel_loop3A_475 = arith.index_cast %parallel_loop3A_474 : i32 to index
        %parallel_loop3A_476 = arith.constant 160 : index
        %parallel_loop3A_477 = tpu.vector_load %arg4[%parallel_loop3A_475, %parallel_loop3A_476] {strides = array<i32>} : memref<64x512xf32, #tpu.memory_space<vmem>>, vector<1x16xf32>,
        %parallel_loop3A_478 = vector.shape_cast %parallel_loop3A_477 : vector<1x16xf32> to vector<16xf32>
        %parallel_loop3A_479 = arith.addf %parallel_loop3A_470, %parallel_loop3A_478 : vector<16xf32>
        %parallel_loop3A_480 = arith.constant 4 : i32
        %parallel_loop3A_481 = arith.muli %parallel_loop3A_480, %parallel_loop3A_84 : i32
        %parallel_loop3A_482 = arith.constant 2 : i32
        %parallel_loop3A_483 = arith.addi %parallel_loop3A_481, %parallel_loop3A_482 : i32
        %parallel_loop3A_484 = arith.index_cast %parallel_loop3A_483 : i32 to index
        %parallel_loop3A_485 = arith.constant 160 : index
        %parallel_loop3A_486 = tpu.vector_load %arg4[%parallel_loop3A_484, %parallel_loop3A_485] {strides = array<i32>} : memref<64x512xf32, #tpu.memory_space<vmem>>, vector<1x16xf32>,
        %parallel_loop3A_487 = vector.shape_cast %parallel_loop3A_486 : vector<1x16xf32> to vector<16xf32>
        %parallel_loop3A_488 = arith.constant 4 : i32
        %parallel_loop3A_489 = arith.muli %parallel_loop3A_488, %parallel_loop3A_84 : i32
        %parallel_loop3A_490 = arith.constant 3 : i32
        %parallel_loop3A_491 = arith.addi %parallel_loop3A_489, %parallel_loop3A_490 : i32
        %parallel_loop3A_492 = arith.index_cast %parallel_loop3A_491 : i32 to index
        %parallel_loop3A_493 = arith.constant 160 : index
        %parallel_loop3A_494 = tpu.vector_load %arg4[%parallel_loop3A_492, %parallel_loop3A_493] {strides = array<i32>} : memref<64x512xf32, #tpu.memory_space<vmem>>, vector<1x16xf32>,
        %parallel_loop3A_495 = vector.shape_cast %parallel_loop3A_494 : vector<1x16xf32> to vector<16xf32>
        %parallel_loop3A_496 = arith.addf %parallel_loop3A_487, %parallel_loop3A_495 : vector<16xf32>
        %parallel_loop3A_497 = arith.addf %parallel_loop3A_479, %parallel_loop3A_496 : vector<16xf32>
        %parallel_loop3A_498 = arith.index_cast %parallel_loop3A_84 : i32 to index
        %parallel_loop3A_499 = arith.constant 160 : index
        %parallel_loop3A_500 = tpu.vector_load %arg6[%parallel_loop3A_498, %parallel_loop3A_499] {strides = array<i32>} : memref<16x512xf32, #tpu.memory_space<vmem>>, vector<1x16xf32>,
        %parallel_loop3A_501 = vector.shape_cast %parallel_loop3A_500 : vector<1x16xf32> to vector<16xf32>
        %parallel_loop3A_502 = vector.shape_cast %parallel_loop3A_497 : vector<16xf32> to vector<1x16xf32>
        tpu.vector_store %arg6[%parallel_loop3A_498, %parallel_loop3A_499], %parallel_loop3A_502 {strides = array<i32>} : memref<16x512xf32, #tpu.memory_space<vmem>>, vector<1x16xf32>,
        %parallel_loop3A_503 = arith.constant 4 : i32
        %parallel_loop3A_504 = arith.muli %parallel_loop3A_503, %parallel_loop3A_84 : i32
        %parallel_loop3A_505 = arith.index_cast %parallel_loop3A_504 : i32 to index
        %parallel_loop3A_506 = arith.constant 176 : index
        %parallel_loop3A_507 = tpu.vector_load %arg4[%parallel_loop3A_505, %parallel_loop3A_506] {strides = array<i32>} : memref<64x512xf32, #tpu.memory_space<vmem>>, vector<1x16xf32>,
        %parallel_loop3A_508 = vector.shape_cast %parallel_loop3A_507 : vector<1x16xf32> to vector<16xf32>
        %parallel_loop3A_509 = arith.constant 4 : i32
        %parallel_loop3A_510 = arith.muli %parallel_loop3A_509, %parallel_loop3A_84 : i32
        %parallel_loop3A_511 = arith.constant 1 : i32
        %parallel_loop3A_512 = arith.addi %parallel_loop3A_510, %parallel_loop3A_511 : i32
        %parallel_loop3A_513 = arith.index_cast %parallel_loop3A_512 : i32 to index
        %parallel_loop3A_514 = arith.constant 176 : index
        %parallel_loop3A_515 = tpu.vector_load %arg4[%parallel_loop3A_513, %parallel_loop3A_514] {strides = array<i32>} : memref<64x512xf32, #tpu.memory_space<vmem>>, vector<1x16xf32>,
        %parallel_loop3A_516 = vector.shape_cast %parallel_loop3A_515 : vector<1x16xf32> to vector<16xf32>
        %parallel_loop3A_517 = arith.addf %parallel_loop3A_508, %parallel_loop3A_516 : vector<16xf32>
        %parallel_loop3A_518 = arith.constant 4 : i32
        %parallel_loop3A_519 = arith.muli %parallel_loop3A_518, %parallel_loop3A_84 : i32
        %parallel_loop3A_520 = arith.constant 2 : i32
        %parallel_loop3A_521 = arith.addi %parallel_loop3A_519, %parallel_loop3A_520 : i32
        %parallel_loop3A_522 = arith.index_cast %parallel_loop3A_521 : i32 to index
        %parallel_loop3A_523 = arith.constant 176 : index
        %parallel_loop3A_524 = tpu.vector_load %arg4[%parallel_loop3A_522, %parallel_loop3A_523] {strides = array<i32>} : memref<64x512xf32, #tpu.memory_space<vmem>>, vector<1x16xf32>,
        %parallel_loop3A_525 = vector.shape_cast %parallel_loop3A_524 : vector<1x16xf32> to vector<16xf32>
        %parallel_loop3A_526 = arith.constant 4 : i32
        %parallel_loop3A_527 = arith.muli %parallel_loop3A_526, %parallel_loop3A_84 : i32
        %parallel_loop3A_528 = arith.constant 3 : i32
        %parallel_loop3A_529 = arith.addi %parallel_loop3A_527, %parallel_loop3A_528 : i32
        %parallel_loop3A_530 = arith.index_cast %parallel_loop3A_529 : i32 to index
        %parallel_loop3A_531 = arith.constant 176 : index
        %parallel_loop3A_532 = tpu.vector_load %arg4[%parallel_loop3A_530, %parallel_loop3A_531] {strides = array<i32>} : memref<64x512xf32, #tpu.memory_space<vmem>>, vector<1x16xf32>,
        %parallel_loop3A_533 = vector.shape_cast %parallel_loop3A_532 : vector<1x16xf32> to vector<16xf32>
        %parallel_loop3A_534 = arith.addf %parallel_loop3A_525, %parallel_loop3A_533 : vector<16xf32>
        %parallel_loop3A_535 = arith.addf %parallel_loop3A_517, %parallel_loop3A_534 : vector<16xf32>
        %parallel_loop3A_536 = arith.index_cast %parallel_loop3A_84 : i32 to index
        %parallel_loop3A_537 = arith.constant 176 : index
        %parallel_loop3A_538 = tpu.vector_load %arg6[%parallel_loop3A_536, %parallel_loop3A_537] {strides = array<i32>} : memref<16x512xf32, #tpu.memory_space<vmem>>, vector<1x16xf32>,
        %parallel_loop3A_539 = vector.shape_cast %parallel_loop3A_538 : vector<1x16xf32> to vector<16xf32>
        %parallel_loop3A_540 = vector.shape_cast %parallel_loop3A_535 : vector<16xf32> to vector<1x16xf32>
        tpu.vector_store %arg6[%parallel_loop3A_536, %parallel_loop3A_537], %parallel_loop3A_540 {strides = array<i32>} : memref<16x512xf32, #tpu.memory_space<vmem>>, vector<1x16xf32>,
        %parallel_loop3A_541 = arith.constant 4 : i32
        %parallel_loop3A_542 = arith.muli %parallel_loop3A_541, %parallel_loop3A_84 : i32
        %parallel_loop3A_543 = arith.index_cast %parallel_loop3A_542 : i32 to index
        %parallel_loop3A_544 = arith.constant 192 : index
        %parallel_loop3A_545 = tpu.vector_load %arg4[%parallel_loop3A_543, %parallel_loop3A_544] {strides = array<i32>} : memref<64x512xf32, #tpu.memory_space<vmem>>, vector<1x16xf32>,
        %parallel_loop3A_546 = vector.shape_cast %parallel_loop3A_545 : vector<1x16xf32> to vector<16xf32>
        %parallel_loop3A_547 = arith.constant 4 : i32
        %parallel_loop3A_548 = arith.muli %parallel_loop3A_547, %parallel_loop3A_84 : i32
        %parallel_loop3A_549 = arith.constant 1 : i32
        %parallel_loop3A_550 = arith.addi %parallel_loop3A_548, %parallel_loop3A_549 : i32
        %parallel_loop3A_551 = arith.index_cast %parallel_loop3A_550 : i32 to index
        %parallel_loop3A_552 = arith.constant 192 : index
        %parallel_loop3A_553 = tpu.vector_load %arg4[%parallel_loop3A_551, %parallel_loop3A_552] {strides = array<i32>} : memref<64x512xf32, #tpu.memory_space<vmem>>, vector<1x16xf32>,
        %parallel_loop3A_554 = vector.shape_cast %parallel_loop3A_553 : vector<1x16xf32> to vector<16xf32>
        %parallel_loop3A_555 = arith.addf %parallel_loop3A_546, %parallel_loop3A_554 : vector<16xf32>
        %parallel_loop3A_556 = arith.constant 4 : i32
        %parallel_loop3A_557 = arith.muli %parallel_loop3A_556, %parallel_loop3A_84 : i32
        %parallel_loop3A_558 = arith.constant 2 : i32
        %parallel_loop3A_559 = arith.addi %parallel_loop3A_557, %parallel_loop3A_558 : i32
        %parallel_loop3A_560 = arith.index_cast %parallel_loop3A_559 : i32 to index
        %parallel_loop3A_561 = arith.constant 192 : index
        %parallel_loop3A_562 = tpu.vector_load %arg4[%parallel_loop3A_560, %parallel_loop3A_561] {strides = array<i32>} : memref<64x512xf32, #tpu.memory_space<vmem>>, vector<1x16xf32>,
        %parallel_loop3A_563 = vector.shape_cast %parallel_loop3A_562 : vector<1x16xf32> to vector<16xf32>
        %parallel_loop3A_564 = arith.constant 4 : i32
        %parallel_loop3A_565 = arith.muli %parallel_loop3A_564, %parallel_loop3A_84 : i32
        %parallel_loop3A_566 = arith.constant 3 : i32
        %parallel_loop3A_567 = arith.addi %parallel_loop3A_565, %parallel_loop3A_566 : i32
        %parallel_loop3A_568 = arith.index_cast %parallel_loop3A_567 : i32 to index
        %parallel_loop3A_569 = arith.constant 192 : index
        %parallel_loop3A_570 = tpu.vector_load %arg4[%parallel_loop3A_568, %parallel_loop3A_569] {strides = array<i32>} : memref<64x512xf32, #tpu.memory_space<vmem>>, vector<1x16xf32>,
        %parallel_loop3A_571 = vector.shape_cast %parallel_loop3A_570 : vector<1x16xf32> to vector<16xf32>
        %parallel_loop3A_572 = arith.addf %parallel_loop3A_563, %parallel_loop3A_571 : vector<16xf32>
        %parallel_loop3A_573 = arith.addf %parallel_loop3A_555, %parallel_loop3A_572 : vector<16xf32>
        %parallel_loop3A_574 = arith.index_cast %parallel_loop3A_84 : i32 to index
        %parallel_loop3A_575 = arith.constant 192 : index
        %parallel_loop3A_576 = tpu.vector_load %arg6[%parallel_loop3A_574, %parallel_loop3A_575] {strides = array<i32>} : memref<16x512xf32, #tpu.memory_space<vmem>>, vector<1x16xf32>,
        %parallel_loop3A_577 = vector.shape_cast %parallel_loop3A_576 : vector<1x16xf32> to vector<16xf32>
        %parallel_loop3A_578 = vector.shape_cast %parallel_loop3A_573 : vector<16xf32> to vector<1x16xf32>
        tpu.vector_store %arg6[%parallel_loop3A_574, %parallel_loop3A_575], %parallel_loop3A_578 {strides = array<i32>} : memref<16x512xf32, #tpu.memory_space<vmem>>, vector<1x16xf32>,
        %parallel_loop3A_579 = arith.constant 4 : i32
        %parallel_loop3A_580 = arith.muli %parallel_loop3A_579, %parallel_loop3A_84 : i32
        %parallel_loop3A_581 = arith.index_cast %parallel_loop3A_580 : i32 to index
        %parallel_loop3A_582 = arith.constant 208 : index
        %parallel_loop3A_583 = tpu.vector_load %arg4[%parallel_loop3A_581, %parallel_loop3A_582] {strides = array<i32>} : memref<64x512xf32, #tpu.memory_space<vmem>>, vector<1x16xf32>,
        %parallel_loop3A_584 = vector.shape_cast %parallel_loop3A_583 : vector<1x16xf32> to vector<16xf32>
        %parallel_loop3A_585 = arith.constant 4 : i32
        %parallel_loop3A_586 = arith.muli %parallel_loop3A_585, %parallel_loop3A_84 : i32
        %parallel_loop3A_587 = arith.constant 1 : i32
        %parallel_loop3A_588 = arith.addi %parallel_loop3A_586, %parallel_loop3A_587 : i32
        %parallel_loop3A_589 = arith.index_cast %parallel_loop3A_588 : i32 to index
        %parallel_loop3A_590 = arith.constant 208 : index
        %parallel_loop3A_591 = tpu.vector_load %arg4[%parallel_loop3A_589, %parallel_loop3A_590] {strides = array<i32>} : memref<64x512xf32, #tpu.memory_space<vmem>>, vector<1x16xf32>,
        %parallel_loop3A_592 = vector.shape_cast %parallel_loop3A_591 : vector<1x16xf32> to vector<16xf32>
        %parallel_loop3A_593 = arith.addf %parallel_loop3A_584, %parallel_loop3A_592 : vector<16xf32>
        %parallel_loop3A_594 = arith.constant 4 : i32
        %parallel_loop3A_595 = arith.muli %parallel_loop3A_594, %parallel_loop3A_84 : i32
        %parallel_loop3A_596 = arith.constant 2 : i32
        %parallel_loop3A_597 = arith.addi %parallel_loop3A_595, %parallel_loop3A_596 : i32
        %parallel_loop3A_598 = arith.index_cast %parallel_loop3A_597 : i32 to index
        %parallel_loop3A_599 = arith.constant 208 : index
        %parallel_loop3A_600 = tpu.vector_load %arg4[%parallel_loop3A_598, %parallel_loop3A_599] {strides = array<i32>} : memref<64x512xf32, #tpu.memory_space<vmem>>, vector<1x16xf32>,
        %parallel_loop3A_601 = vector.shape_cast %parallel_loop3A_600 : vector<1x16xf32> to vector<16xf32>
        %parallel_loop3A_602 = arith.constant 4 : i32
        %parallel_loop3A_603 = arith.muli %parallel_loop3A_602, %parallel_loop3A_84 : i32
        %parallel_loop3A_604 = arith.constant 3 : i32
        %parallel_loop3A_605 = arith.addi %parallel_loop3A_603, %parallel_loop3A_604 : i32
        %parallel_loop3A_606 = arith.index_cast %parallel_loop3A_605 : i32 to index
        %parallel_loop3A_607 = arith.constant 208 : index
        %parallel_loop3A_608 = tpu.vector_load %arg4[%parallel_loop3A_606, %parallel_loop3A_607] {strides = array<i32>} : memref<64x512xf32, #tpu.memory_space<vmem>>, vector<1x16xf32>,
        %parallel_loop3A_609 = vector.shape_cast %parallel_loop3A_608 : vector<1x16xf32> to vector<16xf32>
        %parallel_loop3A_610 = arith.addf %parallel_loop3A_601, %parallel_loop3A_609 : vector<16xf32>
        %parallel_loop3A_611 = arith.addf %parallel_loop3A_593, %parallel_loop3A_610 : vector<16xf32>
        %parallel_loop3A_612 = arith.index_cast %parallel_loop3A_84 : i32 to index
        %parallel_loop3A_613 = arith.constant 208 : index
        %parallel_loop3A_614 = tpu.vector_load %arg6[%parallel_loop3A_612, %parallel_loop3A_613] {strides = array<i32>} : memref<16x512xf32, #tpu.memory_space<vmem>>, vector<1x16xf32>,
        %parallel_loop3A_615 = vector.shape_cast %parallel_loop3A_614 : vector<1x16xf32> to vector<16xf32>
        %parallel_loop3A_616 = vector.shape_cast %parallel_loop3A_611 : vector<16xf32> to vector<1x16xf32>
        tpu.vector_store %arg6[%parallel_loop3A_612, %parallel_loop3A_613], %parallel_loop3A_616 {strides = array<i32>} : memref<16x512xf32, #tpu.memory_space<vmem>>, vector<1x16xf32>,
        %parallel_loop3A_617 = arith.constant 4 : i32
        %parallel_loop3A_618 = arith.muli %parallel_loop3A_617, %parallel_loop3A_84 : i32
        %parallel_loop3A_619 = arith.index_cast %parallel_loop3A_618 : i32 to index
        %parallel_loop3A_620 = arith.constant 224 : index
        %parallel_loop3A_621 = tpu.vector_load %arg4[%parallel_loop3A_619, %parallel_loop3A_620] {strides = array<i32>} : memref<64x512xf32, #tpu.memory_space<vmem>>, vector<1x16xf32>,
        %parallel_loop3A_622 = vector.shape_cast %parallel_loop3A_621 : vector<1x16xf32> to vector<16xf32>
        %parallel_loop3A_623 = arith.constant 4 : i32
        %parallel_loop3A_624 = arith.muli %parallel_loop3A_623, %parallel_loop3A_84 : i32
        %parallel_loop3A_625 = arith.constant 1 : i32
        %parallel_loop3A_626 = arith.addi %parallel_loop3A_624, %parallel_loop3A_625 : i32
        %parallel_loop3A_627 = arith.index_cast %parallel_loop3A_626 : i32 to index
        %parallel_loop3A_628 = arith.constant 224 : index
        %parallel_loop3A_629 = tpu.vector_load %arg4[%parallel_loop3A_627, %parallel_loop3A_628] {strides = array<i32>} : memref<64x512xf32, #tpu.memory_space<vmem>>, vector<1x16xf32>,
        %parallel_loop3A_630 = vector.shape_cast %parallel_loop3A_629 : vector<1x16xf32> to vector<16xf32>
        %parallel_loop3A_631 = arith.addf %parallel_loop3A_622, %parallel_loop3A_630 : vector<16xf32>
        %parallel_loop3A_632 = arith.constant 4 : i32
        %parallel_loop3A_633 = arith.muli %parallel_loop3A_632, %parallel_loop3A_84 : i32
        %parallel_loop3A_634 = arith.constant 2 : i32
        %parallel_loop3A_635 = arith.addi %parallel_loop3A_633, %parallel_loop3A_634 : i32
        %parallel_loop3A_636 = arith.index_cast %parallel_loop3A_635 : i32 to index
        %parallel_loop3A_637 = arith.constant 224 : index
        %parallel_loop3A_638 = tpu.vector_load %arg4[%parallel_loop3A_636, %parallel_loop3A_637] {strides = array<i32>} : memref<64x512xf32, #tpu.memory_space<vmem>>, vector<1x16xf32>,
        %parallel_loop3A_639 = vector.shape_cast %parallel_loop3A_638 : vector<1x16xf32> to vector<16xf32>
        %parallel_loop3A_640 = arith.constant 4 : i32
        %parallel_loop3A_641 = arith.muli %parallel_loop3A_640, %parallel_loop3A_84 : i32
        %parallel_loop3A_642 = arith.constant 3 : i32
        %parallel_loop3A_643 = arith.addi %parallel_loop3A_641, %parallel_loop3A_642 : i32
        %parallel_loop3A_644 = arith.index_cast %parallel_loop3A_643 : i32 to index
        %parallel_loop3A_645 = arith.constant 224 : index
        %parallel_loop3A_646 = tpu.vector_load %arg4[%parallel_loop3A_644, %parallel_loop3A_645] {strides = array<i32>} : memref<64x512xf32, #tpu.memory_space<vmem>>, vector<1x16xf32>,
        %parallel_loop3A_647 = vector.shape_cast %parallel_loop3A_646 : vector<1x16xf32> to vector<16xf32>
        %parallel_loop3A_648 = arith.addf %parallel_loop3A_639, %parallel_loop3A_647 : vector<16xf32>
        %parallel_loop3A_649 = arith.addf %parallel_loop3A_631, %parallel_loop3A_648 : vector<16xf32>
        %parallel_loop3A_650 = arith.index_cast %parallel_loop3A_84 : i32 to index
        %parallel_loop3A_651 = arith.constant 224 : index
        %parallel_loop3A_652 = tpu.vector_load %arg6[%parallel_loop3A_650, %parallel_loop3A_651] {strides = array<i32>} : memref<16x512xf32, #tpu.memory_space<vmem>>, vector<1x16xf32>,
        %parallel_loop3A_653 = vector.shape_cast %parallel_loop3A_652 : vector<1x16xf32> to vector<16xf32>
        %parallel_loop3A_654 = vector.shape_cast %parallel_loop3A_649 : vector<16xf32> to vector<1x16xf32>
        tpu.vector_store %arg6[%parallel_loop3A_650, %parallel_loop3A_651], %parallel_loop3A_654 {strides = array<i32>} : memref<16x512xf32, #tpu.memory_space<vmem>>, vector<1x16xf32>,
        %parallel_loop3A_655 = arith.constant 4 : i32
        %parallel_loop3A_656 = arith.muli %parallel_loop3A_655, %parallel_loop3A_84 : i32
        %parallel_loop3A_657 = arith.index_cast %parallel_loop3A_656 : i32 to index
        %parallel_loop3A_658 = arith.constant 240 : index
        %parallel_loop3A_659 = tpu.vector_load %arg4[%parallel_loop3A_657, %parallel_loop3A_658] {strides = array<i32>} : memref<64x512xf32, #tpu.memory_space<vmem>>, vector<1x16xf32>,
        %parallel_loop3A_660 = vector.shape_cast %parallel_loop3A_659 : vector<1x16xf32> to vector<16xf32>
        %parallel_loop3A_661 = arith.constant 4 : i32
        %parallel_loop3A_662 = arith.muli %parallel_loop3A_661, %parallel_loop3A_84 : i32
        %parallel_loop3A_663 = arith.constant 1 : i32
        %parallel_loop3A_664 = arith.addi %parallel_loop3A_662, %parallel_loop3A_663 : i32
        %parallel_loop3A_665 = arith.index_cast %parallel_loop3A_664 : i32 to index
        %parallel_loop3A_666 = arith.constant 240 : index
        %parallel_loop3A_667 = tpu.vector_load %arg4[%parallel_loop3A_665, %parallel_loop3A_666] {strides = array<i32>} : memref<64x512xf32, #tpu.memory_space<vmem>>, vector<1x16xf32>,
        %parallel_loop3A_668 = vector.shape_cast %parallel_loop3A_667 : vector<1x16xf32> to vector<16xf32>
        %parallel_loop3A_669 = arith.addf %parallel_loop3A_660, %parallel_loop3A_668 : vector<16xf32>
        %parallel_loop3A_670 = arith.constant 4 : i32
        %parallel_loop3A_671 = arith.muli %parallel_loop3A_670, %parallel_loop3A_84 : i32
        %parallel_loop3A_672 = arith.constant 2 : i32
        %parallel_loop3A_673 = arith.addi %parallel_loop3A_671, %parallel_loop3A_672 : i32
        %parallel_loop3A_674 = arith.index_cast %parallel_loop3A_673 : i32 to index
        %parallel_loop3A_675 = arith.constant 240 : index
        %parallel_loop3A_676 = tpu.vector_load %arg4[%parallel_loop3A_674, %parallel_loop3A_675] {strides = array<i32>} : memref<64x512xf32, #tpu.memory_space<vmem>>, vector<1x16xf32>,
        %parallel_loop3A_677 = vector.shape_cast %parallel_loop3A_676 : vector<1x16xf32> to vector<16xf32>
        %parallel_loop3A_678 = arith.constant 4 : i32
        %parallel_loop3A_679 = arith.muli %parallel_loop3A_678, %parallel_loop3A_84 : i32
        %parallel_loop3A_680 = arith.constant 3 : i32
        %parallel_loop3A_681 = arith.addi %parallel_loop3A_679, %parallel_loop3A_680 : i32
        %parallel_loop3A_682 = arith.index_cast %parallel_loop3A_681 : i32 to index
        %parallel_loop3A_683 = arith.constant 240 : index
        %parallel_loop3A_684 = tpu.vector_load %arg4[%parallel_loop3A_682, %parallel_loop3A_683] {strides = array<i32>} : memref<64x512xf32, #tpu.memory_space<vmem>>, vector<1x16xf32>,
        %parallel_loop3A_685 = vector.shape_cast %parallel_loop3A_684 : vector<1x16xf32> to vector<16xf32>
        %parallel_loop3A_686 = arith.addf %parallel_loop3A_677, %parallel_loop3A_685 : vector<16xf32>
        %parallel_loop3A_687 = arith.addf %parallel_loop3A_669, %parallel_loop3A_686 : vector<16xf32>
        %parallel_loop3A_688 = arith.index_cast %parallel_loop3A_84 : i32 to index
        %parallel_loop3A_689 = arith.constant 240 : index
        %parallel_loop3A_690 = tpu.vector_load %arg6[%parallel_loop3A_688, %parallel_loop3A_689] {strides = array<i32>} : memref<16x512xf32, #tpu.memory_space<vmem>>, vector<1x16xf32>,
        %parallel_loop3A_691 = vector.shape_cast %parallel_loop3A_690 : vector<1x16xf32> to vector<16xf32>
        %parallel_loop3A_692 = vector.shape_cast %parallel_loop3A_687 : vector<16xf32> to vector<1x16xf32>
        tpu.vector_store %arg6[%parallel_loop3A_688, %parallel_loop3A_689], %parallel_loop3A_692 {strides = array<i32>} : memref<16x512xf32, #tpu.memory_space<vmem>>, vector<1x16xf32>,
        %parallel_loop3A_693 = arith.constant 4 : i32
        %parallel_loop3A_694 = arith.muli %parallel_loop3A_693, %parallel_loop3A_84 : i32
        %parallel_loop3A_695 = arith.index_cast %parallel_loop3A_694 : i32 to index
        %parallel_loop3A_696 = arith.constant 256 : index
        %parallel_loop3A_697 = tpu.vector_load %arg4[%parallel_loop3A_695, %parallel_loop3A_696] {strides = array<i32>} : memref<64x512xf32, #tpu.memory_space<vmem>>, vector<1x16xf32>,
        %parallel_loop3A_698 = vector.shape_cast %parallel_loop3A_697 : vector<1x16xf32> to vector<16xf32>
        %parallel_loop3A_699 = arith.constant 4 : i32
        %parallel_loop3A_700 = arith.muli %parallel_loop3A_699, %parallel_loop3A_84 : i32
        %parallel_loop3A_701 = arith.constant 1 : i32
        %parallel_loop3A_702 = arith.addi %parallel_loop3A_700, %parallel_loop3A_701 : i32
        %parallel_loop3A_703 = arith.index_cast %parallel_loop3A_702 : i32 to index
        %parallel_loop3A_704 = arith.constant 256 : index
        %parallel_loop3A_705 = tpu.vector_load %arg4[%parallel_loop3A_703, %parallel_loop3A_704] {strides = array<i32>} : memref<64x512xf32, #tpu.memory_space<vmem>>, vector<1x16xf32>,
        %parallel_loop3A_706 = vector.shape_cast %parallel_loop3A_705 : vector<1x16xf32> to vector<16xf32>
        %parallel_loop3A_707 = arith.addf %parallel_loop3A_698, %parallel_loop3A_706 : vector<16xf32>
        %parallel_loop3A_708 = arith.constant 4 : i32
        %parallel_loop3A_709 = arith.muli %parallel_loop3A_708, %parallel_loop3A_84 : i32
        %parallel_loop3A_710 = arith.constant 2 : i32
        %parallel_loop3A_711 = arith.addi %parallel_loop3A_709, %parallel_loop3A_710 : i32
        %parallel_loop3A_712 = arith.index_cast %parallel_loop3A_711 : i32 to index
        %parallel_loop3A_713 = arith.constant 256 : index
        %parallel_loop3A_714 = tpu.vector_load %arg4[%parallel_loop3A_712, %parallel_loop3A_713] {strides = array<i32>} : memref<64x512xf32, #tpu.memory_space<vmem>>, vector<1x16xf32>,
        %parallel_loop3A_715 = vector.shape_cast %parallel_loop3A_714 : vector<1x16xf32> to vector<16xf32>
        %parallel_loop3A_716 = arith.constant 4 : i32
        %parallel_loop3A_717 = arith.muli %parallel_loop3A_716, %parallel_loop3A_84 : i32
        %parallel_loop3A_718 = arith.constant 3 : i32
        %parallel_loop3A_719 = arith.addi %parallel_loop3A_717, %parallel_loop3A_718 : i32
        %parallel_loop3A_720 = arith.index_cast %parallel_loop3A_719 : i32 to index
        %parallel_loop3A_721 = arith.constant 256 : index
        %parallel_loop3A_722 = tpu.vector_load %arg4[%parallel_loop3A_720, %parallel_loop3A_721] {strides = array<i32>} : memref<64x512xf32, #tpu.memory_space<vmem>>, vector<1x16xf32>,
        %parallel_loop3A_723 = vector.shape_cast %parallel_loop3A_722 : vector<1x16xf32> to vector<16xf32>
        %parallel_loop3A_724 = arith.addf %parallel_loop3A_715, %parallel_loop3A_723 : vector<16xf32>
        %parallel_loop3A_725 = arith.addf %parallel_loop3A_707, %parallel_loop3A_724 : vector<16xf32>
        %parallel_loop3A_726 = arith.index_cast %parallel_loop3A_84 : i32 to index
        %parallel_loop3A_727 = arith.constant 256 : index
        %parallel_loop3A_728 = tpu.vector_load %arg6[%parallel_loop3A_726, %parallel_loop3A_727] {strides = array<i32>} : memref<16x512xf32, #tpu.memory_space<vmem>>, vector<1x16xf32>,
        %parallel_loop3A_729 = vector.shape_cast %parallel_loop3A_728 : vector<1x16xf32> to vector<16xf32>
        %parallel_loop3A_730 = vector.shape_cast %parallel_loop3A_725 : vector<16xf32> to vector<1x16xf32>
        tpu.vector_store %arg6[%parallel_loop3A_726, %parallel_loop3A_727], %parallel_loop3A_730 {strides = array<i32>} : memref<16x512xf32, #tpu.memory_space<vmem>>, vector<1x16xf32>,
        %parallel_loop3A_731 = arith.constant 4 : i32
        %parallel_loop3A_732 = arith.muli %parallel_loop3A_731, %parallel_loop3A_84 : i32
        %parallel_loop3A_733 = arith.index_cast %parallel_loop3A_732 : i32 to index
        %parallel_loop3A_734 = arith.constant 272 : index
        %parallel_loop3A_735 = tpu.vector_load %arg4[%parallel_loop3A_733, %parallel_loop3A_734] {strides = array<i32>} : memref<64x512xf32, #tpu.memory_space<vmem>>, vector<1x16xf32>,
        %parallel_loop3A_736 = vector.shape_cast %parallel_loop3A_735 : vector<1x16xf32> to vector<16xf32>
        %parallel_loop3A_737 = arith.constant 4 : i32
        %parallel_loop3A_738 = arith.muli %parallel_loop3A_737, %parallel_loop3A_84 : i32
        %parallel_loop3A_739 = arith.constant 1 : i32
        %parallel_loop3A_740 = arith.addi %parallel_loop3A_738, %parallel_loop3A_739 : i32
        %parallel_loop3A_741 = arith.index_cast %parallel_loop3A_740 : i32 to index
        %parallel_loop3A_742 = arith.constant 272 : index
        %parallel_loop3A_743 = tpu.vector_load %arg4[%parallel_loop3A_741, %parallel_loop3A_742] {strides = array<i32>} : memref<64x512xf32, #tpu.memory_space<vmem>>, vector<1x16xf32>,
        %parallel_loop3A_744 = vector.shape_cast %parallel_loop3A_743 : vector<1x16xf32> to vector<16xf32>
        %parallel_loop3A_745 = arith.addf %parallel_loop3A_736, %parallel_loop3A_744 : vector<16xf32>
        %parallel_loop3A_746 = arith.constant 4 : i32
        %parallel_loop3A_747 = arith.muli %parallel_loop3A_746, %parallel_loop3A_84 : i32
        %parallel_loop3A_748 = arith.constant 2 : i32
        %parallel_loop3A_749 = arith.addi %parallel_loop3A_747, %parallel_loop3A_748 : i32
        %parallel_loop3A_750 = arith.index_cast %parallel_loop3A_749 : i32 to index
        %parallel_loop3A_751 = arith.constant 272 : index
        %parallel_loop3A_752 = tpu.vector_load %arg4[%parallel_loop3A_750, %parallel_loop3A_751] {strides = array<i32>} : memref<64x512xf32, #tpu.memory_space<vmem>>, vector<1x16xf32>,
        %parallel_loop3A_753 = vector.shape_cast %parallel_loop3A_752 : vector<1x16xf32> to vector<16xf32>
        %parallel_loop3A_754 = arith.constant 4 : i32
        %parallel_loop3A_755 = arith.muli %parallel_loop3A_754, %parallel_loop3A_84 : i32
        %parallel_loop3A_756 = arith.constant 3 : i32
        %parallel_loop3A_757 = arith.addi %parallel_loop3A_755, %parallel_loop3A_756 : i32
        %parallel_loop3A_758 = arith.index_cast %parallel_loop3A_757 : i32 to index
        %parallel_loop3A_759 = arith.constant 272 : index
        %parallel_loop3A_760 = tpu.vector_load %arg4[%parallel_loop3A_758, %parallel_loop3A_759] {strides = array<i32>} : memref<64x512xf32, #tpu.memory_space<vmem>>, vector<1x16xf32>,
        %parallel_loop3A_761 = vector.shape_cast %parallel_loop3A_760 : vector<1x16xf32> to vector<16xf32>
        %parallel_loop3A_762 = arith.addf %parallel_loop3A_753, %parallel_loop3A_761 : vector<16xf32>
        %parallel_loop3A_763 = arith.addf %parallel_loop3A_745, %parallel_loop3A_762 : vector<16xf32>
        %parallel_loop3A_764 = arith.index_cast %parallel_loop3A_84 : i32 to index
        %parallel_loop3A_765 = arith.constant 272 : index
        %parallel_loop3A_766 = tpu.vector_load %arg6[%parallel_loop3A_764, %parallel_loop3A_765] {strides = array<i32>} : memref<16x512xf32, #tpu.memory_space<vmem>>, vector<1x16xf32>,
        %parallel_loop3A_767 = vector.shape_cast %parallel_loop3A_766 : vector<1x16xf32> to vector<16xf32>
        %parallel_loop3A_768 = vector.shape_cast %parallel_loop3A_763 : vector<16xf32> to vector<1x16xf32>
        tpu.vector_store %arg6[%parallel_loop3A_764, %parallel_loop3A_765], %parallel_loop3A_768 {strides = array<i32>} : memref<16x512xf32, #tpu.memory_space<vmem>>, vector<1x16xf32>,
        %parallel_loop3A_769 = arith.constant 4 : i32
        %parallel_loop3A_770 = arith.muli %parallel_loop3A_769, %parallel_loop3A_84 : i32
        %parallel_loop3A_771 = arith.index_cast %parallel_loop3A_770 : i32 to index
        %parallel_loop3A_772 = arith.constant 288 : index
        %parallel_loop3A_773 = tpu.vector_load %arg4[%parallel_loop3A_771, %parallel_loop3A_772] {strides = array<i32>} : memref<64x512xf32, #tpu.memory_space<vmem>>, vector<1x16xf32>,
        %parallel_loop3A_774 = vector.shape_cast %parallel_loop3A_773 : vector<1x16xf32> to vector<16xf32>
        %parallel_loop3A_775 = arith.constant 4 : i32
        %parallel_loop3A_776 = arith.muli %parallel_loop3A_775, %parallel_loop3A_84 : i32
        %parallel_loop3A_777 = arith.constant 1 : i32
        %parallel_loop3A_778 = arith.addi %parallel_loop3A_776, %parallel_loop3A_777 : i32
        %parallel_loop3A_779 = arith.index_cast %parallel_loop3A_778 : i32 to index
        %parallel_loop3A_780 = arith.constant 288 : index
        %parallel_loop3A_781 = tpu.vector_load %arg4[%parallel_loop3A_779, %parallel_loop3A_780] {strides = array<i32>} : memref<64x512xf32, #tpu.memory_space<vmem>>, vector<1x16xf32>,
        %parallel_loop3A_782 = vector.shape_cast %parallel_loop3A_781 : vector<1x16xf32> to vector<16xf32>
        %parallel_loop3A_783 = arith.addf %parallel_loop3A_774, %parallel_loop3A_782 : vector<16xf32>
        %parallel_loop3A_784 = arith.constant 4 : i32
        %parallel_loop3A_785 = arith.muli %parallel_loop3A_784, %parallel_loop3A_84 : i32
        %parallel_loop3A_786 = arith.constant 2 : i32
        %parallel_loop3A_787 = arith.addi %parallel_loop3A_785, %parallel_loop3A_786 : i32
        %parallel_loop3A_788 = arith.index_cast %parallel_loop3A_787 : i32 to index
        %parallel_loop3A_789 = arith.constant 288 : index
        %parallel_loop3A_790 = tpu.vector_load %arg4[%parallel_loop3A_788, %parallel_loop3A_789] {strides = array<i32>} : memref<64x512xf32, #tpu.memory_space<vmem>>, vector<1x16xf32>,
        %parallel_loop3A_791 = vector.shape_cast %parallel_loop3A_790 : vector<1x16xf32> to vector<16xf32>
        %parallel_loop3A_792 = arith.constant 4 : i32
        %parallel_loop3A_793 = arith.muli %parallel_loop3A_792, %parallel_loop3A_84 : i32
        %parallel_loop3A_794 = arith.constant 3 : i32
        %parallel_loop3A_795 = arith.addi %parallel_loop3A_793, %parallel_loop3A_794 : i32
        %parallel_loop3A_796 = arith.index_cast %parallel_loop3A_795 : i32 to index
        %parallel_loop3A_797 = arith.constant 288 : index
        %parallel_loop3A_798 = tpu.vector_load %arg4[%parallel_loop3A_796, %parallel_loop3A_797] {strides = array<i32>} : memref<64x512xf32, #tpu.memory_space<vmem>>, vector<1x16xf32>,
        %parallel_loop3A_799 = vector.shape_cast %parallel_loop3A_798 : vector<1x16xf32> to vector<16xf32>
        %parallel_loop3A_800 = arith.addf %parallel_loop3A_791, %parallel_loop3A_799 : vector<16xf32>
        %parallel_loop3A_801 = arith.addf %parallel_loop3A_783, %parallel_loop3A_800 : vector<16xf32>
        %parallel_loop3A_802 = arith.index_cast %parallel_loop3A_84 : i32 to index
        %parallel_loop3A_803 = arith.constant 288 : index
        %parallel_loop3A_804 = tpu.vector_load %arg6[%parallel_loop3A_802, %parallel_loop3A_803] {strides = array<i32>} : memref<16x512xf32, #tpu.memory_space<vmem>>, vector<1x16xf32>,
        %parallel_loop3A_805 = vector.shape_cast %parallel_loop3A_804 : vector<1x16xf32> to vector<16xf32>
        %parallel_loop3A_806 = vector.shape_cast %parallel_loop3A_801 : vector<16xf32> to vector<1x16xf32>
        tpu.vector_store %arg6[%parallel_loop3A_802, %parallel_loop3A_803], %parallel_loop3A_806 {strides = array<i32>} : memref<16x512xf32, #tpu.memory_space<vmem>>, vector<1x16xf32>,
        %parallel_loop3A_807 = arith.constant 4 : i32
        %parallel_loop3A_808 = arith.muli %parallel_loop3A_807, %parallel_loop3A_84 : i32
        %parallel_loop3A_809 = arith.index_cast %parallel_loop3A_808 : i32 to index
        %parallel_loop3A_810 = arith.constant 304 : index
        %parallel_loop3A_811 = tpu.vector_load %arg4[%parallel_loop3A_809, %parallel_loop3A_810] {strides = array<i32>} : memref<64x512xf32, #tpu.memory_space<vmem>>, vector<1x16xf32>,
        %parallel_loop3A_812 = vector.shape_cast %parallel_loop3A_811 : vector<1x16xf32> to vector<16xf32>
        %parallel_loop3A_813 = arith.constant 4 : i32
        %parallel_loop3A_814 = arith.muli %parallel_loop3A_813, %parallel_loop3A_84 : i32
        %parallel_loop3A_815 = arith.constant 1 : i32
        %parallel_loop3A_816 = arith.addi %parallel_loop3A_814, %parallel_loop3A_815 : i32
        %parallel_loop3A_817 = arith.index_cast %parallel_loop3A_816 : i32 to index
        %parallel_loop3A_818 = arith.constant 304 : index
        %parallel_loop3A_819 = tpu.vector_load %arg4[%parallel_loop3A_817, %parallel_loop3A_818] {strides = array<i32>} : memref<64x512xf32, #tpu.memory_space<vmem>>, vector<1x16xf32>,
        %parallel_loop3A_820 = vector.shape_cast %parallel_loop3A_819 : vector<1x16xf32> to vector<16xf32>
        %parallel_loop3A_821 = arith.addf %parallel_loop3A_812, %parallel_loop3A_820 : vector<16xf32>
        %parallel_loop3A_822 = arith.constant 4 : i32
        %parallel_loop3A_823 = arith.muli %parallel_loop3A_822, %parallel_loop3A_84 : i32
        %parallel_loop3A_824 = arith.constant 2 : i32
        %parallel_loop3A_825 = arith.addi %parallel_loop3A_823, %parallel_loop3A_824 : i32
        %parallel_loop3A_826 = arith.index_cast %parallel_loop3A_825 : i32 to index
        %parallel_loop3A_827 = arith.constant 304 : index
        %parallel_loop3A_828 = tpu.vector_load %arg4[%parallel_loop3A_826, %parallel_loop3A_827] {strides = array<i32>} : memref<64x512xf32, #tpu.memory_space<vmem>>, vector<1x16xf32>,
        %parallel_loop3A_829 = vector.shape_cast %parallel_loop3A_828 : vector<1x16xf32> to vector<16xf32>
        %parallel_loop3A_830 = arith.constant 4 : i32
        %parallel_loop3A_831 = arith.muli %parallel_loop3A_830, %parallel_loop3A_84 : i32
        %parallel_loop3A_832 = arith.constant 3 : i32
        %parallel_loop3A_833 = arith.addi %parallel_loop3A_831, %parallel_loop3A_832 : i32
        %parallel_loop3A_834 = arith.index_cast %parallel_loop3A_833 : i32 to index
        %parallel_loop3A_835 = arith.constant 304 : index
        %parallel_loop3A_836 = tpu.vector_load %arg4[%parallel_loop3A_834, %parallel_loop3A_835] {strides = array<i32>} : memref<64x512xf32, #tpu.memory_space<vmem>>, vector<1x16xf32>,
        %parallel_loop3A_837 = vector.shape_cast %parallel_loop3A_836 : vector<1x16xf32> to vector<16xf32>
        %parallel_loop3A_838 = arith.addf %parallel_loop3A_829, %parallel_loop3A_837 : vector<16xf32>
        %parallel_loop3A_839 = arith.addf %parallel_loop3A_821, %parallel_loop3A_838 : vector<16xf32>
        %parallel_loop3A_840 = arith.index_cast %parallel_loop3A_84 : i32 to index
        %parallel_loop3A_841 = arith.constant 304 : index
        %parallel_loop3A_842 = tpu.vector_load %arg6[%parallel_loop3A_840, %parallel_loop3A_841] {strides = array<i32>} : memref<16x512xf32, #tpu.memory_space<vmem>>, vector<1x16xf32>,
        %parallel_loop3A_843 = vector.shape_cast %parallel_loop3A_842 : vector<1x16xf32> to vector<16xf32>
        %parallel_loop3A_844 = vector.shape_cast %parallel_loop3A_839 : vector<16xf32> to vector<1x16xf32>
        tpu.vector_store %arg6[%parallel_loop3A_840, %parallel_loop3A_841], %parallel_loop3A_844 {strides = array<i32>} : memref<16x512xf32, #tpu.memory_space<vmem>>, vector<1x16xf32>,
        %parallel_loop3A_845 = arith.constant 4 : i32
        %parallel_loop3A_846 = arith.muli %parallel_loop3A_845, %parallel_loop3A_84 : i32
        %parallel_loop3A_847 = arith.index_cast %parallel_loop3A_846 : i32 to index
        %parallel_loop3A_848 = arith.constant 320 : index
        %parallel_loop3A_849 = tpu.vector_load %arg4[%parallel_loop3A_847, %parallel_loop3A_848] {strides = array<i32>} : memref<64x512xf32, #tpu.memory_space<vmem>>, vector<1x16xf32>,
        %parallel_loop3A_850 = vector.shape_cast %parallel_loop3A_849 : vector<1x16xf32> to vector<16xf32>
        %parallel_loop3A_851 = arith.constant 4 : i32
        %parallel_loop3A_852 = arith.muli %parallel_loop3A_851, %parallel_loop3A_84 : i32
        %parallel_loop3A_853 = arith.constant 1 : i32
        %parallel_loop3A_854 = arith.addi %parallel_loop3A_852, %parallel_loop3A_853 : i32
        %parallel_loop3A_855 = arith.index_cast %parallel_loop3A_854 : i32 to index
        %parallel_loop3A_856 = arith.constant 320 : index
        %parallel_loop3A_857 = tpu.vector_load %arg4[%parallel_loop3A_855, %parallel_loop3A_856] {strides = array<i32>} : memref<64x512xf32, #tpu.memory_space<vmem>>, vector<1x16xf32>,
        %parallel_loop3A_858 = vector.shape_cast %parallel_loop3A_857 : vector<1x16xf32> to vector<16xf32>
        %parallel_loop3A_859 = arith.addf %parallel_loop3A_850, %parallel_loop3A_858 : vector<16xf32>
        %parallel_loop3A_860 = arith.constant 4 : i32
        %parallel_loop3A_861 = arith.muli %parallel_loop3A_860, %parallel_loop3A_84 : i32
        %parallel_loop3A_862 = arith.constant 2 : i32
        %parallel_loop3A_863 = arith.addi %parallel_loop3A_861, %parallel_loop3A_862 : i32
        %parallel_loop3A_864 = arith.index_cast %parallel_loop3A_863 : i32 to index
        %parallel_loop3A_865 = arith.constant 320 : index
        %parallel_loop3A_866 = tpu.vector_load %arg4[%parallel_loop3A_864, %parallel_loop3A_865] {strides = array<i32>} : memref<64x512xf32, #tpu.memory_space<vmem>>, vector<1x16xf32>,
        %parallel_loop3A_867 = vector.shape_cast %parallel_loop3A_866 : vector<1x16xf32> to vector<16xf32>
        %parallel_loop3A_868 = arith.constant 4 : i32
        %parallel_loop3A_869 = arith.muli %parallel_loop3A_868, %parallel_loop3A_84 : i32
        %parallel_loop3A_870 = arith.constant 3 : i32
        %parallel_loop3A_871 = arith.addi %parallel_loop3A_869, %parallel_loop3A_870 : i32
        %parallel_loop3A_872 = arith.index_cast %parallel_loop3A_871 : i32 to index
        %parallel_loop3A_873 = arith.constant 320 : index
        %parallel_loop3A_874 = tpu.vector_load %arg4[%parallel_loop3A_872, %parallel_loop3A_873] {strides = array<i32>} : memref<64x512xf32, #tpu.memory_space<vmem>>, vector<1x16xf32>,
        %parallel_loop3A_875 = vector.shape_cast %parallel_loop3A_874 : vector<1x16xf32> to vector<16xf32>
        %parallel_loop3A_876 = arith.addf %parallel_loop3A_867, %parallel_loop3A_875 : vector<16xf32>
        %parallel_loop3A_877 = arith.addf %parallel_loop3A_859, %parallel_loop3A_876 : vector<16xf32>
        %parallel_loop3A_878 = arith.index_cast %parallel_loop3A_84 : i32 to index
        %parallel_loop3A_879 = arith.constant 320 : index
        %parallel_loop3A_880 = tpu.vector_load %arg6[%parallel_loop3A_878, %parallel_loop3A_879] {strides = array<i32>} : memref<16x512xf32, #tpu.memory_space<vmem>>, vector<1x16xf32>,
        %parallel_loop3A_881 = vector.shape_cast %parallel_loop3A_880 : vector<1x16xf32> to vector<16xf32>
        %parallel_loop3A_882 = vector.shape_cast %parallel_loop3A_877 : vector<16xf32> to vector<1x16xf32>
        tpu.vector_store %arg6[%parallel_loop3A_878, %parallel_loop3A_879], %parallel_loop3A_882 {strides = array<i32>} : memref<16x512xf32, #tpu.memory_space<vmem>>, vector<1x16xf32>,
        %parallel_loop3A_883 = arith.constant 4 : i32
        %parallel_loop3A_884 = arith.muli %parallel_loop3A_883, %parallel_loop3A_84 : i32
        %parallel_loop3A_885 = arith.index_cast %parallel_loop3A_884 : i32 to index
        %parallel_loop3A_886 = arith.constant 336 : index
        %parallel_loop3A_887 = tpu.vector_load %arg4[%parallel_loop3A_885, %parallel_loop3A_886] {strides = array<i32>} : memref<64x512xf32, #tpu.memory_space<vmem>>, vector<1x16xf32>,
        %parallel_loop3A_888 = vector.shape_cast %parallel_loop3A_887 : vector<1x16xf32> to vector<16xf32>
        %parallel_loop3A_889 = arith.constant 4 : i32
        %parallel_loop3A_890 = arith.muli %parallel_loop3A_889, %parallel_loop3A_84 : i32
        %parallel_loop3A_891 = arith.constant 1 : i32
        %parallel_loop3A_892 = arith.addi %parallel_loop3A_890, %parallel_loop3A_891 : i32
        %parallel_loop3A_893 = arith.index_cast %parallel_loop3A_892 : i32 to index
        %parallel_loop3A_894 = arith.constant 336 : index
        %parallel_loop3A_895 = tpu.vector_load %arg4[%parallel_loop3A_893, %parallel_loop3A_894] {strides = array<i32>} : memref<64x512xf32, #tpu.memory_space<vmem>>, vector<1x16xf32>,
        %parallel_loop3A_896 = vector.shape_cast %parallel_loop3A_895 : vector<1x16xf32> to vector<16xf32>
        %parallel_loop3A_897 = arith.addf %parallel_loop3A_888, %parallel_loop3A_896 : vector<16xf32>
        %parallel_loop3A_898 = arith.constant 4 : i32
        %parallel_loop3A_899 = arith.muli %parallel_loop3A_898, %parallel_loop3A_84 : i32
        %parallel_loop3A_900 = arith.constant 2 : i32
        %parallel_loop3A_901 = arith.addi %parallel_loop3A_899, %parallel_loop3A_900 : i32
        %parallel_loop3A_902 = arith.index_cast %parallel_loop3A_901 : i32 to index
        %parallel_loop3A_903 = arith.constant 336 : index
        %parallel_loop3A_904 = tpu.vector_load %arg4[%parallel_loop3A_902, %parallel_loop3A_903] {strides = array<i32>} : memref<64x512xf32, #tpu.memory_space<vmem>>, vector<1x16xf32>,
        %parallel_loop3A_905 = vector.shape_cast %parallel_loop3A_904 : vector<1x16xf32> to vector<16xf32>
        %parallel_loop3A_906 = arith.constant 4 : i32
        %parallel_loop3A_907 = arith.muli %parallel_loop3A_906, %parallel_loop3A_84 : i32
        %parallel_loop3A_908 = arith.constant 3 : i32
        %parallel_loop3A_909 = arith.addi %parallel_loop3A_907, %parallel_loop3A_908 : i32
        %parallel_loop3A_910 = arith.index_cast %parallel_loop3A_909 : i32 to index
        %parallel_loop3A_911 = arith.constant 336 : index
        %parallel_loop3A_912 = tpu.vector_load %arg4[%parallel_loop3A_910, %parallel_loop3A_911] {strides = array<i32>} : memref<64x512xf32, #tpu.memory_space<vmem>>, vector<1x16xf32>,
        %parallel_loop3A_913 = vector.shape_cast %parallel_loop3A_912 : vector<1x16xf32> to vector<16xf32>
        %parallel_loop3A_914 = arith.addf %parallel_loop3A_905, %parallel_loop3A_913 : vector<16xf32>
        %parallel_loop3A_915 = arith.addf %parallel_loop3A_897, %parallel_loop3A_914 : vector<16xf32>
        %parallel_loop3A_916 = arith.index_cast %parallel_loop3A_84 : i32 to index
        %parallel_loop3A_917 = arith.constant 336 : index
        %parallel_loop3A_918 = tpu.vector_load %arg6[%parallel_loop3A_916, %parallel_loop3A_917] {strides = array<i32>} : memref<16x512xf32, #tpu.memory_space<vmem>>, vector<1x16xf32>,
        %parallel_loop3A_919 = vector.shape_cast %parallel_loop3A_918 : vector<1x16xf32> to vector<16xf32>
        %parallel_loop3A_920 = vector.shape_cast %parallel_loop3A_915 : vector<16xf32> to vector<1x16xf32>
        tpu.vector_store %arg6[%parallel_loop3A_916, %parallel_loop3A_917], %parallel_loop3A_920 {strides = array<i32>} : memref<16x512xf32, #tpu.memory_space<vmem>>, vector<1x16xf32>,
        %parallel_loop3A_921 = arith.constant 4 : i32
        %parallel_loop3A_922 = arith.muli %parallel_loop3A_921, %parallel_loop3A_84 : i32
        %parallel_loop3A_923 = arith.index_cast %parallel_loop3A_922 : i32 to index
        %parallel_loop3A_924 = arith.constant 352 : index
        %parallel_loop3A_925 = tpu.vector_load %arg4[%parallel_loop3A_923, %parallel_loop3A_924] {strides = array<i32>} : memref<64x512xf32, #tpu.memory_space<vmem>>, vector<1x16xf32>,
        %parallel_loop3A_926 = vector.shape_cast %parallel_loop3A_925 : vector<1x16xf32> to vector<16xf32>
        %parallel_loop3A_927 = arith.constant 4 : i32
        %parallel_loop3A_928 = arith.muli %parallel_loop3A_927, %parallel_loop3A_84 : i32
        %parallel_loop3A_929 = arith.constant 1 : i32
        %parallel_loop3A_930 = arith.addi %parallel_loop3A_928, %parallel_loop3A_929 : i32
        %parallel_loop3A_931 = arith.index_cast %parallel_loop3A_930 : i32 to index
        %parallel_loop3A_932 = arith.constant 352 : index
        %parallel_loop3A_933 = tpu.vector_load %arg4[%parallel_loop3A_931, %parallel_loop3A_932] {strides = array<i32>} : memref<64x512xf32, #tpu.memory_space<vmem>>, vector<1x16xf32>,
        %parallel_loop3A_934 = vector.shape_cast %parallel_loop3A_933 : vector<1x16xf32> to vector<16xf32>
        %parallel_loop3A_935 = arith.addf %parallel_loop3A_926, %parallel_loop3A_934 : vector<16xf32>
        %parallel_loop3A_936 = arith.constant 4 : i32
        %parallel_loop3A_937 = arith.muli %parallel_loop3A_936, %parallel_loop3A_84 : i32
        %parallel_loop3A_938 = arith.constant 2 : i32
        %parallel_loop3A_939 = arith.addi %parallel_loop3A_937, %parallel_loop3A_938 : i32
        %parallel_loop3A_940 = arith.index_cast %parallel_loop3A_939 : i32 to index
        %parallel_loop3A_941 = arith.constant 352 : index
        %parallel_loop3A_942 = tpu.vector_load %arg4[%parallel_loop3A_940, %parallel_loop3A_941] {strides = array<i32>} : memref<64x512xf32, #tpu.memory_space<vmem>>, vector<1x16xf32>,
        %parallel_loop3A_943 = vector.shape_cast %parallel_loop3A_942 : vector<1x16xf32> to vector<16xf32>
        %parallel_loop3A_944 = arith.constant 4 : i32
        %parallel_loop3A_945 = arith.muli %parallel_loop3A_944, %parallel_loop3A_84 : i32
        %parallel_loop3A_946 = arith.constant 3 : i32
        %parallel_loop3A_947 = arith.addi %parallel_loop3A_945, %parallel_loop3A_946 : i32
        %parallel_loop3A_948 = arith.index_cast %parallel_loop3A_947 : i32 to index
        %parallel_loop3A_949 = arith.constant 352 : index
        %parallel_loop3A_950 = tpu.vector_load %arg4[%parallel_loop3A_948, %parallel_loop3A_949] {strides = array<i32>} : memref<64x512xf32, #tpu.memory_space<vmem>>, vector<1x16xf32>,
        %parallel_loop3A_951 = vector.shape_cast %parallel_loop3A_950 : vector<1x16xf32> to vector<16xf32>
        %parallel_loop3A_952 = arith.addf %parallel_loop3A_943, %parallel_loop3A_951 : vector<16xf32>
        %parallel_loop3A_953 = arith.addf %parallel_loop3A_935, %parallel_loop3A_952 : vector<16xf32>
        %parallel_loop3A_954 = arith.index_cast %parallel_loop3A_84 : i32 to index
        %parallel_loop3A_955 = arith.constant 352 : index
        %parallel_loop3A_956 = tpu.vector_load %arg6[%parallel_loop3A_954, %parallel_loop3A_955] {strides = array<i32>} : memref<16x512xf32, #tpu.memory_space<vmem>>, vector<1x16xf32>,
        %parallel_loop3A_957 = vector.shape_cast %parallel_loop3A_956 : vector<1x16xf32> to vector<16xf32>
        %parallel_loop3A_958 = vector.shape_cast %parallel_loop3A_953 : vector<16xf32> to vector<1x16xf32>
        tpu.vector_store %arg6[%parallel_loop3A_954, %parallel_loop3A_955], %parallel_loop3A_958 {strides = array<i32>} : memref<16x512xf32, #tpu.memory_space<vmem>>, vector<1x16xf32>,
        %parallel_loop3A_959 = arith.constant 4 : i32
        %parallel_loop3A_960 = arith.muli %parallel_loop3A_959, %parallel_loop3A_84 : i32
        %parallel_loop3A_961 = arith.index_cast %parallel_loop3A_960 : i32 to index
        %parallel_loop3A_962 = arith.constant 368 : index
        %parallel_loop3A_963 = tpu.vector_load %arg4[%parallel_loop3A_961, %parallel_loop3A_962] {strides = array<i32>} : memref<64x512xf32, #tpu.memory_space<vmem>>, vector<1x16xf32>,
        %parallel_loop3A_964 = vector.shape_cast %parallel_loop3A_963 : vector<1x16xf32> to vector<16xf32>
        %parallel_loop3A_965 = arith.constant 4 : i32
        %parallel_loop3A_966 = arith.muli %parallel_loop3A_965, %parallel_loop3A_84 : i32
        %parallel_loop3A_967 = arith.constant 1 : i32
        %parallel_loop3A_968 = arith.addi %parallel_loop3A_966, %parallel_loop3A_967 : i32
        %parallel_loop3A_969 = arith.index_cast %parallel_loop3A_968 : i32 to index
        %parallel_loop3A_970 = arith.constant 368 : index
        %parallel_loop3A_971 = tpu.vector_load %arg4[%parallel_loop3A_969, %parallel_loop3A_970] {strides = array<i32>} : memref<64x512xf32, #tpu.memory_space<vmem>>, vector<1x16xf32>,
        %parallel_loop3A_972 = vector.shape_cast %parallel_loop3A_971 : vector<1x16xf32> to vector<16xf32>
        %parallel_loop3A_973 = arith.addf %parallel_loop3A_964, %parallel_loop3A_972 : vector<16xf32>
        %parallel_loop3A_974 = arith.constant 4 : i32
        %parallel_loop3A_975 = arith.muli %parallel_loop3A_974, %parallel_loop3A_84 : i32
        %parallel_loop3A_976 = arith.constant 2 : i32
        %parallel_loop3A_977 = arith.addi %parallel_loop3A_975, %parallel_loop3A_976 : i32
        %parallel_loop3A_978 = arith.index_cast %parallel_loop3A_977 : i32 to index
        %parallel_loop3A_979 = arith.constant 368 : index
        %parallel_loop3A_980 = tpu.vector_load %arg4[%parallel_loop3A_978, %parallel_loop3A_979] {strides = array<i32>} : memref<64x512xf32, #tpu.memory_space<vmem>>, vector<1x16xf32>,
        %parallel_loop3A_981 = vector.shape_cast %parallel_loop3A_980 : vector<1x16xf32> to vector<16xf32>
        %parallel_loop3A_982 = arith.constant 4 : i32
        %parallel_loop3A_983 = arith.muli %parallel_loop3A_982, %parallel_loop3A_84 : i32
        %parallel_loop3A_984 = arith.constant 3 : i32
        %parallel_loop3A_985 = arith.addi %parallel_loop3A_983, %parallel_loop3A_984 : i32
        %parallel_loop3A_986 = arith.index_cast %parallel_loop3A_985 : i32 to index
        %parallel_loop3A_987 = arith.constant 368 : index
        %parallel_loop3A_988 = tpu.vector_load %arg4[%parallel_loop3A_986, %parallel_loop3A_987] {strides = array<i32>} : memref<64x512xf32, #tpu.memory_space<vmem>>, vector<1x16xf32>,
        %parallel_loop3A_989 = vector.shape_cast %parallel_loop3A_988 : vector<1x16xf32> to vector<16xf32>
        %parallel_loop3A_990 = arith.addf %parallel_loop3A_981, %parallel_loop3A_989 : vector<16xf32>
        %parallel_loop3A_991 = arith.addf %parallel_loop3A_973, %parallel_loop3A_990 : vector<16xf32>
        %parallel_loop3A_992 = arith.index_cast %parallel_loop3A_84 : i32 to index
        %parallel_loop3A_993 = arith.constant 368 : index
        %parallel_loop3A_994 = tpu.vector_load %arg6[%parallel_loop3A_992, %parallel_loop3A_993] {strides = array<i32>} : memref<16x512xf32, #tpu.memory_space<vmem>>, vector<1x16xf32>,
        %parallel_loop3A_995 = vector.shape_cast %parallel_loop3A_994 : vector<1x16xf32> to vector<16xf32>
        %parallel_loop3A_996 = vector.shape_cast %parallel_loop3A_991 : vector<16xf32> to vector<1x16xf32>
        tpu.vector_store %arg6[%parallel_loop3A_992, %parallel_loop3A_993], %parallel_loop3A_996 {strides = array<i32>} : memref<16x512xf32, #tpu.memory_space<vmem>>, vector<1x16xf32>,
        %parallel_loop3A_997 = arith.constant 4 : i32
        %parallel_loop3A_998 = arith.muli %parallel_loop3A_997, %parallel_loop3A_84 : i32
        %parallel_loop3A_999 = arith.index_cast %parallel_loop3A_998 : i32 to index
        %parallel_loop3A_1000 = arith.constant 384 : index
        %parallel_loop3A_1001 = tpu.vector_load %arg4[%parallel_loop3A_999, %parallel_loop3A_1000] {strides = array<i32>} : memref<64x512xf32, #tpu.memory_space<vmem>>, vector<1x16xf32>,
        %parallel_loop3A_1002 = vector.shape_cast %parallel_loop3A_1001 : vector<1x16xf32> to vector<16xf32>
        %parallel_loop3A_1003 = arith.constant 4 : i32
        %parallel_loop3A_1004 = arith.muli %parallel_loop3A_1003, %parallel_loop3A_84 : i32
        %parallel_loop3A_1005 = arith.constant 1 : i32
        %parallel_loop3A_1006 = arith.addi %parallel_loop3A_1004, %parallel_loop3A_1005 : i32
        %parallel_loop3A_1007 = arith.index_cast %parallel_loop3A_1006 : i32 to index
        %parallel_loop3A_1008 = arith.constant 384 : index
        %parallel_loop3A_1009 = tpu.vector_load %arg4[%parallel_loop3A_1007, %parallel_loop3A_1008] {strides = array<i32>} : memref<64x512xf32, #tpu.memory_space<vmem>>, vector<1x16xf32>,
        %parallel_loop3A_1010 = vector.shape_cast %parallel_loop3A_1009 : vector<1x16xf32> to vector<16xf32>
        %parallel_loop3A_1011 = arith.addf %parallel_loop3A_1002, %parallel_loop3A_1010 : vector<16xf32>
        %parallel_loop3A_1012 = arith.constant 4 : i32
        %parallel_loop3A_1013 = arith.muli %parallel_loop3A_1012, %parallel_loop3A_84 : i32
        %parallel_loop3A_1014 = arith.constant 2 : i32
        %parallel_loop3A_1015 = arith.addi %parallel_loop3A_1013, %parallel_loop3A_1014 : i32
        %parallel_loop3A_1016 = arith.index_cast %parallel_loop3A_1015 : i32 to index
        %parallel_loop3A_1017 = arith.constant 384 : index
        %parallel_loop3A_1018 = tpu.vector_load %arg4[%parallel_loop3A_1016, %parallel_loop3A_1017] {strides = array<i32>} : memref<64x512xf32, #tpu.memory_space<vmem>>, vector<1x16xf32>,
        %parallel_loop3A_1019 = vector.shape_cast %parallel_loop3A_1018 : vector<1x16xf32> to vector<16xf32>
        %parallel_loop3A_1020 = arith.constant 4 : i32
        %parallel_loop3A_1021 = arith.muli %parallel_loop3A_1020, %parallel_loop3A_84 : i32
        %parallel_loop3A_1022 = arith.constant 3 : i32
        %parallel_loop3A_1023 = arith.addi %parallel_loop3A_1021, %parallel_loop3A_1022 : i32
        %parallel_loop3A_1024 = arith.index_cast %parallel_loop3A_1023 : i32 to index
        %parallel_loop3A_1025 = arith.constant 384 : index
        %parallel_loop3A_1026 = tpu.vector_load %arg4[%parallel_loop3A_1024, %parallel_loop3A_1025] {strides = array<i32>} : memref<64x512xf32, #tpu.memory_space<vmem>>, vector<1x16xf32>,
        %parallel_loop3A_1027 = vector.shape_cast %parallel_loop3A_1026 : vector<1x16xf32> to vector<16xf32>
        %parallel_loop3A_1028 = arith.addf %parallel_loop3A_1019, %parallel_loop3A_1027 : vector<16xf32>
        %parallel_loop3A_1029 = arith.addf %parallel_loop3A_1011, %parallel_loop3A_1028 : vector<16xf32>
        %parallel_loop3A_1030 = arith.index_cast %parallel_loop3A_84 : i32 to index
        %parallel_loop3A_1031 = arith.constant 384 : index
        %parallel_loop3A_1032 = tpu.vector_load %arg6[%parallel_loop3A_1030, %parallel_loop3A_1031] {strides = array<i32>} : memref<16x512xf32, #tpu.memory_space<vmem>>, vector<1x16xf32>,
        %parallel_loop3A_1033 = vector.shape_cast %parallel_loop3A_1032 : vector<1x16xf32> to vector<16xf32>
        %parallel_loop3A_1034 = vector.shape_cast %parallel_loop3A_1029 : vector<16xf32> to vector<1x16xf32>
        tpu.vector_store %arg6[%parallel_loop3A_1030, %parallel_loop3A_1031], %parallel_loop3A_1034 {strides = array<i32>} : memref<16x512xf32, #tpu.memory_space<vmem>>, vector<1x16xf32>,
        %parallel_loop3A_1035 = arith.constant 4 : i32
        %parallel_loop3A_1036 = arith.muli %parallel_loop3A_1035, %parallel_loop3A_84 : i32
        %parallel_loop3A_1037 = arith.index_cast %parallel_loop3A_1036 : i32 to index
        %parallel_loop3A_1038 = arith.constant 400 : index
        %parallel_loop3A_1039 = tpu.vector_load %arg4[%parallel_loop3A_1037, %parallel_loop3A_1038] {strides = array<i32>} : memref<64x512xf32, #tpu.memory_space<vmem>>, vector<1x16xf32>,
        %parallel_loop3A_1040 = vector.shape_cast %parallel_loop3A_1039 : vector<1x16xf32> to vector<16xf32>
        %parallel_loop3A_1041 = arith.constant 4 : i32
        %parallel_loop3A_1042 = arith.muli %parallel_loop3A_1041, %parallel_loop3A_84 : i32
        %parallel_loop3A_1043 = arith.constant 1 : i32
        %parallel_loop3A_1044 = arith.addi %parallel_loop3A_1042, %parallel_loop3A_1043 : i32
        %parallel_loop3A_1045 = arith.index_cast %parallel_loop3A_1044 : i32 to index
        %parallel_loop3A_1046 = arith.constant 400 : index
        %parallel_loop3A_1047 = tpu.vector_load %arg4[%parallel_loop3A_1045, %parallel_loop3A_1046] {strides = array<i32>} : memref<64x512xf32, #tpu.memory_space<vmem>>, vector<1x16xf32>,
        %parallel_loop3A_1048 = vector.shape_cast %parallel_loop3A_1047 : vector<1x16xf32> to vector<16xf32>
        %parallel_loop3A_1049 = arith.addf %parallel_loop3A_1040, %parallel_loop3A_1048 : vector<16xf32>
        %parallel_loop3A_1050 = arith.constant 4 : i32
        %parallel_loop3A_1051 = arith.muli %parallel_loop3A_1050, %parallel_loop3A_84 : i32
        %parallel_loop3A_1052 = arith.constant 2 : i32
        %parallel_loop3A_1053 = arith.addi %parallel_loop3A_1051, %parallel_loop3A_1052 : i32
        %parallel_loop3A_1054 = arith.index_cast %parallel_loop3A_1053 : i32 to index
        %parallel_loop3A_1055 = arith.constant 400 : index
        %parallel_loop3A_1056 = tpu.vector_load %arg4[%parallel_loop3A_1054, %parallel_loop3A_1055] {strides = array<i32>} : memref<64x512xf32, #tpu.memory_space<vmem>>, vector<1x16xf32>,
        %parallel_loop3A_1057 = vector.shape_cast %parallel_loop3A_1056 : vector<1x16xf32> to vector<16xf32>
        %parallel_loop3A_1058 = arith.constant 4 : i32
        %parallel_loop3A_1059 = arith.muli %parallel_loop3A_1058, %parallel_loop3A_84 : i32
        %parallel_loop3A_1060 = arith.constant 3 : i32
        %parallel_loop3A_1061 = arith.addi %parallel_loop3A_1059, %parallel_loop3A_1060 : i32
        %parallel_loop3A_1062 = arith.index_cast %parallel_loop3A_1061 : i32 to index
        %parallel_loop3A_1063 = arith.constant 400 : index
        %parallel_loop3A_1064 = tpu.vector_load %arg4[%parallel_loop3A_1062, %parallel_loop3A_1063] {strides = array<i32>} : memref<64x512xf32, #tpu.memory_space<vmem>>, vector<1x16xf32>,
        %parallel_loop3A_1065 = vector.shape_cast %parallel_loop3A_1064 : vector<1x16xf32> to vector<16xf32>
        %parallel_loop3A_1066 = arith.addf %parallel_loop3A_1057, %parallel_loop3A_1065 : vector<16xf32>
        %parallel_loop3A_1067 = arith.addf %parallel_loop3A_1049, %parallel_loop3A_1066 : vector<16xf32>
        %parallel_loop3A_1068 = arith.index_cast %parallel_loop3A_84 : i32 to index
        %parallel_loop3A_1069 = arith.constant 400 : index
        %parallel_loop3A_1070 = tpu.vector_load %arg6[%parallel_loop3A_1068, %parallel_loop3A_1069] {strides = array<i32>} : memref<16x512xf32, #tpu.memory_space<vmem>>, vector<1x16xf32>,
        %parallel_loop3A_1071 = vector.shape_cast %parallel_loop3A_1070 : vector<1x16xf32> to vector<16xf32>
        %parallel_loop3A_1072 = vector.shape_cast %parallel_loop3A_1067 : vector<16xf32> to vector<1x16xf32>
        tpu.vector_store %arg6[%parallel_loop3A_1068, %parallel_loop3A_1069], %parallel_loop3A_1072 {strides = array<i32>} : memref<16x512xf32, #tpu.memory_space<vmem>>, vector<1x16xf32>,
        %parallel_loop3A_1073 = arith.constant 4 : i32
        %parallel_loop3A_1074 = arith.muli %parallel_loop3A_1073, %parallel_loop3A_84 : i32
        %parallel_loop3A_1075 = arith.index_cast %parallel_loop3A_1074 : i32 to index
        %parallel_loop3A_1076 = arith.constant 416 : index
        %parallel_loop3A_1077 = tpu.vector_load %arg4[%parallel_loop3A_1075, %parallel_loop3A_1076] {strides = array<i32>} : memref<64x512xf32, #tpu.memory_space<vmem>>, vector<1x16xf32>,
        %parallel_loop3A_1078 = vector.shape_cast %parallel_loop3A_1077 : vector<1x16xf32> to vector<16xf32>
        %parallel_loop3A_1079 = arith.constant 4 : i32
        %parallel_loop3A_1080 = arith.muli %parallel_loop3A_1079, %parallel_loop3A_84 : i32
        %parallel_loop3A_1081 = arith.constant 1 : i32
        %parallel_loop3A_1082 = arith.addi %parallel_loop3A_1080, %parallel_loop3A_1081 : i32
        %parallel_loop3A_1083 = arith.index_cast %parallel_loop3A_1082 : i32 to index
        %parallel_loop3A_1084 = arith.constant 416 : index
        %parallel_loop3A_1085 = tpu.vector_load %arg4[%parallel_loop3A_1083, %parallel_loop3A_1084] {strides = array<i32>} : memref<64x512xf32, #tpu.memory_space<vmem>>, vector<1x16xf32>,
        %parallel_loop3A_1086 = vector.shape_cast %parallel_loop3A_1085 : vector<1x16xf32> to vector<16xf32>
        %parallel_loop3A_1087 = arith.addf %parallel_loop3A_1078, %parallel_loop3A_1086 : vector<16xf32>
        %parallel_loop3A_1088 = arith.constant 4 : i32
        %parallel_loop3A_1089 = arith.muli %parallel_loop3A_1088, %parallel_loop3A_84 : i32
        %parallel_loop3A_1090 = arith.constant 2 : i32
        %parallel_loop3A_1091 = arith.addi %parallel_loop3A_1089, %parallel_loop3A_1090 : i32
        %parallel_loop3A_1092 = arith.index_cast %parallel_loop3A_1091 : i32 to index
        %parallel_loop3A_1093 = arith.constant 416 : index
        %parallel_loop3A_1094 = tpu.vector_load %arg4[%parallel_loop3A_1092, %parallel_loop3A_1093] {strides = array<i32>} : memref<64x512xf32, #tpu.memory_space<vmem>>, vector<1x16xf32>,
        %parallel_loop3A_1095 = vector.shape_cast %parallel_loop3A_1094 : vector<1x16xf32> to vector<16xf32>
        %parallel_loop3A_1096 = arith.constant 4 : i32
        %parallel_loop3A_1097 = arith.muli %parallel_loop3A_1096, %parallel_loop3A_84 : i32
        %parallel_loop3A_1098 = arith.constant 3 : i32
        %parallel_loop3A_1099 = arith.addi %parallel_loop3A_1097, %parallel_loop3A_1098 : i32
        %parallel_loop3A_1100 = arith.index_cast %parallel_loop3A_1099 : i32 to index
        %parallel_loop3A_1101 = arith.constant 416 : index
        %parallel_loop3A_1102 = tpu.vector_load %arg4[%parallel_loop3A_1100, %parallel_loop3A_1101] {strides = array<i32>} : memref<64x512xf32, #tpu.memory_space<vmem>>, vector<1x16xf32>,
        %parallel_loop3A_1103 = vector.shape_cast %parallel_loop3A_1102 : vector<1x16xf32> to vector<16xf32>
        %parallel_loop3A_1104 = arith.addf %parallel_loop3A_1095, %parallel_loop3A_1103 : vector<16xf32>
        %parallel_loop3A_1105 = arith.addf %parallel_loop3A_1087, %parallel_loop3A_1104 : vector<16xf32>
        %parallel_loop3A_1106 = arith.index_cast %parallel_loop3A_84 : i32 to index
        %parallel_loop3A_1107 = arith.constant 416 : index
        %parallel_loop3A_1108 = tpu.vector_load %arg6[%parallel_loop3A_1106, %parallel_loop3A_1107] {strides = array<i32>} : memref<16x512xf32, #tpu.memory_space<vmem>>, vector<1x16xf32>,
        %parallel_loop3A_1109 = vector.shape_cast %parallel_loop3A_1108 : vector<1x16xf32> to vector<16xf32>
        %parallel_loop3A_1110 = vector.shape_cast %parallel_loop3A_1105 : vector<16xf32> to vector<1x16xf32>
        tpu.vector_store %arg6[%parallel_loop3A_1106, %parallel_loop3A_1107], %parallel_loop3A_1110 {strides = array<i32>} : memref<16x512xf32, #tpu.memory_space<vmem>>, vector<1x16xf32>,
        %parallel_loop3A_1111 = arith.constant 4 : i32
        %parallel_loop3A_1112 = arith.muli %parallel_loop3A_1111, %parallel_loop3A_84 : i32
        %parallel_loop3A_1113 = arith.index_cast %parallel_loop3A_1112 : i32 to index
        %parallel_loop3A_1114 = arith.constant 432 : index
        %parallel_loop3A_1115 = tpu.vector_load %arg4[%parallel_loop3A_1113, %parallel_loop3A_1114] {strides = array<i32>} : memref<64x512xf32, #tpu.memory_space<vmem>>, vector<1x16xf32>,
        %parallel_loop3A_1116 = vector.shape_cast %parallel_loop3A_1115 : vector<1x16xf32> to vector<16xf32>
        %parallel_loop3A_1117 = arith.constant 4 : i32
        %parallel_loop3A_1118 = arith.muli %parallel_loop3A_1117, %parallel_loop3A_84 : i32
        %parallel_loop3A_1119 = arith.constant 1 : i32
        %parallel_loop3A_1120 = arith.addi %parallel_loop3A_1118, %parallel_loop3A_1119 : i32
        %parallel_loop3A_1121 = arith.index_cast %parallel_loop3A_1120 : i32 to index
        %parallel_loop3A_1122 = arith.constant 432 : index
        %parallel_loop3A_1123 = tpu.vector_load %arg4[%parallel_loop3A_1121, %parallel_loop3A_1122] {strides = array<i32>} : memref<64x512xf32, #tpu.memory_space<vmem>>, vector<1x16xf32>,
        %parallel_loop3A_1124 = vector.shape_cast %parallel_loop3A_1123 : vector<1x16xf32> to vector<16xf32>
        %parallel_loop3A_1125 = arith.addf %parallel_loop3A_1116, %parallel_loop3A_1124 : vector<16xf32>
        %parallel_loop3A_1126 = arith.constant 4 : i32
        %parallel_loop3A_1127 = arith.muli %parallel_loop3A_1126, %parallel_loop3A_84 : i32
        %parallel_loop3A_1128 = arith.constant 2 : i32
        %parallel_loop3A_1129 = arith.addi %parallel_loop3A_1127, %parallel_loop3A_1128 : i32
        %parallel_loop3A_1130 = arith.index_cast %parallel_loop3A_1129 : i32 to index
        %parallel_loop3A_1131 = arith.constant 432 : index
        %parallel_loop3A_1132 = tpu.vector_load %arg4[%parallel_loop3A_1130, %parallel_loop3A_1131] {strides = array<i32>} : memref<64x512xf32, #tpu.memory_space<vmem>>, vector<1x16xf32>,
        %parallel_loop3A_1133 = vector.shape_cast %parallel_loop3A_1132 : vector<1x16xf32> to vector<16xf32>
        %parallel_loop3A_1134 = arith.constant 4 : i32
        %parallel_loop3A_1135 = arith.muli %parallel_loop3A_1134, %parallel_loop3A_84 : i32
        %parallel_loop3A_1136 = arith.constant 3 : i32
        %parallel_loop3A_1137 = arith.addi %parallel_loop3A_1135, %parallel_loop3A_1136 : i32
        %parallel_loop3A_1138 = arith.index_cast %parallel_loop3A_1137 : i32 to index
        %parallel_loop3A_1139 = arith.constant 432 : index
        %parallel_loop3A_1140 = tpu.vector_load %arg4[%parallel_loop3A_1138, %parallel_loop3A_1139] {strides = array<i32>} : memref<64x512xf32, #tpu.memory_space<vmem>>, vector<1x16xf32>,
        %parallel_loop3A_1141 = vector.shape_cast %parallel_loop3A_1140 : vector<1x16xf32> to vector<16xf32>
        %parallel_loop3A_1142 = arith.addf %parallel_loop3A_1133, %parallel_loop3A_1141 : vector<16xf32>
        %parallel_loop3A_1143 = arith.addf %parallel_loop3A_1125, %parallel_loop3A_1142 : vector<16xf32>
        %parallel_loop3A_1144 = arith.index_cast %parallel_loop3A_84 : i32 to index
        %parallel_loop3A_1145 = arith.constant 432 : index
        %parallel_loop3A_1146 = tpu.vector_load %arg6[%parallel_loop3A_1144, %parallel_loop3A_1145] {strides = array<i32>} : memref<16x512xf32, #tpu.memory_space<vmem>>, vector<1x16xf32>,
        %parallel_loop3A_1147 = vector.shape_cast %parallel_loop3A_1146 : vector<1x16xf32> to vector<16xf32>
        %parallel_loop3A_1148 = vector.shape_cast %parallel_loop3A_1143 : vector<16xf32> to vector<1x16xf32>
        tpu.vector_store %arg6[%parallel_loop3A_1144, %parallel_loop3A_1145], %parallel_loop3A_1148 {strides = array<i32>} : memref<16x512xf32, #tpu.memory_space<vmem>>, vector<1x16xf32>,
        %parallel_loop3A_1149 = arith.constant 4 : i32
        %parallel_loop3A_1150 = arith.muli %parallel_loop3A_1149, %parallel_loop3A_84 : i32
        %parallel_loop3A_1151 = arith.index_cast %parallel_loop3A_1150 : i32 to index
        %parallel_loop3A_1152 = arith.constant 448 : index
        %parallel_loop3A_1153 = tpu.vector_load %arg4[%parallel_loop3A_1151, %parallel_loop3A_1152] {strides = array<i32>} : memref<64x512xf32, #tpu.memory_space<vmem>>, vector<1x16xf32>,
        %parallel_loop3A_1154 = vector.shape_cast %parallel_loop3A_1153 : vector<1x16xf32> to vector<16xf32>
        %parallel_loop3A_1155 = arith.constant 4 : i32
        %parallel_loop3A_1156 = arith.muli %parallel_loop3A_1155, %parallel_loop3A_84 : i32
        %parallel_loop3A_1157 = arith.constant 1 : i32
        %parallel_loop3A_1158 = arith.addi %parallel_loop3A_1156, %parallel_loop3A_1157 : i32
        %parallel_loop3A_1159 = arith.index_cast %parallel_loop3A_1158 : i32 to index
        %parallel_loop3A_1160 = arith.constant 448 : index
        %parallel_loop3A_1161 = tpu.vector_load %arg4[%parallel_loop3A_1159, %parallel_loop3A_1160] {strides = array<i32>} : memref<64x512xf32, #tpu.memory_space<vmem>>, vector<1x16xf32>,
        %parallel_loop3A_1162 = vector.shape_cast %parallel_loop3A_1161 : vector<1x16xf32> to vector<16xf32>
        %parallel_loop3A_1163 = arith.addf %parallel_loop3A_1154, %parallel_loop3A_1162 : vector<16xf32>
        %parallel_loop3A_1164 = arith.constant 4 : i32
        %parallel_loop3A_1165 = arith.muli %parallel_loop3A_1164, %parallel_loop3A_84 : i32
        %parallel_loop3A_1166 = arith.constant 2 : i32
        %parallel_loop3A_1167 = arith.addi %parallel_loop3A_1165, %parallel_loop3A_1166 : i32
        %parallel_loop3A_1168 = arith.index_cast %parallel_loop3A_1167 : i32 to index
        %parallel_loop3A_1169 = arith.constant 448 : index
        %parallel_loop3A_1170 = tpu.vector_load %arg4[%parallel_loop3A_1168, %parallel_loop3A_1169] {strides = array<i32>} : memref<64x512xf32, #tpu.memory_space<vmem>>, vector<1x16xf32>,
        %parallel_loop3A_1171 = vector.shape_cast %parallel_loop3A_1170 : vector<1x16xf32> to vector<16xf32>
        %parallel_loop3A_1172 = arith.constant 4 : i32
        %parallel_loop3A_1173 = arith.muli %parallel_loop3A_1172, %parallel_loop3A_84 : i32
        %parallel_loop3A_1174 = arith.constant 3 : i32
        %parallel_loop3A_1175 = arith.addi %parallel_loop3A_1173, %parallel_loop3A_1174 : i32
        %parallel_loop3A_1176 = arith.index_cast %parallel_loop3A_1175 : i32 to index
        %parallel_loop3A_1177 = arith.constant 448 : index
        %parallel_loop3A_1178 = tpu.vector_load %arg4[%parallel_loop3A_1176, %parallel_loop3A_1177] {strides = array<i32>} : memref<64x512xf32, #tpu.memory_space<vmem>>, vector<1x16xf32>,
        %parallel_loop3A_1179 = vector.shape_cast %parallel_loop3A_1178 : vector<1x16xf32> to vector<16xf32>
        %parallel_loop3A_1180 = arith.addf %parallel_loop3A_1171, %parallel_loop3A_1179 : vector<16xf32>
        %parallel_loop3A_1181 = arith.addf %parallel_loop3A_1163, %parallel_loop3A_1180 : vector<16xf32>
        %parallel_loop3A_1182 = arith.index_cast %parallel_loop3A_84 : i32 to index
        %parallel_loop3A_1183 = arith.constant 448 : index
        %parallel_loop3A_1184 = tpu.vector_load %arg6[%parallel_loop3A_1182, %parallel_loop3A_1183] {strides = array<i32>} : memref<16x512xf32, #tpu.memory_space<vmem>>, vector<1x16xf32>,
        %parallel_loop3A_1185 = vector.shape_cast %parallel_loop3A_1184 : vector<1x16xf32> to vector<16xf32>
        %parallel_loop3A_1186 = vector.shape_cast %parallel_loop3A_1181 : vector<16xf32> to vector<1x16xf32>
        tpu.vector_store %arg6[%parallel_loop3A_1182, %parallel_loop3A_1183], %parallel_loop3A_1186 {strides = array<i32>} : memref<16x512xf32, #tpu.memory_space<vmem>>, vector<1x16xf32>,
        %parallel_loop3A_1187 = arith.constant 4 : i32
        %parallel_loop3A_1188 = arith.muli %parallel_loop3A_1187, %parallel_loop3A_84 : i32
        %parallel_loop3A_1189 = arith.index_cast %parallel_loop3A_1188 : i32 to index
        %parallel_loop3A_1190 = arith.constant 464 : index
        %parallel_loop3A_1191 = tpu.vector_load %arg4[%parallel_loop3A_1189, %parallel_loop3A_1190] {strides = array<i32>} : memref<64x512xf32, #tpu.memory_space<vmem>>, vector<1x16xf32>,
        %parallel_loop3A_1192 = vector.shape_cast %parallel_loop3A_1191 : vector<1x16xf32> to vector<16xf32>
        %parallel_loop3A_1193 = arith.constant 4 : i32
        %parallel_loop3A_1194 = arith.muli %parallel_loop3A_1193, %parallel_loop3A_84 : i32
        %parallel_loop3A_1195 = arith.constant 1 : i32
        %parallel_loop3A_1196 = arith.addi %parallel_loop3A_1194, %parallel_loop3A_1195 : i32
        %parallel_loop3A_1197 = arith.index_cast %parallel_loop3A_1196 : i32 to index
        %parallel_loop3A_1198 = arith.constant 464 : index
        %parallel_loop3A_1199 = tpu.vector_load %arg4[%parallel_loop3A_1197, %parallel_loop3A_1198] {strides = array<i32>} : memref<64x512xf32, #tpu.memory_space<vmem>>, vector<1x16xf32>,
        %parallel_loop3A_1200 = vector.shape_cast %parallel_loop3A_1199 : vector<1x16xf32> to vector<16xf32>
        %parallel_loop3A_1201 = arith.addf %parallel_loop3A_1192, %parallel_loop3A_1200 : vector<16xf32>
        %parallel_loop3A_1202 = arith.constant 4 : i32
        %parallel_loop3A_1203 = arith.muli %parallel_loop3A_1202, %parallel_loop3A_84 : i32
        %parallel_loop3A_1204 = arith.constant 2 : i32
        %parallel_loop3A_1205 = arith.addi %parallel_loop3A_1203, %parallel_loop3A_1204 : i32
        %parallel_loop3A_1206 = arith.index_cast %parallel_loop3A_1205 : i32 to index
        %parallel_loop3A_1207 = arith.constant 464 : index
        %parallel_loop3A_1208 = tpu.vector_load %arg4[%parallel_loop3A_1206, %parallel_loop3A_1207] {strides = array<i32>} : memref<64x512xf32, #tpu.memory_space<vmem>>, vector<1x16xf32>,
        %parallel_loop3A_1209 = vector.shape_cast %parallel_loop3A_1208 : vector<1x16xf32> to vector<16xf32>
        %parallel_loop3A_1210 = arith.constant 4 : i32
        %parallel_loop3A_1211 = arith.muli %parallel_loop3A_1210, %parallel_loop3A_84 : i32
        %parallel_loop3A_1212 = arith.constant 3 : i32
        %parallel_loop3A_1213 = arith.addi %parallel_loop3A_1211, %parallel_loop3A_1212 : i32
        %parallel_loop3A_1214 = arith.index_cast %parallel_loop3A_1213 : i32 to index
        %parallel_loop3A_1215 = arith.constant 464 : index
        %parallel_loop3A_1216 = tpu.vector_load %arg4[%parallel_loop3A_1214, %parallel_loop3A_1215] {strides = array<i32>} : memref<64x512xf32, #tpu.memory_space<vmem>>, vector<1x16xf32>,
        %parallel_loop3A_1217 = vector.shape_cast %parallel_loop3A_1216 : vector<1x16xf32> to vector<16xf32>
        %parallel_loop3A_1218 = arith.addf %parallel_loop3A_1209, %parallel_loop3A_1217 : vector<16xf32>
        %parallel_loop3A_1219 = arith.addf %parallel_loop3A_1201, %parallel_loop3A_1218 : vector<16xf32>
        %parallel_loop3A_1220 = arith.index_cast %parallel_loop3A_84 : i32 to index
        %parallel_loop3A_1221 = arith.constant 464 : index
        %parallel_loop3A_1222 = tpu.vector_load %arg6[%parallel_loop3A_1220, %parallel_loop3A_1221] {strides = array<i32>} : memref<16x512xf32, #tpu.memory_space<vmem>>, vector<1x16xf32>,
        %parallel_loop3A_1223 = vector.shape_cast %parallel_loop3A_1222 : vector<1x16xf32> to vector<16xf32>
        %parallel_loop3A_1224 = vector.shape_cast %parallel_loop3A_1219 : vector<16xf32> to vector<1x16xf32>
        tpu.vector_store %arg6[%parallel_loop3A_1220, %parallel_loop3A_1221], %parallel_loop3A_1224 {strides = array<i32>} : memref<16x512xf32, #tpu.memory_space<vmem>>, vector<1x16xf32>,
        %parallel_loop3A_1225 = arith.constant 4 : i32
        %parallel_loop3A_1226 = arith.muli %parallel_loop3A_1225, %parallel_loop3A_84 : i32
        %parallel_loop3A_1227 = arith.index_cast %parallel_loop3A_1226 : i32 to index
        %parallel_loop3A_1228 = arith.constant 480 : index
        %parallel_loop3A_1229 = tpu.vector_load %arg4[%parallel_loop3A_1227, %parallel_loop3A_1228] {strides = array<i32>} : memref<64x512xf32, #tpu.memory_space<vmem>>, vector<1x16xf32>,
        %parallel_loop3A_1230 = vector.shape_cast %parallel_loop3A_1229 : vector<1x16xf32> to vector<16xf32>
        %parallel_loop3A_1231 = arith.constant 4 : i32
        %parallel_loop3A_1232 = arith.muli %parallel_loop3A_1231, %parallel_loop3A_84 : i32
        %parallel_loop3A_1233 = arith.constant 1 : i32
        %parallel_loop3A_1234 = arith.addi %parallel_loop3A_1232, %parallel_loop3A_1233 : i32
        %parallel_loop3A_1235 = arith.index_cast %parallel_loop3A_1234 : i32 to index
        %parallel_loop3A_1236 = arith.constant 480 : index
        %parallel_loop3A_1237 = tpu.vector_load %arg4[%parallel_loop3A_1235, %parallel_loop3A_1236] {strides = array<i32>} : memref<64x512xf32, #tpu.memory_space<vmem>>, vector<1x16xf32>,
        %parallel_loop3A_1238 = vector.shape_cast %parallel_loop3A_1237 : vector<1x16xf32> to vector<16xf32>
        %parallel_loop3A_1239 = arith.addf %parallel_loop3A_1230, %parallel_loop3A_1238 : vector<16xf32>
        %parallel_loop3A_1240 = arith.constant 4 : i32
        %parallel_loop3A_1241 = arith.muli %parallel_loop3A_1240, %parallel_loop3A_84 : i32
        %parallel_loop3A_1242 = arith.constant 2 : i32
        %parallel_loop3A_1243 = arith.addi %parallel_loop3A_1241, %parallel_loop3A_1242 : i32
        %parallel_loop3A_1244 = arith.index_cast %parallel_loop3A_1243 : i32 to index
        %parallel_loop3A_1245 = arith.constant 480 : index
        %parallel_loop3A_1246 = tpu.vector_load %arg4[%parallel_loop3A_1244, %parallel_loop3A_1245] {strides = array<i32>} : memref<64x512xf32, #tpu.memory_space<vmem>>, vector<1x16xf32>,
        %parallel_loop3A_1247 = vector.shape_cast %parallel_loop3A_1246 : vector<1x16xf32> to vector<16xf32>
        %parallel_loop3A_1248 = arith.constant 4 : i32
        %parallel_loop3A_1249 = arith.muli %parallel_loop3A_1248, %parallel_loop3A_84 : i32
        %parallel_loop3A_1250 = arith.constant 3 : i32
        %parallel_loop3A_1251 = arith.addi %parallel_loop3A_1249, %parallel_loop3A_1250 : i32
        %parallel_loop3A_1252 = arith.index_cast %parallel_loop3A_1251 : i32 to index
        %parallel_loop3A_1253 = arith.constant 480 : index
        %parallel_loop3A_1254 = tpu.vector_load %arg4[%parallel_loop3A_1252, %parallel_loop3A_1253] {strides = array<i32>} : memref<64x512xf32, #tpu.memory_space<vmem>>, vector<1x16xf32>,
        %parallel_loop3A_1255 = vector.shape_cast %parallel_loop3A_1254 : vector<1x16xf32> to vector<16xf32>
        %parallel_loop3A_1256 = arith.addf %parallel_loop3A_1247, %parallel_loop3A_1255 : vector<16xf32>
        %parallel_loop3A_1257 = arith.addf %parallel_loop3A_1239, %parallel_loop3A_1256 : vector<16xf32>
        %parallel_loop3A_1258 = arith.index_cast %parallel_loop3A_84 : i32 to index
        %parallel_loop3A_1259 = arith.constant 480 : index
        %parallel_loop3A_1260 = tpu.vector_load %arg6[%parallel_loop3A_1258, %parallel_loop3A_1259] {strides = array<i32>} : memref<16x512xf32, #tpu.memory_space<vmem>>, vector<1x16xf32>,
        %parallel_loop3A_1261 = vector.shape_cast %parallel_loop3A_1260 : vector<1x16xf32> to vector<16xf32>
        %parallel_loop3A_1262 = vector.shape_cast %parallel_loop3A_1257 : vector<16xf32> to vector<1x16xf32>
        tpu.vector_store %arg6[%parallel_loop3A_1258, %parallel_loop3A_1259], %parallel_loop3A_1262 {strides = array<i32>} : memref<16x512xf32, #tpu.memory_space<vmem>>, vector<1x16xf32>,
        %parallel_loop3A_1263 = arith.constant 4 : i32
        %parallel_loop3A_1264 = arith.muli %parallel_loop3A_1263, %parallel_loop3A_84 : i32
        %parallel_loop3A_1265 = arith.index_cast %parallel_loop3A_1264 : i32 to index
        %parallel_loop3A_1266 = arith.constant 496 : index
        %parallel_loop3A_1267 = tpu.vector_load %arg4[%parallel_loop3A_1265, %parallel_loop3A_1266] {strides = array<i32>} : memref<64x512xf32, #tpu.memory_space<vmem>>, vector<1x16xf32>,
        %parallel_loop3A_1268 = vector.shape_cast %parallel_loop3A_1267 : vector<1x16xf32> to vector<16xf32>
        %parallel_loop3A_1269 = arith.constant 4 : i32
        %parallel_loop3A_1270 = arith.muli %parallel_loop3A_1269, %parallel_loop3A_84 : i32
        %parallel_loop3A_1271 = arith.constant 1 : i32
        %parallel_loop3A_1272 = arith.addi %parallel_loop3A_1270, %parallel_loop3A_1271 : i32
        %parallel_loop3A_1273 = arith.index_cast %parallel_loop3A_1272 : i32 to index
        %parallel_loop3A_1274 = arith.constant 496 : index
        %parallel_loop3A_1275 = tpu.vector_load %arg4[%parallel_loop3A_1273, %parallel_loop3A_1274] {strides = array<i32>} : memref<64x512xf32, #tpu.memory_space<vmem>>, vector<1x16xf32>,
        %parallel_loop3A_1276 = vector.shape_cast %parallel_loop3A_1275 : vector<1x16xf32> to vector<16xf32>
        %parallel_loop3A_1277 = arith.addf %parallel_loop3A_1268, %parallel_loop3A_1276 : vector<16xf32>
        %parallel_loop3A_1278 = arith.constant 4 : i32
        %parallel_loop3A_1279 = arith.muli %parallel_loop3A_1278, %parallel_loop3A_84 : i32
        %parallel_loop3A_1280 = arith.constant 2 : i32
        %parallel_loop3A_1281 = arith.addi %parallel_loop3A_1279, %parallel_loop3A_1280 : i32
        %parallel_loop3A_1282 = arith.index_cast %parallel_loop3A_1281 : i32 to index
        %parallel_loop3A_1283 = arith.constant 496 : index
        %parallel_loop3A_1284 = tpu.vector_load %arg4[%parallel_loop3A_1282, %parallel_loop3A_1283] {strides = array<i32>} : memref<64x512xf32, #tpu.memory_space<vmem>>, vector<1x16xf32>,
        %parallel_loop3A_1285 = vector.shape_cast %parallel_loop3A_1284 : vector<1x16xf32> to vector<16xf32>
        %parallel_loop3A_1286 = arith.constant 4 : i32
        %parallel_loop3A_1287 = arith.muli %parallel_loop3A_1286, %parallel_loop3A_84 : i32
        %parallel_loop3A_1288 = arith.constant 3 : i32
        %parallel_loop3A_1289 = arith.addi %parallel_loop3A_1287, %parallel_loop3A_1288 : i32
        %parallel_loop3A_1290 = arith.index_cast %parallel_loop3A_1289 : i32 to index
        %parallel_loop3A_1291 = arith.constant 496 : index
        %parallel_loop3A_1292 = tpu.vector_load %arg4[%parallel_loop3A_1290, %parallel_loop3A_1291] {strides = array<i32>} : memref<64x512xf32, #tpu.memory_space<vmem>>, vector<1x16xf32>,
        %parallel_loop3A_1293 = vector.shape_cast %parallel_loop3A_1292 : vector<1x16xf32> to vector<16xf32>
        %parallel_loop3A_1294 = arith.addf %parallel_loop3A_1285, %parallel_loop3A_1293 : vector<16xf32>
        %parallel_loop3A_1295 = arith.addf %parallel_loop3A_1277, %parallel_loop3A_1294 : vector<16xf32>
        %parallel_loop3A_1296 = arith.index_cast %parallel_loop3A_84 : i32 to index
        %parallel_loop3A_1297 = arith.constant 496 : index
        %parallel_loop3A_1298 = tpu.vector_load %arg6[%parallel_loop3A_1296, %parallel_loop3A_1297] {strides = array<i32>} : memref<16x512xf32, #tpu.memory_space<vmem>>, vector<1x16xf32>,
        %parallel_loop3A_1299 = vector.shape_cast %parallel_loop3A_1298 : vector<1x16xf32> to vector<16xf32>
        %parallel_loop3A_1300 = vector.shape_cast %parallel_loop3A_1295 : vector<16xf32> to vector<1x16xf32>
        tpu.vector_store %arg6[%parallel_loop3A_1296, %parallel_loop3A_1297], %parallel_loop3A_1300 {strides = array<i32>} : memref<16x512xf32, #tpu.memory_space<vmem>>, vector<1x16xf32>,
      } {sc.loop_unroll_factor = 2 : i64, sc.parallel_access}
      %mul3A_50 = arith.constant 16 : i32
      %mul3A_51 = arith.muli %mul3A_28, %mul3A_50 : i32
      %add3A_52 = arith.addi %mul3A_2, %mul3A_51 : i32
      %dma_start3A_53 = arith.constant 0 : i32
      %dma_start3A_54 = tpu.memref_slice %arg3[%add3A_52, %dma_start3A_53] : memref<8192x512xf32, #tpu.memory_space<hbm>> -> memref<16x512xf32, #tpu.memory_space<hbm>>
      %dma_start3A_55 = arith.constant 0 : i32
      %dma_start3A_56 = tpu.memref_slice %arg3[%add3A_52, %dma_start3A_55] : memref<8192x512xf32, #tpu.memory_space<hbm>> -> memref<16x512xf32, #tpu.memory_space<hbm>>
      tpu.enqueue_dma source(%arg6 : memref<16x512xf32, #tpu.memory_space<vmem>>) target(%dma_start3A_56 : memref<16x512xf32, #tpu.memory_space<hbm>>) target_semaphore(%arg10 : memref<!tpu.dma_semaphore, #tpu.memory_space<semaphore_mem>>)
      %add3A_57 = arith.constant 1 : i32
      %add3A_58 = arith.addi %add3A_30, %add3A_57 : i32
      %lt3A = arith.constant 16 : i32
      %lt3A_59 = arith.cmpi slt, %add3A_58, %lt3A : i32
      %convert_element_type3A_60 = arith.extui %lt3A_59 : i1 to i32
      %cond3A_61 = arith.constant 0 : i32
      %cond3A_62 = arith.cmpi ne, %convert_element_type3A_60, %cond3A_61 : i32
      scf.if %cond3A_62 {
        %add3A_84 = arith.constant 1 : i32
        %add3A_85 = arith.addi %add3A_30, %add3A_84 : i32
        %mul3A_86 = arith.constant 16 : i32
        %mul3A_87 = arith.muli %add3A_85, %mul3A_86 : i32
        %add3A_88 = arith.addi %mul3A_2, %mul3A_87 : i32
        %mul3A_89 = arith.constant 4 : i32
        %mul3A_90 = arith.muli %add3A_88, %mul3A_89 : i32
        %dma_start3A_91 = arith.constant 0 : i32
        %dma_start3A_92 = tpu.memref_slice %arg2[%mul3A_90, %dma_start3A_91] : memref<32768x512xf32, #tpu.memory_space<hbm>> -> memref<64x512xf32, #tpu.memory_space<hbm>>
        %dma_start3A_93 = arith.constant 0 : i32
        %dma_start3A_94 = tpu.memref_slice %arg2[%mul3A_90, %dma_start3A_93] : memref<32768x512xf32, #tpu.memory_space<hbm>> -> memref<64x512xf32, #tpu.memory_space<hbm>>
        tpu.enqueue_dma source(%dma_start3A_94 : memref<64x512xf32, #tpu.memory_space<hbm>>) target(%arg4 : memref<64x512xf32, #tpu.memory_space<vmem>>) target_semaphore(%arg8 : memref<!tpu.dma_semaphore, #tpu.memory_space<semaphore_mem>>)
      } else {
      }
      %dma_wait3A_63 = arith.constant 0 : i32
      %dma_wait3A_64 = arith.constant 0 : i32
      %dma_wait3A_65 = tpu.memref_slice %arg2[%dma_wait3A_63, %dma_wait3A_64] : memref<32768x512xf32, #tpu.memory_space<hbm>> -> memref<64x512xf32, #tpu.memory_space<hbm>>
      %dma_wait3A_66 = arith.constant 0 : i32
      %dma_wait3A_67 = arith.constant 0 : i32
      %dma_wait3A_68 = tpu.memref_slice %arg2[%dma_wait3A_66, %dma_wait3A_67] : memref<32768x512xf32, #tpu.memory_space<hbm>> -> memref<64x512xf32, #tpu.memory_space<hbm>>
      tpu.wait_dma2 semaphore(%arg9 : memref<!tpu.dma_semaphore, #tpu.memory_space<semaphore_mem>>) src(%dma_wait3A_68 : memref<64x512xf32, #tpu.memory_space<hbm>>) dst(%arg5 : memref<64x512xf32, #tpu.memory_space<vmem>>)
      %ne3A_69 = arith.constant 0 : i32
      %ne3A_70 = arith.cmpi ne, %scan3A_26, %ne3A_69 : i32
      %convert_element_type3A_71 = arith.extui %ne3A_70 : i1 to i32
      %cond3A_72 = arith.constant 0 : i32
      %cond3A_73 = arith.cmpi ne, %convert_element_type3A_71, %cond3A_72 : i32
      scf.if %cond3A_73 {
        %dma_wait3A_84 = arith.constant 0 : i32
        %dma_wait3A_85 = arith.constant 0 : i32
        %dma_wait3A_86 = tpu.memref_slice %arg3[%dma_wait3A_84, %dma_wait3A_85] : memref<8192x512xf32, #tpu.memory_space<hbm>> -> memref<16x512xf32, #tpu.memory_space<hbm>>
        %dma_wait3A_87 = arith.constant 0 : i32
        %dma_wait3A_88 = arith.constant 0 : i32
        %dma_wait3A_89 = tpu.memref_slice %arg3[%dma_wait3A_87, %dma_wait3A_88] : memref<8192x512xf32, #tpu.memory_space<hbm>> -> memref<16x512xf32, #tpu.memory_space<hbm>>
        tpu.wait_dma2 semaphore(%arg11 : memref<!tpu.dma_semaphore, #tpu.memory_space<semaphore_mem>>) src(%arg7 : memref<16x512xf32, #tpu.memory_space<vmem>>) dst(%dma_wait3A_89 : memref<16x512xf32, #tpu.memory_space<hbm>>)
      } else {
      }
      %parallel_loop3A_74 = arith.constant 0 : i32
      %parallel_loop3A_75 = arith.constant 16 : i32
      %parallel_loop3A_76 = arith.constant 1 : i32
      scf.for %parallel_loop3A_84 = %parallel_loop3A_74 to %parallel_loop3A_75 step %parallel_loop3A_76  : i32 {
        %parallel_loop3A_85 = arith.constant 4 : i32
        %parallel_loop3A_86 = arith.muli %parallel_loop3A_85, %parallel_loop3A_84 : i32
        %parallel_loop3A_87 = arith.index_cast %parallel_loop3A_86 : i32 to index
        %parallel_loop3A_88 = arith.constant 0 : index
        %parallel_loop3A_89 = tpu.vector_load %arg5[%parallel_loop3A_87, %parallel_loop3A_88] {strides = array<i32>} : memref<64x512xf32, #tpu.memory_space<vmem>>, vector<1x16xf32>,
        %parallel_loop3A_90 = vector.shape_cast %parallel_loop3A_89 : vector<1x16xf32> to vector<16xf32>
        %parallel_loop3A_91 = arith.constant 4 : i32
        %parallel_loop3A_92 = arith.muli %parallel_loop3A_91, %parallel_loop3A_84 : i32
        %parallel_loop3A_93 = arith.constant 1 : i32
        %parallel_loop3A_94 = arith.addi %parallel_loop3A_92, %parallel_loop3A_93 : i32
        %parallel_loop3A_95 = arith.index_cast %parallel_loop3A_94 : i32 to index
        %parallel_loop3A_96 = arith.constant 0 : index
        %parallel_loop3A_97 = tpu.vector_load %arg5[%parallel_loop3A_95, %parallel_loop3A_96] {strides = array<i32>} : memref<64x512xf32, #tpu.memory_space<vmem>>, vector<1x16xf32>,
        %parallel_loop3A_98 = vector.shape_cast %parallel_loop3A_97 : vector<1x16xf32> to vector<16xf32>
        %parallel_loop3A_99 = arith.addf %parallel_loop3A_90, %parallel_loop3A_98 : vector<16xf32>
        %parallel_loop3A_100 = arith.constant 4 : i32
        %parallel_loop3A_101 = arith.muli %parallel_loop3A_100, %parallel_loop3A_84 : i32
        %parallel_loop3A_102 = arith.constant 2 : i32
        %parallel_loop3A_103 = arith.addi %parallel_loop3A_101, %parallel_loop3A_102 : i32
        %parallel_loop3A_104 = arith.index_cast %parallel_loop3A_103 : i32 to index
        %parallel_loop3A_105 = arith.constant 0 : index
        %parallel_loop3A_106 = tpu.vector_load %arg5[%parallel_loop3A_104, %parallel_loop3A_105] {strides = array<i32>} : memref<64x512xf32, #tpu.memory_space<vmem>>, vector<1x16xf32>,
        %parallel_loop3A_107 = vector.shape_cast %parallel_loop3A_106 : vector<1x16xf32> to vector<16xf32>
        %parallel_loop3A_108 = arith.constant 4 : i32
        %parallel_loop3A_109 = arith.muli %parallel_loop3A_108, %parallel_loop3A_84 : i32
        %parallel_loop3A_110 = arith.constant 3 : i32
        %parallel_loop3A_111 = arith.addi %parallel_loop3A_109, %parallel_loop3A_110 : i32
        %parallel_loop3A_112 = arith.index_cast %parallel_loop3A_111 : i32 to index
        %parallel_loop3A_113 = arith.constant 0 : index
        %parallel_loop3A_114 = tpu.vector_load %arg5[%parallel_loop3A_112, %parallel_loop3A_113] {strides = array<i32>} : memref<64x512xf32, #tpu.memory_space<vmem>>, vector<1x16xf32>,
        %parallel_loop3A_115 = vector.shape_cast %parallel_loop3A_114 : vector<1x16xf32> to vector<16xf32>
        %parallel_loop3A_116 = arith.addf %parallel_loop3A_107, %parallel_loop3A_115 : vector<16xf32>
        %parallel_loop3A_117 = arith.addf %parallel_loop3A_99, %parallel_loop3A_116 : vector<16xf32>
        %parallel_loop3A_118 = arith.index_cast %parallel_loop3A_84 : i32 to index
        %parallel_loop3A_119 = arith.constant 0 : index
        %parallel_loop3A_120 = tpu.vector_load %arg7[%parallel_loop3A_118, %parallel_loop3A_119] {strides = array<i32>} : memref<16x512xf32, #tpu.memory_space<vmem>>, vector<1x16xf32>,
        %parallel_loop3A_121 = vector.shape_cast %parallel_loop3A_120 : vector<1x16xf32> to vector<16xf32>
        %parallel_loop3A_122 = vector.shape_cast %parallel_loop3A_117 : vector<16xf32> to vector<1x16xf32>
        tpu.vector_store %arg7[%parallel_loop3A_118, %parallel_loop3A_119], %parallel_loop3A_122 {strides = array<i32>} : memref<16x512xf32, #tpu.memory_space<vmem>>, vector<1x16xf32>,
        %parallel_loop3A_123 = arith.constant 4 : i32
        %parallel_loop3A_124 = arith.muli %parallel_loop3A_123, %parallel_loop3A_84 : i32
        %parallel_loop3A_125 = arith.index_cast %parallel_loop3A_124 : i32 to index
        %parallel_loop3A_126 = arith.constant 16 : index
        %parallel_loop3A_127 = tpu.vector_load %arg5[%parallel_loop3A_125, %parallel_loop3A_126] {strides = array<i32>} : memref<64x512xf32, #tpu.memory_space<vmem>>, vector<1x16xf32>,
        %parallel_loop3A_128 = vector.shape_cast %parallel_loop3A_127 : vector<1x16xf32> to vector<16xf32>
        %parallel_loop3A_129 = arith.constant 4 : i32
        %parallel_loop3A_130 = arith.muli %parallel_loop3A_129, %parallel_loop3A_84 : i32
        %parallel_loop3A_131 = arith.constant 1 : i32
        %parallel_loop3A_132 = arith.addi %parallel_loop3A_130, %parallel_loop3A_131 : i32
        %parallel_loop3A_133 = arith.index_cast %parallel_loop3A_132 : i32 to index
        %parallel_loop3A_134 = arith.constant 16 : index
        %parallel_loop3A_135 = tpu.vector_load %arg5[%parallel_loop3A_133, %parallel_loop3A_134] {strides = array<i32>} : memref<64x512xf32, #tpu.memory_space<vmem>>, vector<1x16xf32>,
        %parallel_loop3A_136 = vector.shape_cast %parallel_loop3A_135 : vector<1x16xf32> to vector<16xf32>
        %parallel_loop3A_137 = arith.addf %parallel_loop3A_128, %parallel_loop3A_136 : vector<16xf32>
        %parallel_loop3A_138 = arith.constant 4 : i32
        %parallel_loop3A_139 = arith.muli %parallel_loop3A_138, %parallel_loop3A_84 : i32
        %parallel_loop3A_140 = arith.constant 2 : i32
        %parallel_loop3A_141 = arith.addi %parallel_loop3A_139, %parallel_loop3A_140 : i32
        %parallel_loop3A_142 = arith.index_cast %parallel_loop3A_141 : i32 to index
        %parallel_loop3A_143 = arith.constant 16 : index
        %parallel_loop3A_144 = tpu.vector_load %arg5[%parallel_loop3A_142, %parallel_loop3A_143] {strides = array<i32>} : memref<64x512xf32, #tpu.memory_space<vmem>>, vector<1x16xf32>,
        %parallel_loop3A_145 = vector.shape_cast %parallel_loop3A_144 : vector<1x16xf32> to vector<16xf32>
        %parallel_loop3A_146 = arith.constant 4 : i32
        %parallel_loop3A_147 = arith.muli %parallel_loop3A_146, %parallel_loop3A_84 : i32
        %parallel_loop3A_148 = arith.constant 3 : i32
        %parallel_loop3A_149 = arith.addi %parallel_loop3A_147, %parallel_loop3A_148 : i32
        %parallel_loop3A_150 = arith.index_cast %parallel_loop3A_149 : i32 to index
        %parallel_loop3A_151 = arith.constant 16 : index
        %parallel_loop3A_152 = tpu.vector_load %arg5[%parallel_loop3A_150, %parallel_loop3A_151] {strides = array<i32>} : memref<64x512xf32, #tpu.memory_space<vmem>>, vector<1x16xf32>,
        %parallel_loop3A_153 = vector.shape_cast %parallel_loop3A_152 : vector<1x16xf32> to vector<16xf32>
        %parallel_loop3A_154 = arith.addf %parallel_loop3A_145, %parallel_loop3A_153 : vector<16xf32>
        %parallel_loop3A_155 = arith.addf %parallel_loop3A_137, %parallel_loop3A_154 : vector<16xf32>
        %parallel_loop3A_156 = arith.index_cast %parallel_loop3A_84 : i32 to index
        %parallel_loop3A_157 = arith.constant 16 : index
        %parallel_loop3A_158 = tpu.vector_load %arg7[%parallel_loop3A_156, %parallel_loop3A_157] {strides = array<i32>} : memref<16x512xf32, #tpu.memory_space<vmem>>, vector<1x16xf32>,
        %parallel_loop3A_159 = vector.shape_cast %parallel_loop3A_158 : vector<1x16xf32> to vector<16xf32>
        %parallel_loop3A_160 = vector.shape_cast %parallel_loop3A_155 : vector<16xf32> to vector<1x16xf32>
        tpu.vector_store %arg7[%parallel_loop3A_156, %parallel_loop3A_157], %parallel_loop3A_160 {strides = array<i32>} : memref<16x512xf32, #tpu.memory_space<vmem>>, vector<1x16xf32>,
        %parallel_loop3A_161 = arith.constant 4 : i32
        %parallel_loop3A_162 = arith.muli %parallel_loop3A_161, %parallel_loop3A_84 : i32
        %parallel_loop3A_163 = arith.index_cast %parallel_loop3A_162 : i32 to index
        %parallel_loop3A_164 = arith.constant 32 : index
        %parallel_loop3A_165 = tpu.vector_load %arg5[%parallel_loop3A_163, %parallel_loop3A_164] {strides = array<i32>} : memref<64x512xf32, #tpu.memory_space<vmem>>, vector<1x16xf32>,
        %parallel_loop3A_166 = vector.shape_cast %parallel_loop3A_165 : vector<1x16xf32> to vector<16xf32>
        %parallel_loop3A_167 = arith.constant 4 : i32
        %parallel_loop3A_168 = arith.muli %parallel_loop3A_167, %parallel_loop3A_84 : i32
        %parallel_loop3A_169 = arith.constant 1 : i32
        %parallel_loop3A_170 = arith.addi %parallel_loop3A_168, %parallel_loop3A_169 : i32
        %parallel_loop3A_171 = arith.index_cast %parallel_loop3A_170 : i32 to index
        %parallel_loop3A_172 = arith.constant 32 : index
        %parallel_loop3A_173 = tpu.vector_load %arg5[%parallel_loop3A_171, %parallel_loop3A_172] {strides = array<i32>} : memref<64x512xf32, #tpu.memory_space<vmem>>, vector<1x16xf32>,
        %parallel_loop3A_174 = vector.shape_cast %parallel_loop3A_173 : vector<1x16xf32> to vector<16xf32>
        %parallel_loop3A_175 = arith.addf %parallel_loop3A_166, %parallel_loop3A_174 : vector<16xf32>
        %parallel_loop3A_176 = arith.constant 4 : i32
        %parallel_loop3A_177 = arith.muli %parallel_loop3A_176, %parallel_loop3A_84 : i32
        %parallel_loop3A_178 = arith.constant 2 : i32
        %parallel_loop3A_179 = arith.addi %parallel_loop3A_177, %parallel_loop3A_178 : i32
        %parallel_loop3A_180 = arith.index_cast %parallel_loop3A_179 : i32 to index
        %parallel_loop3A_181 = arith.constant 32 : index
        %parallel_loop3A_182 = tpu.vector_load %arg5[%parallel_loop3A_180, %parallel_loop3A_181] {strides = array<i32>} : memref<64x512xf32, #tpu.memory_space<vmem>>, vector<1x16xf32>,
        %parallel_loop3A_183 = vector.shape_cast %parallel_loop3A_182 : vector<1x16xf32> to vector<16xf32>
        %parallel_loop3A_184 = arith.constant 4 : i32
        %parallel_loop3A_185 = arith.muli %parallel_loop3A_184, %parallel_loop3A_84 : i32
        %parallel_loop3A_186 = arith.constant 3 : i32
        %parallel_loop3A_187 = arith.addi %parallel_loop3A_185, %parallel_loop3A_186 : i32
        %parallel_loop3A_188 = arith.index_cast %parallel_loop3A_187 : i32 to index
        %parallel_loop3A_189 = arith.constant 32 : index
        %parallel_loop3A_190 = tpu.vector_load %arg5[%parallel_loop3A_188, %parallel_loop3A_189] {strides = array<i32>} : memref<64x512xf32, #tpu.memory_space<vmem>>, vector<1x16xf32>,
        %parallel_loop3A_191 = vector.shape_cast %parallel_loop3A_190 : vector<1x16xf32> to vector<16xf32>
        %parallel_loop3A_192 = arith.addf %parallel_loop3A_183, %parallel_loop3A_191 : vector<16xf32>
        %parallel_loop3A_193 = arith.addf %parallel_loop3A_175, %parallel_loop3A_192 : vector<16xf32>
        %parallel_loop3A_194 = arith.index_cast %parallel_loop3A_84 : i32 to index
        %parallel_loop3A_195 = arith.constant 32 : index
        %parallel_loop3A_196 = tpu.vector_load %arg7[%parallel_loop3A_194, %parallel_loop3A_195] {strides = array<i32>} : memref<16x512xf32, #tpu.memory_space<vmem>>, vector<1x16xf32>,
        %parallel_loop3A_197 = vector.shape_cast %parallel_loop3A_196 : vector<1x16xf32> to vector<16xf32>
        %parallel_loop3A_198 = vector.shape_cast %parallel_loop3A_193 : vector<16xf32> to vector<1x16xf32>
        tpu.vector_store %arg7[%parallel_loop3A_194, %parallel_loop3A_195], %parallel_loop3A_198 {strides = array<i32>} : memref<16x512xf32, #tpu.memory_space<vmem>>, vector<1x16xf32>,
        %parallel_loop3A_199 = arith.constant 4 : i32
        %parallel_loop3A_200 = arith.muli %parallel_loop3A_199, %parallel_loop3A_84 : i32
        %parallel_loop3A_201 = arith.index_cast %parallel_loop3A_200 : i32 to index
        %parallel_loop3A_202 = arith.constant 48 : index
        %parallel_loop3A_203 = tpu.vector_load %arg5[%parallel_loop3A_201, %parallel_loop3A_202] {strides = array<i32>} : memref<64x512xf32, #tpu.memory_space<vmem>>, vector<1x16xf32>,
        %parallel_loop3A_204 = vector.shape_cast %parallel_loop3A_203 : vector<1x16xf32> to vector<16xf32>
        %parallel_loop3A_205 = arith.constant 4 : i32
        %parallel_loop3A_206 = arith.muli %parallel_loop3A_205, %parallel_loop3A_84 : i32
        %parallel_loop3A_207 = arith.constant 1 : i32
        %parallel_loop3A_208 = arith.addi %parallel_loop3A_206, %parallel_loop3A_207 : i32
        %parallel_loop3A_209 = arith.index_cast %parallel_loop3A_208 : i32 to index
        %parallel_loop3A_210 = arith.constant 48 : index
        %parallel_loop3A_211 = tpu.vector_load %arg5[%parallel_loop3A_209, %parallel_loop3A_210] {strides = array<i32>} : memref<64x512xf32, #tpu.memory_space<vmem>>, vector<1x16xf32>,
        %parallel_loop3A_212 = vector.shape_cast %parallel_loop3A_211 : vector<1x16xf32> to vector<16xf32>
        %parallel_loop3A_213 = arith.addf %parallel_loop3A_204, %parallel_loop3A_212 : vector<16xf32>
        %parallel_loop3A_214 = arith.constant 4 : i32
        %parallel_loop3A_215 = arith.muli %parallel_loop3A_214, %parallel_loop3A_84 : i32
        %parallel_loop3A_216 = arith.constant 2 : i32
        %parallel_loop3A_217 = arith.addi %parallel_loop3A_215, %parallel_loop3A_216 : i32
        %parallel_loop3A_218 = arith.index_cast %parallel_loop3A_217 : i32 to index
        %parallel_loop3A_219 = arith.constant 48 : index
        %parallel_loop3A_220 = tpu.vector_load %arg5[%parallel_loop3A_218, %parallel_loop3A_219] {strides = array<i32>} : memref<64x512xf32, #tpu.memory_space<vmem>>, vector<1x16xf32>,
        %parallel_loop3A_221 = vector.shape_cast %parallel_loop3A_220 : vector<1x16xf32> to vector<16xf32>
        %parallel_loop3A_222 = arith.constant 4 : i32
        %parallel_loop3A_223 = arith.muli %parallel_loop3A_222, %parallel_loop3A_84 : i32
        %parallel_loop3A_224 = arith.constant 3 : i32
        %parallel_loop3A_225 = arith.addi %parallel_loop3A_223, %parallel_loop3A_224 : i32
        %parallel_loop3A_226 = arith.index_cast %parallel_loop3A_225 : i32 to index
        %parallel_loop3A_227 = arith.constant 48 : index
        %parallel_loop3A_228 = tpu.vector_load %arg5[%parallel_loop3A_226, %parallel_loop3A_227] {strides = array<i32>} : memref<64x512xf32, #tpu.memory_space<vmem>>, vector<1x16xf32>,
        %parallel_loop3A_229 = vector.shape_cast %parallel_loop3A_228 : vector<1x16xf32> to vector<16xf32>
        %parallel_loop3A_230 = arith.addf %parallel_loop3A_221, %parallel_loop3A_229 : vector<16xf32>
        %parallel_loop3A_231 = arith.addf %parallel_loop3A_213, %parallel_loop3A_230 : vector<16xf32>
        %parallel_loop3A_232 = arith.index_cast %parallel_loop3A_84 : i32 to index
        %parallel_loop3A_233 = arith.constant 48 : index
        %parallel_loop3A_234 = tpu.vector_load %arg7[%parallel_loop3A_232, %parallel_loop3A_233] {strides = array<i32>} : memref<16x512xf32, #tpu.memory_space<vmem>>, vector<1x16xf32>,
        %parallel_loop3A_235 = vector.shape_cast %parallel_loop3A_234 : vector<1x16xf32> to vector<16xf32>
        %parallel_loop3A_236 = vector.shape_cast %parallel_loop3A_231 : vector<16xf32> to vector<1x16xf32>
        tpu.vector_store %arg7[%parallel_loop3A_232, %parallel_loop3A_233], %parallel_loop3A_236 {strides = array<i32>} : memref<16x512xf32, #tpu.memory_space<vmem>>, vector<1x16xf32>,
        %parallel_loop3A_237 = arith.constant 4 : i32
        %parallel_loop3A_238 = arith.muli %parallel_loop3A_237, %parallel_loop3A_84 : i32
        %parallel_loop3A_239 = arith.index_cast %parallel_loop3A_238 : i32 to index
        %parallel_loop3A_240 = arith.constant 64 : index
        %parallel_loop3A_241 = tpu.vector_load %arg5[%parallel_loop3A_239, %parallel_loop3A_240] {strides = array<i32>} : memref<64x512xf32, #tpu.memory_space<vmem>>, vector<1x16xf32>,
        %parallel_loop3A_242 = vector.shape_cast %parallel_loop3A_241 : vector<1x16xf32> to vector<16xf32>
        %parallel_loop3A_243 = arith.constant 4 : i32
        %parallel_loop3A_244 = arith.muli %parallel_loop3A_243, %parallel_loop3A_84 : i32
        %parallel_loop3A_245 = arith.constant 1 : i32
        %parallel_loop3A_246 = arith.addi %parallel_loop3A_244, %parallel_loop3A_245 : i32
        %parallel_loop3A_247 = arith.index_cast %parallel_loop3A_246 : i32 to index
        %parallel_loop3A_248 = arith.constant 64 : index
        %parallel_loop3A_249 = tpu.vector_load %arg5[%parallel_loop3A_247, %parallel_loop3A_248] {strides = array<i32>} : memref<64x512xf32, #tpu.memory_space<vmem>>, vector<1x16xf32>,
        %parallel_loop3A_250 = vector.shape_cast %parallel_loop3A_249 : vector<1x16xf32> to vector<16xf32>
        %parallel_loop3A_251 = arith.addf %parallel_loop3A_242, %parallel_loop3A_250 : vector<16xf32>
        %parallel_loop3A_252 = arith.constant 4 : i32
        %parallel_loop3A_253 = arith.muli %parallel_loop3A_252, %parallel_loop3A_84 : i32
        %parallel_loop3A_254 = arith.constant 2 : i32
        %parallel_loop3A_255 = arith.addi %parallel_loop3A_253, %parallel_loop3A_254 : i32
        %parallel_loop3A_256 = arith.index_cast %parallel_loop3A_255 : i32 to index
        %parallel_loop3A_257 = arith.constant 64 : index
        %parallel_loop3A_258 = tpu.vector_load %arg5[%parallel_loop3A_256, %parallel_loop3A_257] {strides = array<i32>} : memref<64x512xf32, #tpu.memory_space<vmem>>, vector<1x16xf32>,
        %parallel_loop3A_259 = vector.shape_cast %parallel_loop3A_258 : vector<1x16xf32> to vector<16xf32>
        %parallel_loop3A_260 = arith.constant 4 : i32
        %parallel_loop3A_261 = arith.muli %parallel_loop3A_260, %parallel_loop3A_84 : i32
        %parallel_loop3A_262 = arith.constant 3 : i32
        %parallel_loop3A_263 = arith.addi %parallel_loop3A_261, %parallel_loop3A_262 : i32
        %parallel_loop3A_264 = arith.index_cast %parallel_loop3A_263 : i32 to index
        %parallel_loop3A_265 = arith.constant 64 : index
        %parallel_loop3A_266 = tpu.vector_load %arg5[%parallel_loop3A_264, %parallel_loop3A_265] {strides = array<i32>} : memref<64x512xf32, #tpu.memory_space<vmem>>, vector<1x16xf32>,
        %parallel_loop3A_267 = vector.shape_cast %parallel_loop3A_266 : vector<1x16xf32> to vector<16xf32>
        %parallel_loop3A_268 = arith.addf %parallel_loop3A_259, %parallel_loop3A_267 : vector<16xf32>
        %parallel_loop3A_269 = arith.addf %parallel_loop3A_251, %parallel_loop3A_268 : vector<16xf32>
        %parallel_loop3A_270 = arith.index_cast %parallel_loop3A_84 : i32 to index
        %parallel_loop3A_271 = arith.constant 64 : index
        %parallel_loop3A_272 = tpu.vector_load %arg7[%parallel_loop3A_270, %parallel_loop3A_271] {strides = array<i32>} : memref<16x512xf32, #tpu.memory_space<vmem>>, vector<1x16xf32>,
        %parallel_loop3A_273 = vector.shape_cast %parallel_loop3A_272 : vector<1x16xf32> to vector<16xf32>
        %parallel_loop3A_274 = vector.shape_cast %parallel_loop3A_269 : vector<16xf32> to vector<1x16xf32>
        tpu.vector_store %arg7[%parallel_loop3A_270, %parallel_loop3A_271], %parallel_loop3A_274 {strides = array<i32>} : memref<16x512xf32, #tpu.memory_space<vmem>>, vector<1x16xf32>,
        %parallel_loop3A_275 = arith.constant 4 : i32
        %parallel_loop3A_276 = arith.muli %parallel_loop3A_275, %parallel_loop3A_84 : i32
        %parallel_loop3A_277 = arith.index_cast %parallel_loop3A_276 : i32 to index
        %parallel_loop3A_278 = arith.constant 80 : index
        %parallel_loop3A_279 = tpu.vector_load %arg5[%parallel_loop3A_277, %parallel_loop3A_278] {strides = array<i32>} : memref<64x512xf32, #tpu.memory_space<vmem>>, vector<1x16xf32>,
        %parallel_loop3A_280 = vector.shape_cast %parallel_loop3A_279 : vector<1x16xf32> to vector<16xf32>
        %parallel_loop3A_281 = arith.constant 4 : i32
        %parallel_loop3A_282 = arith.muli %parallel_loop3A_281, %parallel_loop3A_84 : i32
        %parallel_loop3A_283 = arith.constant 1 : i32
        %parallel_loop3A_284 = arith.addi %parallel_loop3A_282, %parallel_loop3A_283 : i32
        %parallel_loop3A_285 = arith.index_cast %parallel_loop3A_284 : i32 to index
        %parallel_loop3A_286 = arith.constant 80 : index
        %parallel_loop3A_287 = tpu.vector_load %arg5[%parallel_loop3A_285, %parallel_loop3A_286] {strides = array<i32>} : memref<64x512xf32, #tpu.memory_space<vmem>>, vector<1x16xf32>,
        %parallel_loop3A_288 = vector.shape_cast %parallel_loop3A_287 : vector<1x16xf32> to vector<16xf32>
        %parallel_loop3A_289 = arith.addf %parallel_loop3A_280, %parallel_loop3A_288 : vector<16xf32>
        %parallel_loop3A_290 = arith.constant 4 : i32
        %parallel_loop3A_291 = arith.muli %parallel_loop3A_290, %parallel_loop3A_84 : i32
        %parallel_loop3A_292 = arith.constant 2 : i32
        %parallel_loop3A_293 = arith.addi %parallel_loop3A_291, %parallel_loop3A_292 : i32
        %parallel_loop3A_294 = arith.index_cast %parallel_loop3A_293 : i32 to index
        %parallel_loop3A_295 = arith.constant 80 : index
        %parallel_loop3A_296 = tpu.vector_load %arg5[%parallel_loop3A_294, %parallel_loop3A_295] {strides = array<i32>} : memref<64x512xf32, #tpu.memory_space<vmem>>, vector<1x16xf32>,
        %parallel_loop3A_297 = vector.shape_cast %parallel_loop3A_296 : vector<1x16xf32> to vector<16xf32>
        %parallel_loop3A_298 = arith.constant 4 : i32
        %parallel_loop3A_299 = arith.muli %parallel_loop3A_298, %parallel_loop3A_84 : i32
        %parallel_loop3A_300 = arith.constant 3 : i32
        %parallel_loop3A_301 = arith.addi %parallel_loop3A_299, %parallel_loop3A_300 : i32
        %parallel_loop3A_302 = arith.index_cast %parallel_loop3A_301 : i32 to index
        %parallel_loop3A_303 = arith.constant 80 : index
        %parallel_loop3A_304 = tpu.vector_load %arg5[%parallel_loop3A_302, %parallel_loop3A_303] {strides = array<i32>} : memref<64x512xf32, #tpu.memory_space<vmem>>, vector<1x16xf32>,
        %parallel_loop3A_305 = vector.shape_cast %parallel_loop3A_304 : vector<1x16xf32> to vector<16xf32>
        %parallel_loop3A_306 = arith.addf %parallel_loop3A_297, %parallel_loop3A_305 : vector<16xf32>
        %parallel_loop3A_307 = arith.addf %parallel_loop3A_289, %parallel_loop3A_306 : vector<16xf32>
        %parallel_loop3A_308 = arith.index_cast %parallel_loop3A_84 : i32 to index
        %parallel_loop3A_309 = arith.constant 80 : index
        %parallel_loop3A_310 = tpu.vector_load %arg7[%parallel_loop3A_308, %parallel_loop3A_309] {strides = array<i32>} : memref<16x512xf32, #tpu.memory_space<vmem>>, vector<1x16xf32>,
        %parallel_loop3A_311 = vector.shape_cast %parallel_loop3A_310 : vector<1x16xf32> to vector<16xf32>
        %parallel_loop3A_312 = vector.shape_cast %parallel_loop3A_307 : vector<16xf32> to vector<1x16xf32>
        tpu.vector_store %arg7[%parallel_loop3A_308, %parallel_loop3A_309], %parallel_loop3A_312 {strides = array<i32>} : memref<16x512xf32, #tpu.memory_space<vmem>>, vector<1x16xf32>,
        %parallel_loop3A_313 = arith.constant 4 : i32
        %parallel_loop3A_314 = arith.muli %parallel_loop3A_313, %parallel_loop3A_84 : i32
        %parallel_loop3A_315 = arith.index_cast %parallel_loop3A_314 : i32 to index
        %parallel_loop3A_316 = arith.constant 96 : index
        %parallel_loop3A_317 = tpu.vector_load %arg5[%parallel_loop3A_315, %parallel_loop3A_316] {strides = array<i32>} : memref<64x512xf32, #tpu.memory_space<vmem>>, vector<1x16xf32>,
        %parallel_loop3A_318 = vector.shape_cast %parallel_loop3A_317 : vector<1x16xf32> to vector<16xf32>
        %parallel_loop3A_319 = arith.constant 4 : i32
        %parallel_loop3A_320 = arith.muli %parallel_loop3A_319, %parallel_loop3A_84 : i32
        %parallel_loop3A_321 = arith.constant 1 : i32
        %parallel_loop3A_322 = arith.addi %parallel_loop3A_320, %parallel_loop3A_321 : i32
        %parallel_loop3A_323 = arith.index_cast %parallel_loop3A_322 : i32 to index
        %parallel_loop3A_324 = arith.constant 96 : index
        %parallel_loop3A_325 = tpu.vector_load %arg5[%parallel_loop3A_323, %parallel_loop3A_324] {strides = array<i32>} : memref<64x512xf32, #tpu.memory_space<vmem>>, vector<1x16xf32>,
        %parallel_loop3A_326 = vector.shape_cast %parallel_loop3A_325 : vector<1x16xf32> to vector<16xf32>
        %parallel_loop3A_327 = arith.addf %parallel_loop3A_318, %parallel_loop3A_326 : vector<16xf32>
        %parallel_loop3A_328 = arith.constant 4 : i32
        %parallel_loop3A_329 = arith.muli %parallel_loop3A_328, %parallel_loop3A_84 : i32
        %parallel_loop3A_330 = arith.constant 2 : i32
        %parallel_loop3A_331 = arith.addi %parallel_loop3A_329, %parallel_loop3A_330 : i32
        %parallel_loop3A_332 = arith.index_cast %parallel_loop3A_331 : i32 to index
        %parallel_loop3A_333 = arith.constant 96 : index
        %parallel_loop3A_334 = tpu.vector_load %arg5[%parallel_loop3A_332, %parallel_loop3A_333] {strides = array<i32>} : memref<64x512xf32, #tpu.memory_space<vmem>>, vector<1x16xf32>,
        %parallel_loop3A_335 = vector.shape_cast %parallel_loop3A_334 : vector<1x16xf32> to vector<16xf32>
        %parallel_loop3A_336 = arith.constant 4 : i32
        %parallel_loop3A_337 = arith.muli %parallel_loop3A_336, %parallel_loop3A_84 : i32
        %parallel_loop3A_338 = arith.constant 3 : i32
        %parallel_loop3A_339 = arith.addi %parallel_loop3A_337, %parallel_loop3A_338 : i32
        %parallel_loop3A_340 = arith.index_cast %parallel_loop3A_339 : i32 to index
        %parallel_loop3A_341 = arith.constant 96 : index
        %parallel_loop3A_342 = tpu.vector_load %arg5[%parallel_loop3A_340, %parallel_loop3A_341] {strides = array<i32>} : memref<64x512xf32, #tpu.memory_space<vmem>>, vector<1x16xf32>,
        %parallel_loop3A_343 = vector.shape_cast %parallel_loop3A_342 : vector<1x16xf32> to vector<16xf32>
        %parallel_loop3A_344 = arith.addf %parallel_loop3A_335, %parallel_loop3A_343 : vector<16xf32>
        %parallel_loop3A_345 = arith.addf %parallel_loop3A_327, %parallel_loop3A_344 : vector<16xf32>
        %parallel_loop3A_346 = arith.index_cast %parallel_loop3A_84 : i32 to index
        %parallel_loop3A_347 = arith.constant 96 : index
        %parallel_loop3A_348 = tpu.vector_load %arg7[%parallel_loop3A_346, %parallel_loop3A_347] {strides = array<i32>} : memref<16x512xf32, #tpu.memory_space<vmem>>, vector<1x16xf32>,
        %parallel_loop3A_349 = vector.shape_cast %parallel_loop3A_348 : vector<1x16xf32> to vector<16xf32>
        %parallel_loop3A_350 = vector.shape_cast %parallel_loop3A_345 : vector<16xf32> to vector<1x16xf32>
        tpu.vector_store %arg7[%parallel_loop3A_346, %parallel_loop3A_347], %parallel_loop3A_350 {strides = array<i32>} : memref<16x512xf32, #tpu.memory_space<vmem>>, vector<1x16xf32>,
        %parallel_loop3A_351 = arith.constant 4 : i32
        %parallel_loop3A_352 = arith.muli %parallel_loop3A_351, %parallel_loop3A_84 : i32
        %parallel_loop3A_353 = arith.index_cast %parallel_loop3A_352 : i32 to index
        %parallel_loop3A_354 = arith.constant 112 : index
        %parallel_loop3A_355 = tpu.vector_load %arg5[%parallel_loop3A_353, %parallel_loop3A_354] {strides = array<i32>} : memref<64x512xf32, #tpu.memory_space<vmem>>, vector<1x16xf32>,
        %parallel_loop3A_356 = vector.shape_cast %parallel_loop3A_355 : vector<1x16xf32> to vector<16xf32>
        %parallel_loop3A_357 = arith.constant 4 : i32
        %parallel_loop3A_358 = arith.muli %parallel_loop3A_357, %parallel_loop3A_84 : i32
        %parallel_loop3A_359 = arith.constant 1 : i32
        %parallel_loop3A_360 = arith.addi %parallel_loop3A_358, %parallel_loop3A_359 : i32
        %parallel_loop3A_361 = arith.index_cast %parallel_loop3A_360 : i32 to index
        %parallel_loop3A_362 = arith.constant 112 : index
        %parallel_loop3A_363 = tpu.vector_load %arg5[%parallel_loop3A_361, %parallel_loop3A_362] {strides = array<i32>} : memref<64x512xf32, #tpu.memory_space<vmem>>, vector<1x16xf32>,
        %parallel_loop3A_364 = vector.shape_cast %parallel_loop3A_363 : vector<1x16xf32> to vector<16xf32>
        %parallel_loop3A_365 = arith.addf %parallel_loop3A_356, %parallel_loop3A_364 : vector<16xf32>
        %parallel_loop3A_366 = arith.constant 4 : i32
        %parallel_loop3A_367 = arith.muli %parallel_loop3A_366, %parallel_loop3A_84 : i32
        %parallel_loop3A_368 = arith.constant 2 : i32
        %parallel_loop3A_369 = arith.addi %parallel_loop3A_367, %parallel_loop3A_368 : i32
        %parallel_loop3A_370 = arith.index_cast %parallel_loop3A_369 : i32 to index
        %parallel_loop3A_371 = arith.constant 112 : index
        %parallel_loop3A_372 = tpu.vector_load %arg5[%parallel_loop3A_370, %parallel_loop3A_371] {strides = array<i32>} : memref<64x512xf32, #tpu.memory_space<vmem>>, vector<1x16xf32>,
        %parallel_loop3A_373 = vector.shape_cast %parallel_loop3A_372 : vector<1x16xf32> to vector<16xf32>
        %parallel_loop3A_374 = arith.constant 4 : i32
        %parallel_loop3A_375 = arith.muli %parallel_loop3A_374, %parallel_loop3A_84 : i32
        %parallel_loop3A_376 = arith.constant 3 : i32
        %parallel_loop3A_377 = arith.addi %parallel_loop3A_375, %parallel_loop3A_376 : i32
        %parallel_loop3A_378 = arith.index_cast %parallel_loop3A_377 : i32 to index
        %parallel_loop3A_379 = arith.constant 112 : index
        %parallel_loop3A_380 = tpu.vector_load %arg5[%parallel_loop3A_378, %parallel_loop3A_379] {strides = array<i32>} : memref<64x512xf32, #tpu.memory_space<vmem>>, vector<1x16xf32>,
        %parallel_loop3A_381 = vector.shape_cast %parallel_loop3A_380 : vector<1x16xf32> to vector<16xf32>
        %parallel_loop3A_382 = arith.addf %parallel_loop3A_373, %parallel_loop3A_381 : vector<16xf32>
        %parallel_loop3A_383 = arith.addf %parallel_loop3A_365, %parallel_loop3A_382 : vector<16xf32>
        %parallel_loop3A_384 = arith.index_cast %parallel_loop3A_84 : i32 to index
        %parallel_loop3A_385 = arith.constant 112 : index
        %parallel_loop3A_386 = tpu.vector_load %arg7[%parallel_loop3A_384, %parallel_loop3A_385] {strides = array<i32>} : memref<16x512xf32, #tpu.memory_space<vmem>>, vector<1x16xf32>,
        %parallel_loop3A_387 = vector.shape_cast %parallel_loop3A_386 : vector<1x16xf32> to vector<16xf32>
        %parallel_loop3A_388 = vector.shape_cast %parallel_loop3A_383 : vector<16xf32> to vector<1x16xf32>
        tpu.vector_store %arg7[%parallel_loop3A_384, %parallel_loop3A_385], %parallel_loop3A_388 {strides = array<i32>} : memref<16x512xf32, #tpu.memory_space<vmem>>, vector<1x16xf32>,
        %parallel_loop3A_389 = arith.constant 4 : i32
        %parallel_loop3A_390 = arith.muli %parallel_loop3A_389, %parallel_loop3A_84 : i32
        %parallel_loop3A_391 = arith.index_cast %parallel_loop3A_390 : i32 to index
        %parallel_loop3A_392 = arith.constant 128 : index
        %parallel_loop3A_393 = tpu.vector_load %arg5[%parallel_loop3A_391, %parallel_loop3A_392] {strides = array<i32>} : memref<64x512xf32, #tpu.memory_space<vmem>>, vector<1x16xf32>,
        %parallel_loop3A_394 = vector.shape_cast %parallel_loop3A_393 : vector<1x16xf32> to vector<16xf32>
        %parallel_loop3A_395 = arith.constant 4 : i32
        %parallel_loop3A_396 = arith.muli %parallel_loop3A_395, %parallel_loop3A_84 : i32
        %parallel_loop3A_397 = arith.constant 1 : i32
        %parallel_loop3A_398 = arith.addi %parallel_loop3A_396, %parallel_loop3A_397 : i32
        %parallel_loop3A_399 = arith.index_cast %parallel_loop3A_398 : i32 to index
        %parallel_loop3A_400 = arith.constant 128 : index
        %parallel_loop3A_401 = tpu.vector_load %arg5[%parallel_loop3A_399, %parallel_loop3A_400] {strides = array<i32>} : memref<64x512xf32, #tpu.memory_space<vmem>>, vector<1x16xf32>,
        %parallel_loop3A_402 = vector.shape_cast %parallel_loop3A_401 : vector<1x16xf32> to vector<16xf32>
        %parallel_loop3A_403 = arith.addf %parallel_loop3A_394, %parallel_loop3A_402 : vector<16xf32>
        %parallel_loop3A_404 = arith.constant 4 : i32
        %parallel_loop3A_405 = arith.muli %parallel_loop3A_404, %parallel_loop3A_84 : i32
        %parallel_loop3A_406 = arith.constant 2 : i32
        %parallel_loop3A_407 = arith.addi %parallel_loop3A_405, %parallel_loop3A_406 : i32
        %parallel_loop3A_408 = arith.index_cast %parallel_loop3A_407 : i32 to index
        %parallel_loop3A_409 = arith.constant 128 : index
        %parallel_loop3A_410 = tpu.vector_load %arg5[%parallel_loop3A_408, %parallel_loop3A_409] {strides = array<i32>} : memref<64x512xf32, #tpu.memory_space<vmem>>, vector<1x16xf32>,
        %parallel_loop3A_411 = vector.shape_cast %parallel_loop3A_410 : vector<1x16xf32> to vector<16xf32>
        %parallel_loop3A_412 = arith.constant 4 : i32
        %parallel_loop3A_413 = arith.muli %parallel_loop3A_412, %parallel_loop3A_84 : i32
        %parallel_loop3A_414 = arith.constant 3 : i32
        %parallel_loop3A_415 = arith.addi %parallel_loop3A_413, %parallel_loop3A_414 : i32
        %parallel_loop3A_416 = arith.index_cast %parallel_loop3A_415 : i32 to index
        %parallel_loop3A_417 = arith.constant 128 : index
        %parallel_loop3A_418 = tpu.vector_load %arg5[%parallel_loop3A_416, %parallel_loop3A_417] {strides = array<i32>} : memref<64x512xf32, #tpu.memory_space<vmem>>, vector<1x16xf32>,
        %parallel_loop3A_419 = vector.shape_cast %parallel_loop3A_418 : vector<1x16xf32> to vector<16xf32>
        %parallel_loop3A_420 = arith.addf %parallel_loop3A_411, %parallel_loop3A_419 : vector<16xf32>
        %parallel_loop3A_421 = arith.addf %parallel_loop3A_403, %parallel_loop3A_420 : vector<16xf32>
        %parallel_loop3A_422 = arith.index_cast %parallel_loop3A_84 : i32 to index
        %parallel_loop3A_423 = arith.constant 128 : index
        %parallel_loop3A_424 = tpu.vector_load %arg7[%parallel_loop3A_422, %parallel_loop3A_423] {strides = array<i32>} : memref<16x512xf32, #tpu.memory_space<vmem>>, vector<1x16xf32>,
        %parallel_loop3A_425 = vector.shape_cast %parallel_loop3A_424 : vector<1x16xf32> to vector<16xf32>
        %parallel_loop3A_426 = vector.shape_cast %parallel_loop3A_421 : vector<16xf32> to vector<1x16xf32>
        tpu.vector_store %arg7[%parallel_loop3A_422, %parallel_loop3A_423], %parallel_loop3A_426 {strides = array<i32>} : memref<16x512xf32, #tpu.memory_space<vmem>>, vector<1x16xf32>,
        %parallel_loop3A_427 = arith.constant 4 : i32
        %parallel_loop3A_428 = arith.muli %parallel_loop3A_427, %parallel_loop3A_84 : i32
        %parallel_loop3A_429 = arith.index_cast %parallel_loop3A_428 : i32 to index
        %parallel_loop3A_430 = arith.constant 144 : index
        %parallel_loop3A_431 = tpu.vector_load %arg5[%parallel_loop3A_429, %parallel_loop3A_430] {strides = array<i32>} : memref<64x512xf32, #tpu.memory_space<vmem>>, vector<1x16xf32>,
        %parallel_loop3A_432 = vector.shape_cast %parallel_loop3A_431 : vector<1x16xf32> to vector<16xf32>
        %parallel_loop3A_433 = arith.constant 4 : i32
        %parallel_loop3A_434 = arith.muli %parallel_loop3A_433, %parallel_loop3A_84 : i32
        %parallel_loop3A_435 = arith.constant 1 : i32
        %parallel_loop3A_436 = arith.addi %parallel_loop3A_434, %parallel_loop3A_435 : i32
        %parallel_loop3A_437 = arith.index_cast %parallel_loop3A_436 : i32 to index
        %parallel_loop3A_438 = arith.constant 144 : index
        %parallel_loop3A_439 = tpu.vector_load %arg5[%parallel_loop3A_437, %parallel_loop3A_438] {strides = array<i32>} : memref<64x512xf32, #tpu.memory_space<vmem>>, vector<1x16xf32>,
        %parallel_loop3A_440 = vector.shape_cast %parallel_loop3A_439 : vector<1x16xf32> to vector<16xf32>
        %parallel_loop3A_441 = arith.addf %parallel_loop3A_432, %parallel_loop3A_440 : vector<16xf32>
        %parallel_loop3A_442 = arith.constant 4 : i32
        %parallel_loop3A_443 = arith.muli %parallel_loop3A_442, %parallel_loop3A_84 : i32
        %parallel_loop3A_444 = arith.constant 2 : i32
        %parallel_loop3A_445 = arith.addi %parallel_loop3A_443, %parallel_loop3A_444 : i32
        %parallel_loop3A_446 = arith.index_cast %parallel_loop3A_445 : i32 to index
        %parallel_loop3A_447 = arith.constant 144 : index
        %parallel_loop3A_448 = tpu.vector_load %arg5[%parallel_loop3A_446, %parallel_loop3A_447] {strides = array<i32>} : memref<64x512xf32, #tpu.memory_space<vmem>>, vector<1x16xf32>,
        %parallel_loop3A_449 = vector.shape_cast %parallel_loop3A_448 : vector<1x16xf32> to vector<16xf32>
        %parallel_loop3A_450 = arith.constant 4 : i32
        %parallel_loop3A_451 = arith.muli %parallel_loop3A_450, %parallel_loop3A_84 : i32
        %parallel_loop3A_452 = arith.constant 3 : i32
        %parallel_loop3A_453 = arith.addi %parallel_loop3A_451, %parallel_loop3A_452 : i32
        %parallel_loop3A_454 = arith.index_cast %parallel_loop3A_453 : i32 to index
        %parallel_loop3A_455 = arith.constant 144 : index
        %parallel_loop3A_456 = tpu.vector_load %arg5[%parallel_loop3A_454, %parallel_loop3A_455] {strides = array<i32>} : memref<64x512xf32, #tpu.memory_space<vmem>>, vector<1x16xf32>,
        %parallel_loop3A_457 = vector.shape_cast %parallel_loop3A_456 : vector<1x16xf32> to vector<16xf32>
        %parallel_loop3A_458 = arith.addf %parallel_loop3A_449, %parallel_loop3A_457 : vector<16xf32>
        %parallel_loop3A_459 = arith.addf %parallel_loop3A_441, %parallel_loop3A_458 : vector<16xf32>
        %parallel_loop3A_460 = arith.index_cast %parallel_loop3A_84 : i32 to index
        %parallel_loop3A_461 = arith.constant 144 : index
        %parallel_loop3A_462 = tpu.vector_load %arg7[%parallel_loop3A_460, %parallel_loop3A_461] {strides = array<i32>} : memref<16x512xf32, #tpu.memory_space<vmem>>, vector<1x16xf32>,
        %parallel_loop3A_463 = vector.shape_cast %parallel_loop3A_462 : vector<1x16xf32> to vector<16xf32>
        %parallel_loop3A_464 = vector.shape_cast %parallel_loop3A_459 : vector<16xf32> to vector<1x16xf32>
        tpu.vector_store %arg7[%parallel_loop3A_460, %parallel_loop3A_461], %parallel_loop3A_464 {strides = array<i32>} : memref<16x512xf32, #tpu.memory_space<vmem>>, vector<1x16xf32>,
        %parallel_loop3A_465 = arith.constant 4 : i32
        %parallel_loop3A_466 = arith.muli %parallel_loop3A_465, %parallel_loop3A_84 : i32
        %parallel_loop3A_467 = arith.index_cast %parallel_loop3A_466 : i32 to index
        %parallel_loop3A_468 = arith.constant 160 : index
        %parallel_loop3A_469 = tpu.vector_load %arg5[%parallel_loop3A_467, %parallel_loop3A_468] {strides = array<i32>} : memref<64x512xf32, #tpu.memory_space<vmem>>, vector<1x16xf32>,
        %parallel_loop3A_470 = vector.shape_cast %parallel_loop3A_469 : vector<1x16xf32> to vector<16xf32>
        %parallel_loop3A_471 = arith.constant 4 : i32
        %parallel_loop3A_472 = arith.muli %parallel_loop3A_471, %parallel_loop3A_84 : i32
        %parallel_loop3A_473 = arith.constant 1 : i32
        %parallel_loop3A_474 = arith.addi %parallel_loop3A_472, %parallel_loop3A_473 : i32
        %parallel_loop3A_475 = arith.index_cast %parallel_loop3A_474 : i32 to index
        %parallel_loop3A_476 = arith.constant 160 : index
        %parallel_loop3A_477 = tpu.vector_load %arg5[%parallel_loop3A_475, %parallel_loop3A_476] {strides = array<i32>} : memref<64x512xf32, #tpu.memory_space<vmem>>, vector<1x16xf32>,
        %parallel_loop3A_478 = vector.shape_cast %parallel_loop3A_477 : vector<1x16xf32> to vector<16xf32>
        %parallel_loop3A_479 = arith.addf %parallel_loop3A_470, %parallel_loop3A_478 : vector<16xf32>
        %parallel_loop3A_480 = arith.constant 4 : i32
        %parallel_loop3A_481 = arith.muli %parallel_loop3A_480, %parallel_loop3A_84 : i32
        %parallel_loop3A_482 = arith.constant 2 : i32
        %parallel_loop3A_483 = arith.addi %parallel_loop3A_481, %parallel_loop3A_482 : i32
        %parallel_loop3A_484 = arith.index_cast %parallel_loop3A_483 : i32 to index
        %parallel_loop3A_485 = arith.constant 160 : index
        %parallel_loop3A_486 = tpu.vector_load %arg5[%parallel_loop3A_484, %parallel_loop3A_485] {strides = array<i32>} : memref<64x512xf32, #tpu.memory_space<vmem>>, vector<1x16xf32>,
        %parallel_loop3A_487 = vector.shape_cast %parallel_loop3A_486 : vector<1x16xf32> to vector<16xf32>
        %parallel_loop3A_488 = arith.constant 4 : i32
        %parallel_loop3A_489 = arith.muli %parallel_loop3A_488, %parallel_loop3A_84 : i32
        %parallel_loop3A_490 = arith.constant 3 : i32
        %parallel_loop3A_491 = arith.addi %parallel_loop3A_489, %parallel_loop3A_490 : i32
        %parallel_loop3A_492 = arith.index_cast %parallel_loop3A_491 : i32 to index
        %parallel_loop3A_493 = arith.constant 160 : index
        %parallel_loop3A_494 = tpu.vector_load %arg5[%parallel_loop3A_492, %parallel_loop3A_493] {strides = array<i32>} : memref<64x512xf32, #tpu.memory_space<vmem>>, vector<1x16xf32>,
        %parallel_loop3A_495 = vector.shape_cast %parallel_loop3A_494 : vector<1x16xf32> to vector<16xf32>
        %parallel_loop3A_496 = arith.addf %parallel_loop3A_487, %parallel_loop3A_495 : vector<16xf32>
        %parallel_loop3A_497 = arith.addf %parallel_loop3A_479, %parallel_loop3A_496 : vector<16xf32>
        %parallel_loop3A_498 = arith.index_cast %parallel_loop3A_84 : i32 to index
        %parallel_loop3A_499 = arith.constant 160 : index
        %parallel_loop3A_500 = tpu.vector_load %arg7[%parallel_loop3A_498, %parallel_loop3A_499] {strides = array<i32>} : memref<16x512xf32, #tpu.memory_space<vmem>>, vector<1x16xf32>,
        %parallel_loop3A_501 = vector.shape_cast %parallel_loop3A_500 : vector<1x16xf32> to vector<16xf32>
        %parallel_loop3A_502 = vector.shape_cast %parallel_loop3A_497 : vector<16xf32> to vector<1x16xf32>
        tpu.vector_store %arg7[%parallel_loop3A_498, %parallel_loop3A_499], %parallel_loop3A_502 {strides = array<i32>} : memref<16x512xf32, #tpu.memory_space<vmem>>, vector<1x16xf32>,
        %parallel_loop3A_503 = arith.constant 4 : i32
        %parallel_loop3A_504 = arith.muli %parallel_loop3A_503, %parallel_loop3A_84 : i32
        %parallel_loop3A_505 = arith.index_cast %parallel_loop3A_504 : i32 to index
        %parallel_loop3A_506 = arith.constant 176 : index
        %parallel_loop3A_507 = tpu.vector_load %arg5[%parallel_loop3A_505, %parallel_loop3A_506] {strides = array<i32>} : memref<64x512xf32, #tpu.memory_space<vmem>>, vector<1x16xf32>,
        %parallel_loop3A_508 = vector.shape_cast %parallel_loop3A_507 : vector<1x16xf32> to vector<16xf32>
        %parallel_loop3A_509 = arith.constant 4 : i32
        %parallel_loop3A_510 = arith.muli %parallel_loop3A_509, %parallel_loop3A_84 : i32
        %parallel_loop3A_511 = arith.constant 1 : i32
        %parallel_loop3A_512 = arith.addi %parallel_loop3A_510, %parallel_loop3A_511 : i32
        %parallel_loop3A_513 = arith.index_cast %parallel_loop3A_512 : i32 to index
        %parallel_loop3A_514 = arith.constant 176 : index
        %parallel_loop3A_515 = tpu.vector_load %arg5[%parallel_loop3A_513, %parallel_loop3A_514] {strides = array<i32>} : memref<64x512xf32, #tpu.memory_space<vmem>>, vector<1x16xf32>,
        %parallel_loop3A_516 = vector.shape_cast %parallel_loop3A_515 : vector<1x16xf32> to vector<16xf32>
        %parallel_loop3A_517 = arith.addf %parallel_loop3A_508, %parallel_loop3A_516 : vector<16xf32>
        %parallel_loop3A_518 = arith.constant 4 : i32
        %parallel_loop3A_519 = arith.muli %parallel_loop3A_518, %parallel_loop3A_84 : i32
        %parallel_loop3A_520 = arith.constant 2 : i32
        %parallel_loop3A_521 = arith.addi %parallel_loop3A_519, %parallel_loop3A_520 : i32
        %parallel_loop3A_522 = arith.index_cast %parallel_loop3A_521 : i32 to index
        %parallel_loop3A_523 = arith.constant 176 : index
        %parallel_loop3A_524 = tpu.vector_load %arg5[%parallel_loop3A_522, %parallel_loop3A_523] {strides = array<i32>} : memref<64x512xf32, #tpu.memory_space<vmem>>, vector<1x16xf32>,
        %parallel_loop3A_525 = vector.shape_cast %parallel_loop3A_524 : vector<1x16xf32> to vector<16xf32>
        %parallel_loop3A_526 = arith.constant 4 : i32
        %parallel_loop3A_527 = arith.muli %parallel_loop3A_526, %parallel_loop3A_84 : i32
        %parallel_loop3A_528 = arith.constant 3 : i32
        %parallel_loop3A_529 = arith.addi %parallel_loop3A_527, %parallel_loop3A_528 : i32
        %parallel_loop3A_530 = arith.index_cast %parallel_loop3A_529 : i32 to index
        %parallel_loop3A_531 = arith.constant 176 : index
        %parallel_loop3A_532 = tpu.vector_load %arg5[%parallel_loop3A_530, %parallel_loop3A_531] {strides = array<i32>} : memref<64x512xf32, #tpu.memory_space<vmem>>, vector<1x16xf32>,
        %parallel_loop3A_533 = vector.shape_cast %parallel_loop3A_532 : vector<1x16xf32> to vector<16xf32>
        %parallel_loop3A_534 = arith.addf %parallel_loop3A_525, %parallel_loop3A_533 : vector<16xf32>
        %parallel_loop3A_535 = arith.addf %parallel_loop3A_517, %parallel_loop3A_534 : vector<16xf32>
        %parallel_loop3A_536 = arith.index_cast %parallel_loop3A_84 : i32 to index
        %parallel_loop3A_537 = arith.constant 176 : index
        %parallel_loop3A_538 = tpu.vector_load %arg7[%parallel_loop3A_536, %parallel_loop3A_537] {strides = array<i32>} : memref<16x512xf32, #tpu.memory_space<vmem>>, vector<1x16xf32>,
        %parallel_loop3A_539 = vector.shape_cast %parallel_loop3A_538 : vector<1x16xf32> to vector<16xf32>
        %parallel_loop3A_540 = vector.shape_cast %parallel_loop3A_535 : vector<16xf32> to vector<1x16xf32>
        tpu.vector_store %arg7[%parallel_loop3A_536, %parallel_loop3A_537], %parallel_loop3A_540 {strides = array<i32>} : memref<16x512xf32, #tpu.memory_space<vmem>>, vector<1x16xf32>,
        %parallel_loop3A_541 = arith.constant 4 : i32
        %parallel_loop3A_542 = arith.muli %parallel_loop3A_541, %parallel_loop3A_84 : i32
        %parallel_loop3A_543 = arith.index_cast %parallel_loop3A_542 : i32 to index
        %parallel_loop3A_544 = arith.constant 192 : index
        %parallel_loop3A_545 = tpu.vector_load %arg5[%parallel_loop3A_543, %parallel_loop3A_544] {strides = array<i32>} : memref<64x512xf32, #tpu.memory_space<vmem>>, vector<1x16xf32>,
        %parallel_loop3A_546 = vector.shape_cast %parallel_loop3A_545 : vector<1x16xf32> to vector<16xf32>
        %parallel_loop3A_547 = arith.constant 4 : i32
        %parallel_loop3A_548 = arith.muli %parallel_loop3A_547, %parallel_loop3A_84 : i32
        %parallel_loop3A_549 = arith.constant 1 : i32
        %parallel_loop3A_550 = arith.addi %parallel_loop3A_548, %parallel_loop3A_549 : i32
        %parallel_loop3A_551 = arith.index_cast %parallel_loop3A_550 : i32 to index
        %parallel_loop3A_552 = arith.constant 192 : index
        %parallel_loop3A_553 = tpu.vector_load %arg5[%parallel_loop3A_551, %parallel_loop3A_552] {strides = array<i32>} : memref<64x512xf32, #tpu.memory_space<vmem>>, vector<1x16xf32>,
        %parallel_loop3A_554 = vector.shape_cast %parallel_loop3A_553 : vector<1x16xf32> to vector<16xf32>
        %parallel_loop3A_555 = arith.addf %parallel_loop3A_546, %parallel_loop3A_554 : vector<16xf32>
        %parallel_loop3A_556 = arith.constant 4 : i32
        %parallel_loop3A_557 = arith.muli %parallel_loop3A_556, %parallel_loop3A_84 : i32
        %parallel_loop3A_558 = arith.constant 2 : i32
        %parallel_loop3A_559 = arith.addi %parallel_loop3A_557, %parallel_loop3A_558 : i32
        %parallel_loop3A_560 = arith.index_cast %parallel_loop3A_559 : i32 to index
        %parallel_loop3A_561 = arith.constant 192 : index
        %parallel_loop3A_562 = tpu.vector_load %arg5[%parallel_loop3A_560, %parallel_loop3A_561] {strides = array<i32>} : memref<64x512xf32, #tpu.memory_space<vmem>>, vector<1x16xf32>,
        %parallel_loop3A_563 = vector.shape_cast %parallel_loop3A_562 : vector<1x16xf32> to vector<16xf32>
        %parallel_loop3A_564 = arith.constant 4 : i32
        %parallel_loop3A_565 = arith.muli %parallel_loop3A_564, %parallel_loop3A_84 : i32
        %parallel_loop3A_566 = arith.constant 3 : i32
        %parallel_loop3A_567 = arith.addi %parallel_loop3A_565, %parallel_loop3A_566 : i32
        %parallel_loop3A_568 = arith.index_cast %parallel_loop3A_567 : i32 to index
        %parallel_loop3A_569 = arith.constant 192 : index
        %parallel_loop3A_570 = tpu.vector_load %arg5[%parallel_loop3A_568, %parallel_loop3A_569] {strides = array<i32>} : memref<64x512xf32, #tpu.memory_space<vmem>>, vector<1x16xf32>,
        %parallel_loop3A_571 = vector.shape_cast %parallel_loop3A_570 : vector<1x16xf32> to vector<16xf32>
        %parallel_loop3A_572 = arith.addf %parallel_loop3A_563, %parallel_loop3A_571 : vector<16xf32>
        %parallel_loop3A_573 = arith.addf %parallel_loop3A_555, %parallel_loop3A_572 : vector<16xf32>
        %parallel_loop3A_574 = arith.index_cast %parallel_loop3A_84 : i32 to index
        %parallel_loop3A_575 = arith.constant 192 : index
        %parallel_loop3A_576 = tpu.vector_load %arg7[%parallel_loop3A_574, %parallel_loop3A_575] {strides = array<i32>} : memref<16x512xf32, #tpu.memory_space<vmem>>, vector<1x16xf32>,
        %parallel_loop3A_577 = vector.shape_cast %parallel_loop3A_576 : vector<1x16xf32> to vector<16xf32>
        %parallel_loop3A_578 = vector.shape_cast %parallel_loop3A_573 : vector<16xf32> to vector<1x16xf32>
        tpu.vector_store %arg7[%parallel_loop3A_574, %parallel_loop3A_575], %parallel_loop3A_578 {strides = array<i32>} : memref<16x512xf32, #tpu.memory_space<vmem>>, vector<1x16xf32>,
        %parallel_loop3A_579 = arith.constant 4 : i32
        %parallel_loop3A_580 = arith.muli %parallel_loop3A_579, %parallel_loop3A_84 : i32
        %parallel_loop3A_581 = arith.index_cast %parallel_loop3A_580 : i32 to index
        %parallel_loop3A_582 = arith.constant 208 : index
        %parallel_loop3A_583 = tpu.vector_load %arg5[%parallel_loop3A_581, %parallel_loop3A_582] {strides = array<i32>} : memref<64x512xf32, #tpu.memory_space<vmem>>, vector<1x16xf32>,
        %parallel_loop3A_584 = vector.shape_cast %parallel_loop3A_583 : vector<1x16xf32> to vector<16xf32>
        %parallel_loop3A_585 = arith.constant 4 : i32
        %parallel_loop3A_586 = arith.muli %parallel_loop3A_585, %parallel_loop3A_84 : i32
        %parallel_loop3A_587 = arith.constant 1 : i32
        %parallel_loop3A_588 = arith.addi %parallel_loop3A_586, %parallel_loop3A_587 : i32
        %parallel_loop3A_589 = arith.index_cast %parallel_loop3A_588 : i32 to index
        %parallel_loop3A_590 = arith.constant 208 : index
        %parallel_loop3A_591 = tpu.vector_load %arg5[%parallel_loop3A_589, %parallel_loop3A_590] {strides = array<i32>} : memref<64x512xf32, #tpu.memory_space<vmem>>, vector<1x16xf32>,
        %parallel_loop3A_592 = vector.shape_cast %parallel_loop3A_591 : vector<1x16xf32> to vector<16xf32>
        %parallel_loop3A_593 = arith.addf %parallel_loop3A_584, %parallel_loop3A_592 : vector<16xf32>
        %parallel_loop3A_594 = arith.constant 4 : i32
        %parallel_loop3A_595 = arith.muli %parallel_loop3A_594, %parallel_loop3A_84 : i32
        %parallel_loop3A_596 = arith.constant 2 : i32
        %parallel_loop3A_597 = arith.addi %parallel_loop3A_595, %parallel_loop3A_596 : i32
        %parallel_loop3A_598 = arith.index_cast %parallel_loop3A_597 : i32 to index
        %parallel_loop3A_599 = arith.constant 208 : index
        %parallel_loop3A_600 = tpu.vector_load %arg5[%parallel_loop3A_598, %parallel_loop3A_599] {strides = array<i32>} : memref<64x512xf32, #tpu.memory_space<vmem>>, vector<1x16xf32>,
        %parallel_loop3A_601 = vector.shape_cast %parallel_loop3A_600 : vector<1x16xf32> to vector<16xf32>
        %parallel_loop3A_602 = arith.constant 4 : i32
        %parallel_loop3A_603 = arith.muli %parallel_loop3A_602, %parallel_loop3A_84 : i32
        %parallel_loop3A_604 = arith.constant 3 : i32
        %parallel_loop3A_605 = arith.addi %parallel_loop3A_603, %parallel_loop3A_604 : i32
        %parallel_loop3A_606 = arith.index_cast %parallel_loop3A_605 : i32 to index
        %parallel_loop3A_607 = arith.constant 208 : index
        %parallel_loop3A_608 = tpu.vector_load %arg5[%parallel_loop3A_606, %parallel_loop3A_607] {strides = array<i32>} : memref<64x512xf32, #tpu.memory_space<vmem>>, vector<1x16xf32>,
        %parallel_loop3A_609 = vector.shape_cast %parallel_loop3A_608 : vector<1x16xf32> to vector<16xf32>
        %parallel_loop3A_610 = arith.addf %parallel_loop3A_601, %parallel_loop3A_609 : vector<16xf32>
        %parallel_loop3A_611 = arith.addf %parallel_loop3A_593, %parallel_loop3A_610 : vector<16xf32>
        %parallel_loop3A_612 = arith.index_cast %parallel_loop3A_84 : i32 to index
        %parallel_loop3A_613 = arith.constant 208 : index
        %parallel_loop3A_614 = tpu.vector_load %arg7[%parallel_loop3A_612, %parallel_loop3A_613] {strides = array<i32>} : memref<16x512xf32, #tpu.memory_space<vmem>>, vector<1x16xf32>,
        %parallel_loop3A_615 = vector.shape_cast %parallel_loop3A_614 : vector<1x16xf32> to vector<16xf32>
        %parallel_loop3A_616 = vector.shape_cast %parallel_loop3A_611 : vector<16xf32> to vector<1x16xf32>
        tpu.vector_store %arg7[%parallel_loop3A_612, %parallel_loop3A_613], %parallel_loop3A_616 {strides = array<i32>} : memref<16x512xf32, #tpu.memory_space<vmem>>, vector<1x16xf32>,
        %parallel_loop3A_617 = arith.constant 4 : i32
        %parallel_loop3A_618 = arith.muli %parallel_loop3A_617, %parallel_loop3A_84 : i32
        %parallel_loop3A_619 = arith.index_cast %parallel_loop3A_618 : i32 to index
        %parallel_loop3A_620 = arith.constant 224 : index
        %parallel_loop3A_621 = tpu.vector_load %arg5[%parallel_loop3A_619, %parallel_loop3A_620] {strides = array<i32>} : memref<64x512xf32, #tpu.memory_space<vmem>>, vector<1x16xf32>,
        %parallel_loop3A_622 = vector.shape_cast %parallel_loop3A_621 : vector<1x16xf32> to vector<16xf32>
        %parallel_loop3A_623 = arith.constant 4 : i32
        %parallel_loop3A_624 = arith.muli %parallel_loop3A_623, %parallel_loop3A_84 : i32
        %parallel_loop3A_625 = arith.constant 1 : i32
        %parallel_loop3A_626 = arith.addi %parallel_loop3A_624, %parallel_loop3A_625 : i32
        %parallel_loop3A_627 = arith.index_cast %parallel_loop3A_626 : i32 to index
        %parallel_loop3A_628 = arith.constant 224 : index
        %parallel_loop3A_629 = tpu.vector_load %arg5[%parallel_loop3A_627, %parallel_loop3A_628] {strides = array<i32>} : memref<64x512xf32, #tpu.memory_space<vmem>>, vector<1x16xf32>,
        %parallel_loop3A_630 = vector.shape_cast %parallel_loop3A_629 : vector<1x16xf32> to vector<16xf32>
        %parallel_loop3A_631 = arith.addf %parallel_loop3A_622, %parallel_loop3A_630 : vector<16xf32>
        %parallel_loop3A_632 = arith.constant 4 : i32
        %parallel_loop3A_633 = arith.muli %parallel_loop3A_632, %parallel_loop3A_84 : i32
        %parallel_loop3A_634 = arith.constant 2 : i32
        %parallel_loop3A_635 = arith.addi %parallel_loop3A_633, %parallel_loop3A_634 : i32
        %parallel_loop3A_636 = arith.index_cast %parallel_loop3A_635 : i32 to index
        %parallel_loop3A_637 = arith.constant 224 : index
        %parallel_loop3A_638 = tpu.vector_load %arg5[%parallel_loop3A_636, %parallel_loop3A_637] {strides = array<i32>} : memref<64x512xf32, #tpu.memory_space<vmem>>, vector<1x16xf32>,
        %parallel_loop3A_639 = vector.shape_cast %parallel_loop3A_638 : vector<1x16xf32> to vector<16xf32>
        %parallel_loop3A_640 = arith.constant 4 : i32
        %parallel_loop3A_641 = arith.muli %parallel_loop3A_640, %parallel_loop3A_84 : i32
        %parallel_loop3A_642 = arith.constant 3 : i32
        %parallel_loop3A_643 = arith.addi %parallel_loop3A_641, %parallel_loop3A_642 : i32
        %parallel_loop3A_644 = arith.index_cast %parallel_loop3A_643 : i32 to index
        %parallel_loop3A_645 = arith.constant 224 : index
        %parallel_loop3A_646 = tpu.vector_load %arg5[%parallel_loop3A_644, %parallel_loop3A_645] {strides = array<i32>} : memref<64x512xf32, #tpu.memory_space<vmem>>, vector<1x16xf32>,
        %parallel_loop3A_647 = vector.shape_cast %parallel_loop3A_646 : vector<1x16xf32> to vector<16xf32>
        %parallel_loop3A_648 = arith.addf %parallel_loop3A_639, %parallel_loop3A_647 : vector<16xf32>
        %parallel_loop3A_649 = arith.addf %parallel_loop3A_631, %parallel_loop3A_648 : vector<16xf32>
        %parallel_loop3A_650 = arith.index_cast %parallel_loop3A_84 : i32 to index
        %parallel_loop3A_651 = arith.constant 224 : index
        %parallel_loop3A_652 = tpu.vector_load %arg7[%parallel_loop3A_650, %parallel_loop3A_651] {strides = array<i32>} : memref<16x512xf32, #tpu.memory_space<vmem>>, vector<1x16xf32>,
        %parallel_loop3A_653 = vector.shape_cast %parallel_loop3A_652 : vector<1x16xf32> to vector<16xf32>
        %parallel_loop3A_654 = vector.shape_cast %parallel_loop3A_649 : vector<16xf32> to vector<1x16xf32>
        tpu.vector_store %arg7[%parallel_loop3A_650, %parallel_loop3A_651], %parallel_loop3A_654 {strides = array<i32>} : memref<16x512xf32, #tpu.memory_space<vmem>>, vector<1x16xf32>,
        %parallel_loop3A_655 = arith.constant 4 : i32
        %parallel_loop3A_656 = arith.muli %parallel_loop3A_655, %parallel_loop3A_84 : i32
        %parallel_loop3A_657 = arith.index_cast %parallel_loop3A_656 : i32 to index
        %parallel_loop3A_658 = arith.constant 240 : index
        %parallel_loop3A_659 = tpu.vector_load %arg5[%parallel_loop3A_657, %parallel_loop3A_658] {strides = array<i32>} : memref<64x512xf32, #tpu.memory_space<vmem>>, vector<1x16xf32>,
        %parallel_loop3A_660 = vector.shape_cast %parallel_loop3A_659 : vector<1x16xf32> to vector<16xf32>
        %parallel_loop3A_661 = arith.constant 4 : i32
        %parallel_loop3A_662 = arith.muli %parallel_loop3A_661, %parallel_loop3A_84 : i32
        %parallel_loop3A_663 = arith.constant 1 : i32
        %parallel_loop3A_664 = arith.addi %parallel_loop3A_662, %parallel_loop3A_663 : i32
        %parallel_loop3A_665 = arith.index_cast %parallel_loop3A_664 : i32 to index
        %parallel_loop3A_666 = arith.constant 240 : index
        %parallel_loop3A_667 = tpu.vector_load %arg5[%parallel_loop3A_665, %parallel_loop3A_666] {strides = array<i32>} : memref<64x512xf32, #tpu.memory_space<vmem>>, vector<1x16xf32>,
        %parallel_loop3A_668 = vector.shape_cast %parallel_loop3A_667 : vector<1x16xf32> to vector<16xf32>
        %parallel_loop3A_669 = arith.addf %parallel_loop3A_660, %parallel_loop3A_668 : vector<16xf32>
        %parallel_loop3A_670 = arith.constant 4 : i32
        %parallel_loop3A_671 = arith.muli %parallel_loop3A_670, %parallel_loop3A_84 : i32
        %parallel_loop3A_672 = arith.constant 2 : i32
        %parallel_loop3A_673 = arith.addi %parallel_loop3A_671, %parallel_loop3A_672 : i32
        %parallel_loop3A_674 = arith.index_cast %parallel_loop3A_673 : i32 to index
        %parallel_loop3A_675 = arith.constant 240 : index
        %parallel_loop3A_676 = tpu.vector_load %arg5[%parallel_loop3A_674, %parallel_loop3A_675] {strides = array<i32>} : memref<64x512xf32, #tpu.memory_space<vmem>>, vector<1x16xf32>,
        %parallel_loop3A_677 = vector.shape_cast %parallel_loop3A_676 : vector<1x16xf32> to vector<16xf32>
        %parallel_loop3A_678 = arith.constant 4 : i32
        %parallel_loop3A_679 = arith.muli %parallel_loop3A_678, %parallel_loop3A_84 : i32
        %parallel_loop3A_680 = arith.constant 3 : i32
        %parallel_loop3A_681 = arith.addi %parallel_loop3A_679, %parallel_loop3A_680 : i32
        %parallel_loop3A_682 = arith.index_cast %parallel_loop3A_681 : i32 to index
        %parallel_loop3A_683 = arith.constant 240 : index
        %parallel_loop3A_684 = tpu.vector_load %arg5[%parallel_loop3A_682, %parallel_loop3A_683] {strides = array<i32>} : memref<64x512xf32, #tpu.memory_space<vmem>>, vector<1x16xf32>,
        %parallel_loop3A_685 = vector.shape_cast %parallel_loop3A_684 : vector<1x16xf32> to vector<16xf32>
        %parallel_loop3A_686 = arith.addf %parallel_loop3A_677, %parallel_loop3A_685 : vector<16xf32>
        %parallel_loop3A_687 = arith.addf %parallel_loop3A_669, %parallel_loop3A_686 : vector<16xf32>
        %parallel_loop3A_688 = arith.index_cast %parallel_loop3A_84 : i32 to index
        %parallel_loop3A_689 = arith.constant 240 : index
        %parallel_loop3A_690 = tpu.vector_load %arg7[%parallel_loop3A_688, %parallel_loop3A_689] {strides = array<i32>} : memref<16x512xf32, #tpu.memory_space<vmem>>, vector<1x16xf32>,
        %parallel_loop3A_691 = vector.shape_cast %parallel_loop3A_690 : vector<1x16xf32> to vector<16xf32>
        %parallel_loop3A_692 = vector.shape_cast %parallel_loop3A_687 : vector<16xf32> to vector<1x16xf32>
        tpu.vector_store %arg7[%parallel_loop3A_688, %parallel_loop3A_689], %parallel_loop3A_692 {strides = array<i32>} : memref<16x512xf32, #tpu.memory_space<vmem>>, vector<1x16xf32>,
        %parallel_loop3A_693 = arith.constant 4 : i32
        %parallel_loop3A_694 = arith.muli %parallel_loop3A_693, %parallel_loop3A_84 : i32
        %parallel_loop3A_695 = arith.index_cast %parallel_loop3A_694 : i32 to index
        %parallel_loop3A_696 = arith.constant 256 : index
        %parallel_loop3A_697 = tpu.vector_load %arg5[%parallel_loop3A_695, %parallel_loop3A_696] {strides = array<i32>} : memref<64x512xf32, #tpu.memory_space<vmem>>, vector<1x16xf32>,
        %parallel_loop3A_698 = vector.shape_cast %parallel_loop3A_697 : vector<1x16xf32> to vector<16xf32>
        %parallel_loop3A_699 = arith.constant 4 : i32
        %parallel_loop3A_700 = arith.muli %parallel_loop3A_699, %parallel_loop3A_84 : i32
        %parallel_loop3A_701 = arith.constant 1 : i32
        %parallel_loop3A_702 = arith.addi %parallel_loop3A_700, %parallel_loop3A_701 : i32
        %parallel_loop3A_703 = arith.index_cast %parallel_loop3A_702 : i32 to index
        %parallel_loop3A_704 = arith.constant 256 : index
        %parallel_loop3A_705 = tpu.vector_load %arg5[%parallel_loop3A_703, %parallel_loop3A_704] {strides = array<i32>} : memref<64x512xf32, #tpu.memory_space<vmem>>, vector<1x16xf32>,
        %parallel_loop3A_706 = vector.shape_cast %parallel_loop3A_705 : vector<1x16xf32> to vector<16xf32>
        %parallel_loop3A_707 = arith.addf %parallel_loop3A_698, %parallel_loop3A_706 : vector<16xf32>
        %parallel_loop3A_708 = arith.constant 4 : i32
        %parallel_loop3A_709 = arith.muli %parallel_loop3A_708, %parallel_loop3A_84 : i32
        %parallel_loop3A_710 = arith.constant 2 : i32
        %parallel_loop3A_711 = arith.addi %parallel_loop3A_709, %parallel_loop3A_710 : i32
        %parallel_loop3A_712 = arith.index_cast %parallel_loop3A_711 : i32 to index
        %parallel_loop3A_713 = arith.constant 256 : index
        %parallel_loop3A_714 = tpu.vector_load %arg5[%parallel_loop3A_712, %parallel_loop3A_713] {strides = array<i32>} : memref<64x512xf32, #tpu.memory_space<vmem>>, vector<1x16xf32>,
        %parallel_loop3A_715 = vector.shape_cast %parallel_loop3A_714 : vector<1x16xf32> to vector<16xf32>
        %parallel_loop3A_716 = arith.constant 4 : i32
        %parallel_loop3A_717 = arith.muli %parallel_loop3A_716, %parallel_loop3A_84 : i32
        %parallel_loop3A_718 = arith.constant 3 : i32
        %parallel_loop3A_719 = arith.addi %parallel_loop3A_717, %parallel_loop3A_718 : i32
        %parallel_loop3A_720 = arith.index_cast %parallel_loop3A_719 : i32 to index
        %parallel_loop3A_721 = arith.constant 256 : index
        %parallel_loop3A_722 = tpu.vector_load %arg5[%parallel_loop3A_720, %parallel_loop3A_721] {strides = array<i32>} : memref<64x512xf32, #tpu.memory_space<vmem>>, vector<1x16xf32>,
        %parallel_loop3A_723 = vector.shape_cast %parallel_loop3A_722 : vector<1x16xf32> to vector<16xf32>
        %parallel_loop3A_724 = arith.addf %parallel_loop3A_715, %parallel_loop3A_723 : vector<16xf32>
        %parallel_loop3A_725 = arith.addf %parallel_loop3A_707, %parallel_loop3A_724 : vector<16xf32>
        %parallel_loop3A_726 = arith.index_cast %parallel_loop3A_84 : i32 to index
        %parallel_loop3A_727 = arith.constant 256 : index
        %parallel_loop3A_728 = tpu.vector_load %arg7[%parallel_loop3A_726, %parallel_loop3A_727] {strides = array<i32>} : memref<16x512xf32, #tpu.memory_space<vmem>>, vector<1x16xf32>,
        %parallel_loop3A_729 = vector.shape_cast %parallel_loop3A_728 : vector<1x16xf32> to vector<16xf32>
        %parallel_loop3A_730 = vector.shape_cast %parallel_loop3A_725 : vector<16xf32> to vector<1x16xf32>
        tpu.vector_store %arg7[%parallel_loop3A_726, %parallel_loop3A_727], %parallel_loop3A_730 {strides = array<i32>} : memref<16x512xf32, #tpu.memory_space<vmem>>, vector<1x16xf32>,
        %parallel_loop3A_731 = arith.constant 4 : i32
        %parallel_loop3A_732 = arith.muli %parallel_loop3A_731, %parallel_loop3A_84 : i32
        %parallel_loop3A_733 = arith.index_cast %parallel_loop3A_732 : i32 to index
        %parallel_loop3A_734 = arith.constant 272 : index
        %parallel_loop3A_735 = tpu.vector_load %arg5[%parallel_loop3A_733, %parallel_loop3A_734] {strides = array<i32>} : memref<64x512xf32, #tpu.memory_space<vmem>>, vector<1x16xf32>,
        %parallel_loop3A_736 = vector.shape_cast %parallel_loop3A_735 : vector<1x16xf32> to vector<16xf32>
        %parallel_loop3A_737 = arith.constant 4 : i32
        %parallel_loop3A_738 = arith.muli %parallel_loop3A_737, %parallel_loop3A_84 : i32
        %parallel_loop3A_739 = arith.constant 1 : i32
        %parallel_loop3A_740 = arith.addi %parallel_loop3A_738, %parallel_loop3A_739 : i32
        %parallel_loop3A_741 = arith.index_cast %parallel_loop3A_740 : i32 to index
        %parallel_loop3A_742 = arith.constant 272 : index
        %parallel_loop3A_743 = tpu.vector_load %arg5[%parallel_loop3A_741, %parallel_loop3A_742] {strides = array<i32>} : memref<64x512xf32, #tpu.memory_space<vmem>>, vector<1x16xf32>,
        %parallel_loop3A_744 = vector.shape_cast %parallel_loop3A_743 : vector<1x16xf32> to vector<16xf32>
        %parallel_loop3A_745 = arith.addf %parallel_loop3A_736, %parallel_loop3A_744 : vector<16xf32>
        %parallel_loop3A_746 = arith.constant 4 : i32
        %parallel_loop3A_747 = arith.muli %parallel_loop3A_746, %parallel_loop3A_84 : i32
        %parallel_loop3A_748 = arith.constant 2 : i32
        %parallel_loop3A_749 = arith.addi %parallel_loop3A_747, %parallel_loop3A_748 : i32
        %parallel_loop3A_750 = arith.index_cast %parallel_loop3A_749 : i32 to index
        %parallel_loop3A_751 = arith.constant 272 : index
        %parallel_loop3A_752 = tpu.vector_load %arg5[%parallel_loop3A_750, %parallel_loop3A_751] {strides = array<i32>} : memref<64x512xf32, #tpu.memory_space<vmem>>, vector<1x16xf32>,
        %parallel_loop3A_753 = vector.shape_cast %parallel_loop3A_752 : vector<1x16xf32> to vector<16xf32>
        %parallel_loop3A_754 = arith.constant 4 : i32
        %parallel_loop3A_755 = arith.muli %parallel_loop3A_754, %parallel_loop3A_84 : i32
        %parallel_loop3A_756 = arith.constant 3 : i32
        %parallel_loop3A_757 = arith.addi %parallel_loop3A_755, %parallel_loop3A_756 : i32
        %parallel_loop3A_758 = arith.index_cast %parallel_loop3A_757 : i32 to index
        %parallel_loop3A_759 = arith.constant 272 : index
        %parallel_loop3A_760 = tpu.vector_load %arg5[%parallel_loop3A_758, %parallel_loop3A_759] {strides = array<i32>} : memref<64x512xf32, #tpu.memory_space<vmem>>, vector<1x16xf32>,
        %parallel_loop3A_761 = vector.shape_cast %parallel_loop3A_760 : vector<1x16xf32> to vector<16xf32>
        %parallel_loop3A_762 = arith.addf %parallel_loop3A_753, %parallel_loop3A_761 : vector<16xf32>
        %parallel_loop3A_763 = arith.addf %parallel_loop3A_745, %parallel_loop3A_762 : vector<16xf32>
        %parallel_loop3A_764 = arith.index_cast %parallel_loop3A_84 : i32 to index
        %parallel_loop3A_765 = arith.constant 272 : index
        %parallel_loop3A_766 = tpu.vector_load %arg7[%parallel_loop3A_764, %parallel_loop3A_765] {strides = array<i32>} : memref<16x512xf32, #tpu.memory_space<vmem>>, vector<1x16xf32>,
        %parallel_loop3A_767 = vector.shape_cast %parallel_loop3A_766 : vector<1x16xf32> to vector<16xf32>
        %parallel_loop3A_768 = vector.shape_cast %parallel_loop3A_763 : vector<16xf32> to vector<1x16xf32>
        tpu.vector_store %arg7[%parallel_loop3A_764, %parallel_loop3A_765], %parallel_loop3A_768 {strides = array<i32>} : memref<16x512xf32, #tpu.memory_space<vmem>>, vector<1x16xf32>,
        %parallel_loop3A_769 = arith.constant 4 : i32
        %parallel_loop3A_770 = arith.muli %parallel_loop3A_769, %parallel_loop3A_84 : i32
        %parallel_loop3A_771 = arith.index_cast %parallel_loop3A_770 : i32 to index
        %parallel_loop3A_772 = arith.constant 288 : index
        %parallel_loop3A_773 = tpu.vector_load %arg5[%parallel_loop3A_771, %parallel_loop3A_772] {strides = array<i32>} : memref<64x512xf32, #tpu.memory_space<vmem>>, vector<1x16xf32>,
        %parallel_loop3A_774 = vector.shape_cast %parallel_loop3A_773 : vector<1x16xf32> to vector<16xf32>
        %parallel_loop3A_775 = arith.constant 4 : i32
        %parallel_loop3A_776 = arith.muli %parallel_loop3A_775, %parallel_loop3A_84 : i32
        %parallel_loop3A_777 = arith.constant 1 : i32
        %parallel_loop3A_778 = arith.addi %parallel_loop3A_776, %parallel_loop3A_777 : i32
        %parallel_loop3A_779 = arith.index_cast %parallel_loop3A_778 : i32 to index
        %parallel_loop3A_780 = arith.constant 288 : index
        %parallel_loop3A_781 = tpu.vector_load %arg5[%parallel_loop3A_779, %parallel_loop3A_780] {strides = array<i32>} : memref<64x512xf32, #tpu.memory_space<vmem>>, vector<1x16xf32>,
        %parallel_loop3A_782 = vector.shape_cast %parallel_loop3A_781 : vector<1x16xf32> to vector<16xf32>
        %parallel_loop3A_783 = arith.addf %parallel_loop3A_774, %parallel_loop3A_782 : vector<16xf32>
        %parallel_loop3A_784 = arith.constant 4 : i32
        %parallel_loop3A_785 = arith.muli %parallel_loop3A_784, %parallel_loop3A_84 : i32
        %parallel_loop3A_786 = arith.constant 2 : i32
        %parallel_loop3A_787 = arith.addi %parallel_loop3A_785, %parallel_loop3A_786 : i32
        %parallel_loop3A_788 = arith.index_cast %parallel_loop3A_787 : i32 to index
        %parallel_loop3A_789 = arith.constant 288 : index
        %parallel_loop3A_790 = tpu.vector_load %arg5[%parallel_loop3A_788, %parallel_loop3A_789] {strides = array<i32>} : memref<64x512xf32, #tpu.memory_space<vmem>>, vector<1x16xf32>,
        %parallel_loop3A_791 = vector.shape_cast %parallel_loop3A_790 : vector<1x16xf32> to vector<16xf32>
        %parallel_loop3A_792 = arith.constant 4 : i32
        %parallel_loop3A_793 = arith.muli %parallel_loop3A_792, %parallel_loop3A_84 : i32
        %parallel_loop3A_794 = arith.constant 3 : i32
        %parallel_loop3A_795 = arith.addi %parallel_loop3A_793, %parallel_loop3A_794 : i32
        %parallel_loop3A_796 = arith.index_cast %parallel_loop3A_795 : i32 to index
        %parallel_loop3A_797 = arith.constant 288 : index
        %parallel_loop3A_798 = tpu.vector_load %arg5[%parallel_loop3A_796, %parallel_loop3A_797] {strides = array<i32>} : memref<64x512xf32, #tpu.memory_space<vmem>>, vector<1x16xf32>,
        %parallel_loop3A_799 = vector.shape_cast %parallel_loop3A_798 : vector<1x16xf32> to vector<16xf32>
        %parallel_loop3A_800 = arith.addf %parallel_loop3A_791, %parallel_loop3A_799 : vector<16xf32>
        %parallel_loop3A_801 = arith.addf %parallel_loop3A_783, %parallel_loop3A_800 : vector<16xf32>
        %parallel_loop3A_802 = arith.index_cast %parallel_loop3A_84 : i32 to index
        %parallel_loop3A_803 = arith.constant 288 : index
        %parallel_loop3A_804 = tpu.vector_load %arg7[%parallel_loop3A_802, %parallel_loop3A_803] {strides = array<i32>} : memref<16x512xf32, #tpu.memory_space<vmem>>, vector<1x16xf32>,
        %parallel_loop3A_805 = vector.shape_cast %parallel_loop3A_804 : vector<1x16xf32> to vector<16xf32>
        %parallel_loop3A_806 = vector.shape_cast %parallel_loop3A_801 : vector<16xf32> to vector<1x16xf32>
        tpu.vector_store %arg7[%parallel_loop3A_802, %parallel_loop3A_803], %parallel_loop3A_806 {strides = array<i32>} : memref<16x512xf32, #tpu.memory_space<vmem>>, vector<1x16xf32>,
        %parallel_loop3A_807 = arith.constant 4 : i32
        %parallel_loop3A_808 = arith.muli %parallel_loop3A_807, %parallel_loop3A_84 : i32
        %parallel_loop3A_809 = arith.index_cast %parallel_loop3A_808 : i32 to index
        %parallel_loop3A_810 = arith.constant 304 : index
        %parallel_loop3A_811 = tpu.vector_load %arg5[%parallel_loop3A_809, %parallel_loop3A_810] {strides = array<i32>} : memref<64x512xf32, #tpu.memory_space<vmem>>, vector<1x16xf32>,
        %parallel_loop3A_812 = vector.shape_cast %parallel_loop3A_811 : vector<1x16xf32> to vector<16xf32>
        %parallel_loop3A_813 = arith.constant 4 : i32
        %parallel_loop3A_814 = arith.muli %parallel_loop3A_813, %parallel_loop3A_84 : i32
        %parallel_loop3A_815 = arith.constant 1 : i32
        %parallel_loop3A_816 = arith.addi %parallel_loop3A_814, %parallel_loop3A_815 : i32
        %parallel_loop3A_817 = arith.index_cast %parallel_loop3A_816 : i32 to index
        %parallel_loop3A_818 = arith.constant 304 : index
        %parallel_loop3A_819 = tpu.vector_load %arg5[%parallel_loop3A_817, %parallel_loop3A_818] {strides = array<i32>} : memref<64x512xf32, #tpu.memory_space<vmem>>, vector<1x16xf32>,
        %parallel_loop3A_820 = vector.shape_cast %parallel_loop3A_819 : vector<1x16xf32> to vector<16xf32>
        %parallel_loop3A_821 = arith.addf %parallel_loop3A_812, %parallel_loop3A_820 : vector<16xf32>
        %parallel_loop3A_822 = arith.constant 4 : i32
        %parallel_loop3A_823 = arith.muli %parallel_loop3A_822, %parallel_loop3A_84 : i32
        %parallel_loop3A_824 = arith.constant 2 : i32
        %parallel_loop3A_825 = arith.addi %parallel_loop3A_823, %parallel_loop3A_824 : i32
        %parallel_loop3A_826 = arith.index_cast %parallel_loop3A_825 : i32 to index
        %parallel_loop3A_827 = arith.constant 304 : index
        %parallel_loop3A_828 = tpu.vector_load %arg5[%parallel_loop3A_826, %parallel_loop3A_827] {strides = array<i32>} : memref<64x512xf32, #tpu.memory_space<vmem>>, vector<1x16xf32>,
        %parallel_loop3A_829 = vector.shape_cast %parallel_loop3A_828 : vector<1x16xf32> to vector<16xf32>
        %parallel_loop3A_830 = arith.constant 4 : i32
        %parallel_loop3A_831 = arith.muli %parallel_loop3A_830, %parallel_loop3A_84 : i32
        %parallel_loop3A_832 = arith.constant 3 : i32
        %parallel_loop3A_833 = arith.addi %parallel_loop3A_831, %parallel_loop3A_832 : i32
        %parallel_loop3A_834 = arith.index_cast %parallel_loop3A_833 : i32 to index
        %parallel_loop3A_835 = arith.constant 304 : index
        %parallel_loop3A_836 = tpu.vector_load %arg5[%parallel_loop3A_834, %parallel_loop3A_835] {strides = array<i32>} : memref<64x512xf32, #tpu.memory_space<vmem>>, vector<1x16xf32>,
        %parallel_loop3A_837 = vector.shape_cast %parallel_loop3A_836 : vector<1x16xf32> to vector<16xf32>
        %parallel_loop3A_838 = arith.addf %parallel_loop3A_829, %parallel_loop3A_837 : vector<16xf32>
        %parallel_loop3A_839 = arith.addf %parallel_loop3A_821, %parallel_loop3A_838 : vector<16xf32>
        %parallel_loop3A_840 = arith.index_cast %parallel_loop3A_84 : i32 to index
        %parallel_loop3A_841 = arith.constant 304 : index
        %parallel_loop3A_842 = tpu.vector_load %arg7[%parallel_loop3A_840, %parallel_loop3A_841] {strides = array<i32>} : memref<16x512xf32, #tpu.memory_space<vmem>>, vector<1x16xf32>,
        %parallel_loop3A_843 = vector.shape_cast %parallel_loop3A_842 : vector<1x16xf32> to vector<16xf32>
        %parallel_loop3A_844 = vector.shape_cast %parallel_loop3A_839 : vector<16xf32> to vector<1x16xf32>
        tpu.vector_store %arg7[%parallel_loop3A_840, %parallel_loop3A_841], %parallel_loop3A_844 {strides = array<i32>} : memref<16x512xf32, #tpu.memory_space<vmem>>, vector<1x16xf32>,
        %parallel_loop3A_845 = arith.constant 4 : i32
        %parallel_loop3A_846 = arith.muli %parallel_loop3A_845, %parallel_loop3A_84 : i32
        %parallel_loop3A_847 = arith.index_cast %parallel_loop3A_846 : i32 to index
        %parallel_loop3A_848 = arith.constant 320 : index
        %parallel_loop3A_849 = tpu.vector_load %arg5[%parallel_loop3A_847, %parallel_loop3A_848] {strides = array<i32>} : memref<64x512xf32, #tpu.memory_space<vmem>>, vector<1x16xf32>,
        %parallel_loop3A_850 = vector.shape_cast %parallel_loop3A_849 : vector<1x16xf32> to vector<16xf32>
        %parallel_loop3A_851 = arith.constant 4 : i32
        %parallel_loop3A_852 = arith.muli %parallel_loop3A_851, %parallel_loop3A_84 : i32
        %parallel_loop3A_853 = arith.constant 1 : i32
        %parallel_loop3A_854 = arith.addi %parallel_loop3A_852, %parallel_loop3A_853 : i32
        %parallel_loop3A_855 = arith.index_cast %parallel_loop3A_854 : i32 to index
        %parallel_loop3A_856 = arith.constant 320 : index
        %parallel_loop3A_857 = tpu.vector_load %arg5[%parallel_loop3A_855, %parallel_loop3A_856] {strides = array<i32>} : memref<64x512xf32, #tpu.memory_space<vmem>>, vector<1x16xf32>,
        %parallel_loop3A_858 = vector.shape_cast %parallel_loop3A_857 : vector<1x16xf32> to vector<16xf32>
        %parallel_loop3A_859 = arith.addf %parallel_loop3A_850, %parallel_loop3A_858 : vector<16xf32>
        %parallel_loop3A_860 = arith.constant 4 : i32
        %parallel_loop3A_861 = arith.muli %parallel_loop3A_860, %parallel_loop3A_84 : i32
        %parallel_loop3A_862 = arith.constant 2 : i32
        %parallel_loop3A_863 = arith.addi %parallel_loop3A_861, %parallel_loop3A_862 : i32
        %parallel_loop3A_864 = arith.index_cast %parallel_loop3A_863 : i32 to index
        %parallel_loop3A_865 = arith.constant 320 : index
        %parallel_loop3A_866 = tpu.vector_load %arg5[%parallel_loop3A_864, %parallel_loop3A_865] {strides = array<i32>} : memref<64x512xf32, #tpu.memory_space<vmem>>, vector<1x16xf32>,
        %parallel_loop3A_867 = vector.shape_cast %parallel_loop3A_866 : vector<1x16xf32> to vector<16xf32>
        %parallel_loop3A_868 = arith.constant 4 : i32
        %parallel_loop3A_869 = arith.muli %parallel_loop3A_868, %parallel_loop3A_84 : i32
        %parallel_loop3A_870 = arith.constant 3 : i32
        %parallel_loop3A_871 = arith.addi %parallel_loop3A_869, %parallel_loop3A_870 : i32
        %parallel_loop3A_872 = arith.index_cast %parallel_loop3A_871 : i32 to index
        %parallel_loop3A_873 = arith.constant 320 : index
        %parallel_loop3A_874 = tpu.vector_load %arg5[%parallel_loop3A_872, %parallel_loop3A_873] {strides = array<i32>} : memref<64x512xf32, #tpu.memory_space<vmem>>, vector<1x16xf32>,
        %parallel_loop3A_875 = vector.shape_cast %parallel_loop3A_874 : vector<1x16xf32> to vector<16xf32>
        %parallel_loop3A_876 = arith.addf %parallel_loop3A_867, %parallel_loop3A_875 : vector<16xf32>
        %parallel_loop3A_877 = arith.addf %parallel_loop3A_859, %parallel_loop3A_876 : vector<16xf32>
        %parallel_loop3A_878 = arith.index_cast %parallel_loop3A_84 : i32 to index
        %parallel_loop3A_879 = arith.constant 320 : index
        %parallel_loop3A_880 = tpu.vector_load %arg7[%parallel_loop3A_878, %parallel_loop3A_879] {strides = array<i32>} : memref<16x512xf32, #tpu.memory_space<vmem>>, vector<1x16xf32>,
        %parallel_loop3A_881 = vector.shape_cast %parallel_loop3A_880 : vector<1x16xf32> to vector<16xf32>
        %parallel_loop3A_882 = vector.shape_cast %parallel_loop3A_877 : vector<16xf32> to vector<1x16xf32>
        tpu.vector_store %arg7[%parallel_loop3A_878, %parallel_loop3A_879], %parallel_loop3A_882 {strides = array<i32>} : memref<16x512xf32, #tpu.memory_space<vmem>>, vector<1x16xf32>,
        %parallel_loop3A_883 = arith.constant 4 : i32
        %parallel_loop3A_884 = arith.muli %parallel_loop3A_883, %parallel_loop3A_84 : i32
        %parallel_loop3A_885 = arith.index_cast %parallel_loop3A_884 : i32 to index
        %parallel_loop3A_886 = arith.constant 336 : index
        %parallel_loop3A_887 = tpu.vector_load %arg5[%parallel_loop3A_885, %parallel_loop3A_886] {strides = array<i32>} : memref<64x512xf32, #tpu.memory_space<vmem>>, vector<1x16xf32>,
        %parallel_loop3A_888 = vector.shape_cast %parallel_loop3A_887 : vector<1x16xf32> to vector<16xf32>
        %parallel_loop3A_889 = arith.constant 4 : i32
        %parallel_loop3A_890 = arith.muli %parallel_loop3A_889, %parallel_loop3A_84 : i32
        %parallel_loop3A_891 = arith.constant 1 : i32
        %parallel_loop3A_892 = arith.addi %parallel_loop3A_890, %parallel_loop3A_891 : i32
        %parallel_loop3A_893 = arith.index_cast %parallel_loop3A_892 : i32 to index
        %parallel_loop3A_894 = arith.constant 336 : index
        %parallel_loop3A_895 = tpu.vector_load %arg5[%parallel_loop3A_893, %parallel_loop3A_894] {strides = array<i32>} : memref<64x512xf32, #tpu.memory_space<vmem>>, vector<1x16xf32>,
        %parallel_loop3A_896 = vector.shape_cast %parallel_loop3A_895 : vector<1x16xf32> to vector<16xf32>
        %parallel_loop3A_897 = arith.addf %parallel_loop3A_888, %parallel_loop3A_896 : vector<16xf32>
        %parallel_loop3A_898 = arith.constant 4 : i32
        %parallel_loop3A_899 = arith.muli %parallel_loop3A_898, %parallel_loop3A_84 : i32
        %parallel_loop3A_900 = arith.constant 2 : i32
        %parallel_loop3A_901 = arith.addi %parallel_loop3A_899, %parallel_loop3A_900 : i32
        %parallel_loop3A_902 = arith.index_cast %parallel_loop3A_901 : i32 to index
        %parallel_loop3A_903 = arith.constant 336 : index
        %parallel_loop3A_904 = tpu.vector_load %arg5[%parallel_loop3A_902, %parallel_loop3A_903] {strides = array<i32>} : memref<64x512xf32, #tpu.memory_space<vmem>>, vector<1x16xf32>,
        %parallel_loop3A_905 = vector.shape_cast %parallel_loop3A_904 : vector<1x16xf32> to vector<16xf32>
        %parallel_loop3A_906 = arith.constant 4 : i32
        %parallel_loop3A_907 = arith.muli %parallel_loop3A_906, %parallel_loop3A_84 : i32
        %parallel_loop3A_908 = arith.constant 3 : i32
        %parallel_loop3A_909 = arith.addi %parallel_loop3A_907, %parallel_loop3A_908 : i32
        %parallel_loop3A_910 = arith.index_cast %parallel_loop3A_909 : i32 to index
        %parallel_loop3A_911 = arith.constant 336 : index
        %parallel_loop3A_912 = tpu.vector_load %arg5[%parallel_loop3A_910, %parallel_loop3A_911] {strides = array<i32>} : memref<64x512xf32, #tpu.memory_space<vmem>>, vector<1x16xf32>,
        %parallel_loop3A_913 = vector.shape_cast %parallel_loop3A_912 : vector<1x16xf32> to vector<16xf32>
        %parallel_loop3A_914 = arith.addf %parallel_loop3A_905, %parallel_loop3A_913 : vector<16xf32>
        %parallel_loop3A_915 = arith.addf %parallel_loop3A_897, %parallel_loop3A_914 : vector<16xf32>
        %parallel_loop3A_916 = arith.index_cast %parallel_loop3A_84 : i32 to index
        %parallel_loop3A_917 = arith.constant 336 : index
        %parallel_loop3A_918 = tpu.vector_load %arg7[%parallel_loop3A_916, %parallel_loop3A_917] {strides = array<i32>} : memref<16x512xf32, #tpu.memory_space<vmem>>, vector<1x16xf32>,
        %parallel_loop3A_919 = vector.shape_cast %parallel_loop3A_918 : vector<1x16xf32> to vector<16xf32>
        %parallel_loop3A_920 = vector.shape_cast %parallel_loop3A_915 : vector<16xf32> to vector<1x16xf32>
        tpu.vector_store %arg7[%parallel_loop3A_916, %parallel_loop3A_917], %parallel_loop3A_920 {strides = array<i32>} : memref<16x512xf32, #tpu.memory_space<vmem>>, vector<1x16xf32>,
        %parallel_loop3A_921 = arith.constant 4 : i32
        %parallel_loop3A_922 = arith.muli %parallel_loop3A_921, %parallel_loop3A_84 : i32
        %parallel_loop3A_923 = arith.index_cast %parallel_loop3A_922 : i32 to index
        %parallel_loop3A_924 = arith.constant 352 : index
        %parallel_loop3A_925 = tpu.vector_load %arg5[%parallel_loop3A_923, %parallel_loop3A_924] {strides = array<i32>} : memref<64x512xf32, #tpu.memory_space<vmem>>, vector<1x16xf32>,
        %parallel_loop3A_926 = vector.shape_cast %parallel_loop3A_925 : vector<1x16xf32> to vector<16xf32>
        %parallel_loop3A_927 = arith.constant 4 : i32
        %parallel_loop3A_928 = arith.muli %parallel_loop3A_927, %parallel_loop3A_84 : i32
        %parallel_loop3A_929 = arith.constant 1 : i32
        %parallel_loop3A_930 = arith.addi %parallel_loop3A_928, %parallel_loop3A_929 : i32
        %parallel_loop3A_931 = arith.index_cast %parallel_loop3A_930 : i32 to index
        %parallel_loop3A_932 = arith.constant 352 : index
        %parallel_loop3A_933 = tpu.vector_load %arg5[%parallel_loop3A_931, %parallel_loop3A_932] {strides = array<i32>} : memref<64x512xf32, #tpu.memory_space<vmem>>, vector<1x16xf32>,
        %parallel_loop3A_934 = vector.shape_cast %parallel_loop3A_933 : vector<1x16xf32> to vector<16xf32>
        %parallel_loop3A_935 = arith.addf %parallel_loop3A_926, %parallel_loop3A_934 : vector<16xf32>
        %parallel_loop3A_936 = arith.constant 4 : i32
        %parallel_loop3A_937 = arith.muli %parallel_loop3A_936, %parallel_loop3A_84 : i32
        %parallel_loop3A_938 = arith.constant 2 : i32
        %parallel_loop3A_939 = arith.addi %parallel_loop3A_937, %parallel_loop3A_938 : i32
        %parallel_loop3A_940 = arith.index_cast %parallel_loop3A_939 : i32 to index
        %parallel_loop3A_941 = arith.constant 352 : index
        %parallel_loop3A_942 = tpu.vector_load %arg5[%parallel_loop3A_940, %parallel_loop3A_941] {strides = array<i32>} : memref<64x512xf32, #tpu.memory_space<vmem>>, vector<1x16xf32>,
        %parallel_loop3A_943 = vector.shape_cast %parallel_loop3A_942 : vector<1x16xf32> to vector<16xf32>
        %parallel_loop3A_944 = arith.constant 4 : i32
        %parallel_loop3A_945 = arith.muli %parallel_loop3A_944, %parallel_loop3A_84 : i32
        %parallel_loop3A_946 = arith.constant 3 : i32
        %parallel_loop3A_947 = arith.addi %parallel_loop3A_945, %parallel_loop3A_946 : i32
        %parallel_loop3A_948 = arith.index_cast %parallel_loop3A_947 : i32 to index
        %parallel_loop3A_949 = arith.constant 352 : index
        %parallel_loop3A_950 = tpu.vector_load %arg5[%parallel_loop3A_948, %parallel_loop3A_949] {strides = array<i32>} : memref<64x512xf32, #tpu.memory_space<vmem>>, vector<1x16xf32>,
        %parallel_loop3A_951 = vector.shape_cast %parallel_loop3A_950 : vector<1x16xf32> to vector<16xf32>
        %parallel_loop3A_952 = arith.addf %parallel_loop3A_943, %parallel_loop3A_951 : vector<16xf32>
        %parallel_loop3A_953 = arith.addf %parallel_loop3A_935, %parallel_loop3A_952 : vector<16xf32>
        %parallel_loop3A_954 = arith.index_cast %parallel_loop3A_84 : i32 to index
        %parallel_loop3A_955 = arith.constant 352 : index
        %parallel_loop3A_956 = tpu.vector_load %arg7[%parallel_loop3A_954, %parallel_loop3A_955] {strides = array<i32>} : memref<16x512xf32, #tpu.memory_space<vmem>>, vector<1x16xf32>,
        %parallel_loop3A_957 = vector.shape_cast %parallel_loop3A_956 : vector<1x16xf32> to vector<16xf32>
        %parallel_loop3A_958 = vector.shape_cast %parallel_loop3A_953 : vector<16xf32> to vector<1x16xf32>
        tpu.vector_store %arg7[%parallel_loop3A_954, %parallel_loop3A_955], %parallel_loop3A_958 {strides = array<i32>} : memref<16x512xf32, #tpu.memory_space<vmem>>, vector<1x16xf32>,
        %parallel_loop3A_959 = arith.constant 4 : i32
        %parallel_loop3A_960 = arith.muli %parallel_loop3A_959, %parallel_loop3A_84 : i32
        %parallel_loop3A_961 = arith.index_cast %parallel_loop3A_960 : i32 to index
        %parallel_loop3A_962 = arith.constant 368 : index
        %parallel_loop3A_963 = tpu.vector_load %arg5[%parallel_loop3A_961, %parallel_loop3A_962] {strides = array<i32>} : memref<64x512xf32, #tpu.memory_space<vmem>>, vector<1x16xf32>,
        %parallel_loop3A_964 = vector.shape_cast %parallel_loop3A_963 : vector<1x16xf32> to vector<16xf32>
        %parallel_loop3A_965 = arith.constant 4 : i32
        %parallel_loop3A_966 = arith.muli %parallel_loop3A_965, %parallel_loop3A_84 : i32
        %parallel_loop3A_967 = arith.constant 1 : i32
        %parallel_loop3A_968 = arith.addi %parallel_loop3A_966, %parallel_loop3A_967 : i32
        %parallel_loop3A_969 = arith.index_cast %parallel_loop3A_968 : i32 to index
        %parallel_loop3A_970 = arith.constant 368 : index
        %parallel_loop3A_971 = tpu.vector_load %arg5[%parallel_loop3A_969, %parallel_loop3A_970] {strides = array<i32>} : memref<64x512xf32, #tpu.memory_space<vmem>>, vector<1x16xf32>,
        %parallel_loop3A_972 = vector.shape_cast %parallel_loop3A_971 : vector<1x16xf32> to vector<16xf32>
        %parallel_loop3A_973 = arith.addf %parallel_loop3A_964, %parallel_loop3A_972 : vector<16xf32>
        %parallel_loop3A_974 = arith.constant 4 : i32
        %parallel_loop3A_975 = arith.muli %parallel_loop3A_974, %parallel_loop3A_84 : i32
        %parallel_loop3A_976 = arith.constant 2 : i32
        %parallel_loop3A_977 = arith.addi %parallel_loop3A_975, %parallel_loop3A_976 : i32
        %parallel_loop3A_978 = arith.index_cast %parallel_loop3A_977 : i32 to index
        %parallel_loop3A_979 = arith.constant 368 : index
        %parallel_loop3A_980 = tpu.vector_load %arg5[%parallel_loop3A_978, %parallel_loop3A_979] {strides = array<i32>} : memref<64x512xf32, #tpu.memory_space<vmem>>, vector<1x16xf32>,
        %parallel_loop3A_981 = vector.shape_cast %parallel_loop3A_980 : vector<1x16xf32> to vector<16xf32>
        %parallel_loop3A_982 = arith.constant 4 : i32
        %parallel_loop3A_983 = arith.muli %parallel_loop3A_982, %parallel_loop3A_84 : i32
        %parallel_loop3A_984 = arith.constant 3 : i32
        %parallel_loop3A_985 = arith.addi %parallel_loop3A_983, %parallel_loop3A_984 : i32
        %parallel_loop3A_986 = arith.index_cast %parallel_loop3A_985 : i32 to index
        %parallel_loop3A_987 = arith.constant 368 : index
        %parallel_loop3A_988 = tpu.vector_load %arg5[%parallel_loop3A_986, %parallel_loop3A_987] {strides = array<i32>} : memref<64x512xf32, #tpu.memory_space<vmem>>, vector<1x16xf32>,
        %parallel_loop3A_989 = vector.shape_cast %parallel_loop3A_988 : vector<1x16xf32> to vector<16xf32>
        %parallel_loop3A_990 = arith.addf %parallel_loop3A_981, %parallel_loop3A_989 : vector<16xf32>
        %parallel_loop3A_991 = arith.addf %parallel_loop3A_973, %parallel_loop3A_990 : vector<16xf32>
        %parallel_loop3A_992 = arith.index_cast %parallel_loop3A_84 : i32 to index
        %parallel_loop3A_993 = arith.constant 368 : index
        %parallel_loop3A_994 = tpu.vector_load %arg7[%parallel_loop3A_992, %parallel_loop3A_993] {strides = array<i32>} : memref<16x512xf32, #tpu.memory_space<vmem>>, vector<1x16xf32>,
        %parallel_loop3A_995 = vector.shape_cast %parallel_loop3A_994 : vector<1x16xf32> to vector<16xf32>
        %parallel_loop3A_996 = vector.shape_cast %parallel_loop3A_991 : vector<16xf32> to vector<1x16xf32>
        tpu.vector_store %arg7[%parallel_loop3A_992, %parallel_loop3A_993], %parallel_loop3A_996 {strides = array<i32>} : memref<16x512xf32, #tpu.memory_space<vmem>>, vector<1x16xf32>,
        %parallel_loop3A_997 = arith.constant 4 : i32
        %parallel_loop3A_998 = arith.muli %parallel_loop3A_997, %parallel_loop3A_84 : i32
        %parallel_loop3A_999 = arith.index_cast %parallel_loop3A_998 : i32 to index
        %parallel_loop3A_1000 = arith.constant 384 : index
        %parallel_loop3A_1001 = tpu.vector_load %arg5[%parallel_loop3A_999, %parallel_loop3A_1000] {strides = array<i32>} : memref<64x512xf32, #tpu.memory_space<vmem>>, vector<1x16xf32>,
        %parallel_loop3A_1002 = vector.shape_cast %parallel_loop3A_1001 : vector<1x16xf32> to vector<16xf32>
        %parallel_loop3A_1003 = arith.constant 4 : i32
        %parallel_loop3A_1004 = arith.muli %parallel_loop3A_1003, %parallel_loop3A_84 : i32
        %parallel_loop3A_1005 = arith.constant 1 : i32
        %parallel_loop3A_1006 = arith.addi %parallel_loop3A_1004, %parallel_loop3A_1005 : i32
        %parallel_loop3A_1007 = arith.index_cast %parallel_loop3A_1006 : i32 to index
        %parallel_loop3A_1008 = arith.constant 384 : index
        %parallel_loop3A_1009 = tpu.vector_load %arg5[%parallel_loop3A_1007, %parallel_loop3A_1008] {strides = array<i32>} : memref<64x512xf32, #tpu.memory_space<vmem>>, vector<1x16xf32>,
        %parallel_loop3A_1010 = vector.shape_cast %parallel_loop3A_1009 : vector<1x16xf32> to vector<16xf32>
        %parallel_loop3A_1011 = arith.addf %parallel_loop3A_1002, %parallel_loop3A_1010 : vector<16xf32>
        %parallel_loop3A_1012 = arith.constant 4 : i32
        %parallel_loop3A_1013 = arith.muli %parallel_loop3A_1012, %parallel_loop3A_84 : i32
        %parallel_loop3A_1014 = arith.constant 2 : i32
        %parallel_loop3A_1015 = arith.addi %parallel_loop3A_1013, %parallel_loop3A_1014 : i32
        %parallel_loop3A_1016 = arith.index_cast %parallel_loop3A_1015 : i32 to index
        %parallel_loop3A_1017 = arith.constant 384 : index
        %parallel_loop3A_1018 = tpu.vector_load %arg5[%parallel_loop3A_1016, %parallel_loop3A_1017] {strides = array<i32>} : memref<64x512xf32, #tpu.memory_space<vmem>>, vector<1x16xf32>,
        %parallel_loop3A_1019 = vector.shape_cast %parallel_loop3A_1018 : vector<1x16xf32> to vector<16xf32>
        %parallel_loop3A_1020 = arith.constant 4 : i32
        %parallel_loop3A_1021 = arith.muli %parallel_loop3A_1020, %parallel_loop3A_84 : i32
        %parallel_loop3A_1022 = arith.constant 3 : i32
        %parallel_loop3A_1023 = arith.addi %parallel_loop3A_1021, %parallel_loop3A_1022 : i32
        %parallel_loop3A_1024 = arith.index_cast %parallel_loop3A_1023 : i32 to index
        %parallel_loop3A_1025 = arith.constant 384 : index
        %parallel_loop3A_1026 = tpu.vector_load %arg5[%parallel_loop3A_1024, %parallel_loop3A_1025] {strides = array<i32>} : memref<64x512xf32, #tpu.memory_space<vmem>>, vector<1x16xf32>,
        %parallel_loop3A_1027 = vector.shape_cast %parallel_loop3A_1026 : vector<1x16xf32> to vector<16xf32>
        %parallel_loop3A_1028 = arith.addf %parallel_loop3A_1019, %parallel_loop3A_1027 : vector<16xf32>
        %parallel_loop3A_1029 = arith.addf %parallel_loop3A_1011, %parallel_loop3A_1028 : vector<16xf32>
        %parallel_loop3A_1030 = arith.index_cast %parallel_loop3A_84 : i32 to index
        %parallel_loop3A_1031 = arith.constant 384 : index
        %parallel_loop3A_1032 = tpu.vector_load %arg7[%parallel_loop3A_1030, %parallel_loop3A_1031] {strides = array<i32>} : memref<16x512xf32, #tpu.memory_space<vmem>>, vector<1x16xf32>,
        %parallel_loop3A_1033 = vector.shape_cast %parallel_loop3A_1032 : vector<1x16xf32> to vector<16xf32>
        %parallel_loop3A_1034 = vector.shape_cast %parallel_loop3A_1029 : vector<16xf32> to vector<1x16xf32>
        tpu.vector_store %arg7[%parallel_loop3A_1030, %parallel_loop3A_1031], %parallel_loop3A_1034 {strides = array<i32>} : memref<16x512xf32, #tpu.memory_space<vmem>>, vector<1x16xf32>,
        %parallel_loop3A_1035 = arith.constant 4 : i32
        %parallel_loop3A_1036 = arith.muli %parallel_loop3A_1035, %parallel_loop3A_84 : i32
        %parallel_loop3A_1037 = arith.index_cast %parallel_loop3A_1036 : i32 to index
        %parallel_loop3A_1038 = arith.constant 400 : index
        %parallel_loop3A_1039 = tpu.vector_load %arg5[%parallel_loop3A_1037, %parallel_loop3A_1038] {strides = array<i32>} : memref<64x512xf32, #tpu.memory_space<vmem>>, vector<1x16xf32>,
        %parallel_loop3A_1040 = vector.shape_cast %parallel_loop3A_1039 : vector<1x16xf32> to vector<16xf32>
        %parallel_loop3A_1041 = arith.constant 4 : i32
        %parallel_loop3A_1042 = arith.muli %parallel_loop3A_1041, %parallel_loop3A_84 : i32
        %parallel_loop3A_1043 = arith.constant 1 : i32
        %parallel_loop3A_1044 = arith.addi %parallel_loop3A_1042, %parallel_loop3A_1043 : i32
        %parallel_loop3A_1045 = arith.index_cast %parallel_loop3A_1044 : i32 to index
        %parallel_loop3A_1046 = arith.constant 400 : index
        %parallel_loop3A_1047 = tpu.vector_load %arg5[%parallel_loop3A_1045, %parallel_loop3A_1046] {strides = array<i32>} : memref<64x512xf32, #tpu.memory_space<vmem>>, vector<1x16xf32>,
        %parallel_loop3A_1048 = vector.shape_cast %parallel_loop3A_1047 : vector<1x16xf32> to vector<16xf32>
        %parallel_loop3A_1049 = arith.addf %parallel_loop3A_1040, %parallel_loop3A_1048 : vector<16xf32>
        %parallel_loop3A_1050 = arith.constant 4 : i32
        %parallel_loop3A_1051 = arith.muli %parallel_loop3A_1050, %parallel_loop3A_84 : i32
        %parallel_loop3A_1052 = arith.constant 2 : i32
        %parallel_loop3A_1053 = arith.addi %parallel_loop3A_1051, %parallel_loop3A_1052 : i32
        %parallel_loop3A_1054 = arith.index_cast %parallel_loop3A_1053 : i32 to index
        %parallel_loop3A_1055 = arith.constant 400 : index
        %parallel_loop3A_1056 = tpu.vector_load %arg5[%parallel_loop3A_1054, %parallel_loop3A_1055] {strides = array<i32>} : memref<64x512xf32, #tpu.memory_space<vmem>>, vector<1x16xf32>,
        %parallel_loop3A_1057 = vector.shape_cast %parallel_loop3A_1056 : vector<1x16xf32> to vector<16xf32>
        %parallel_loop3A_1058 = arith.constant 4 : i32
        %parallel_loop3A_1059 = arith.muli %parallel_loop3A_1058, %parallel_loop3A_84 : i32
        %parallel_loop3A_1060 = arith.constant 3 : i32
        %parallel_loop3A_1061 = arith.addi %parallel_loop3A_1059, %parallel_loop3A_1060 : i32
        %parallel_loop3A_1062 = arith.index_cast %parallel_loop3A_1061 : i32 to index
        %parallel_loop3A_1063 = arith.constant 400 : index
        %parallel_loop3A_1064 = tpu.vector_load %arg5[%parallel_loop3A_1062, %parallel_loop3A_1063] {strides = array<i32>} : memref<64x512xf32, #tpu.memory_space<vmem>>, vector<1x16xf32>,
        %parallel_loop3A_1065 = vector.shape_cast %parallel_loop3A_1064 : vector<1x16xf32> to vector<16xf32>
        %parallel_loop3A_1066 = arith.addf %parallel_loop3A_1057, %parallel_loop3A_1065 : vector<16xf32>
        %parallel_loop3A_1067 = arith.addf %parallel_loop3A_1049, %parallel_loop3A_1066 : vector<16xf32>
        %parallel_loop3A_1068 = arith.index_cast %parallel_loop3A_84 : i32 to index
        %parallel_loop3A_1069 = arith.constant 400 : index
        %parallel_loop3A_1070 = tpu.vector_load %arg7[%parallel_loop3A_1068, %parallel_loop3A_1069] {strides = array<i32>} : memref<16x512xf32, #tpu.memory_space<vmem>>, vector<1x16xf32>,
        %parallel_loop3A_1071 = vector.shape_cast %parallel_loop3A_1070 : vector<1x16xf32> to vector<16xf32>
        %parallel_loop3A_1072 = vector.shape_cast %parallel_loop3A_1067 : vector<16xf32> to vector<1x16xf32>
        tpu.vector_store %arg7[%parallel_loop3A_1068, %parallel_loop3A_1069], %parallel_loop3A_1072 {strides = array<i32>} : memref<16x512xf32, #tpu.memory_space<vmem>>, vector<1x16xf32>,
        %parallel_loop3A_1073 = arith.constant 4 : i32
        %parallel_loop3A_1074 = arith.muli %parallel_loop3A_1073, %parallel_loop3A_84 : i32
        %parallel_loop3A_1075 = arith.index_cast %parallel_loop3A_1074 : i32 to index
        %parallel_loop3A_1076 = arith.constant 416 : index
        %parallel_loop3A_1077 = tpu.vector_load %arg5[%parallel_loop3A_1075, %parallel_loop3A_1076] {strides = array<i32>} : memref<64x512xf32, #tpu.memory_space<vmem>>, vector<1x16xf32>,
        %parallel_loop3A_1078 = vector.shape_cast %parallel_loop3A_1077 : vector<1x16xf32> to vector<16xf32>
        %parallel_loop3A_1079 = arith.constant 4 : i32
        %parallel_loop3A_1080 = arith.muli %parallel_loop3A_1079, %parallel_loop3A_84 : i32
        %parallel_loop3A_1081 = arith.constant 1 : i32
        %parallel_loop3A_1082 = arith.addi %parallel_loop3A_1080, %parallel_loop3A_1081 : i32
        %parallel_loop3A_1083 = arith.index_cast %parallel_loop3A_1082 : i32 to index
        %parallel_loop3A_1084 = arith.constant 416 : index
        %parallel_loop3A_1085 = tpu.vector_load %arg5[%parallel_loop3A_1083, %parallel_loop3A_1084] {strides = array<i32>} : memref<64x512xf32, #tpu.memory_space<vmem>>, vector<1x16xf32>,
        %parallel_loop3A_1086 = vector.shape_cast %parallel_loop3A_1085 : vector<1x16xf32> to vector<16xf32>
        %parallel_loop3A_1087 = arith.addf %parallel_loop3A_1078, %parallel_loop3A_1086 : vector<16xf32>
        %parallel_loop3A_1088 = arith.constant 4 : i32
        %parallel_loop3A_1089 = arith.muli %parallel_loop3A_1088, %parallel_loop3A_84 : i32
        %parallel_loop3A_1090 = arith.constant 2 : i32
        %parallel_loop3A_1091 = arith.addi %parallel_loop3A_1089, %parallel_loop3A_1090 : i32
        %parallel_loop3A_1092 = arith.index_cast %parallel_loop3A_1091 : i32 to index
        %parallel_loop3A_1093 = arith.constant 416 : index
        %parallel_loop3A_1094 = tpu.vector_load %arg5[%parallel_loop3A_1092, %parallel_loop3A_1093] {strides = array<i32>} : memref<64x512xf32, #tpu.memory_space<vmem>>, vector<1x16xf32>,
        %parallel_loop3A_1095 = vector.shape_cast %parallel_loop3A_1094 : vector<1x16xf32> to vector<16xf32>
        %parallel_loop3A_1096 = arith.constant 4 : i32
        %parallel_loop3A_1097 = arith.muli %parallel_loop3A_1096, %parallel_loop3A_84 : i32
        %parallel_loop3A_1098 = arith.constant 3 : i32
        %parallel_loop3A_1099 = arith.addi %parallel_loop3A_1097, %parallel_loop3A_1098 : i32
        %parallel_loop3A_1100 = arith.index_cast %parallel_loop3A_1099 : i32 to index
        %parallel_loop3A_1101 = arith.constant 416 : index
        %parallel_loop3A_1102 = tpu.vector_load %arg5[%parallel_loop3A_1100, %parallel_loop3A_1101] {strides = array<i32>} : memref<64x512xf32, #tpu.memory_space<vmem>>, vector<1x16xf32>,
        %parallel_loop3A_1103 = vector.shape_cast %parallel_loop3A_1102 : vector<1x16xf32> to vector<16xf32>
        %parallel_loop3A_1104 = arith.addf %parallel_loop3A_1095, %parallel_loop3A_1103 : vector<16xf32>
        %parallel_loop3A_1105 = arith.addf %parallel_loop3A_1087, %parallel_loop3A_1104 : vector<16xf32>
        %parallel_loop3A_1106 = arith.index_cast %parallel_loop3A_84 : i32 to index
        %parallel_loop3A_1107 = arith.constant 416 : index
        %parallel_loop3A_1108 = tpu.vector_load %arg7[%parallel_loop3A_1106, %parallel_loop3A_1107] {strides = array<i32>} : memref<16x512xf32, #tpu.memory_space<vmem>>, vector<1x16xf32>,
        %parallel_loop3A_1109 = vector.shape_cast %parallel_loop3A_1108 : vector<1x16xf32> to vector<16xf32>
        %parallel_loop3A_1110 = vector.shape_cast %parallel_loop3A_1105 : vector<16xf32> to vector<1x16xf32>
        tpu.vector_store %arg7[%parallel_loop3A_1106, %parallel_loop3A_1107], %parallel_loop3A_1110 {strides = array<i32>} : memref<16x512xf32, #tpu.memory_space<vmem>>, vector<1x16xf32>,
        %parallel_loop3A_1111 = arith.constant 4 : i32
        %parallel_loop3A_1112 = arith.muli %parallel_loop3A_1111, %parallel_loop3A_84 : i32
        %parallel_loop3A_1113 = arith.index_cast %parallel_loop3A_1112 : i32 to index
        %parallel_loop3A_1114 = arith.constant 432 : index
        %parallel_loop3A_1115 = tpu.vector_load %arg5[%parallel_loop3A_1113, %parallel_loop3A_1114] {strides = array<i32>} : memref<64x512xf32, #tpu.memory_space<vmem>>, vector<1x16xf32>,
        %parallel_loop3A_1116 = vector.shape_cast %parallel_loop3A_1115 : vector<1x16xf32> to vector<16xf32>
        %parallel_loop3A_1117 = arith.constant 4 : i32
        %parallel_loop3A_1118 = arith.muli %parallel_loop3A_1117, %parallel_loop3A_84 : i32
        %parallel_loop3A_1119 = arith.constant 1 : i32
        %parallel_loop3A_1120 = arith.addi %parallel_loop3A_1118, %parallel_loop3A_1119 : i32
        %parallel_loop3A_1121 = arith.index_cast %parallel_loop3A_1120 : i32 to index
        %parallel_loop3A_1122 = arith.constant 432 : index
        %parallel_loop3A_1123 = tpu.vector_load %arg5[%parallel_loop3A_1121, %parallel_loop3A_1122] {strides = array<i32>} : memref<64x512xf32, #tpu.memory_space<vmem>>, vector<1x16xf32>,
        %parallel_loop3A_1124 = vector.shape_cast %parallel_loop3A_1123 : vector<1x16xf32> to vector<16xf32>
        %parallel_loop3A_1125 = arith.addf %parallel_loop3A_1116, %parallel_loop3A_1124 : vector<16xf32>
        %parallel_loop3A_1126 = arith.constant 4 : i32
        %parallel_loop3A_1127 = arith.muli %parallel_loop3A_1126, %parallel_loop3A_84 : i32
        %parallel_loop3A_1128 = arith.constant 2 : i32
        %parallel_loop3A_1129 = arith.addi %parallel_loop3A_1127, %parallel_loop3A_1128 : i32
        %parallel_loop3A_1130 = arith.index_cast %parallel_loop3A_1129 : i32 to index
        %parallel_loop3A_1131 = arith.constant 432 : index
        %parallel_loop3A_1132 = tpu.vector_load %arg5[%parallel_loop3A_1130, %parallel_loop3A_1131] {strides = array<i32>} : memref<64x512xf32, #tpu.memory_space<vmem>>, vector<1x16xf32>,
        %parallel_loop3A_1133 = vector.shape_cast %parallel_loop3A_1132 : vector<1x16xf32> to vector<16xf32>
        %parallel_loop3A_1134 = arith.constant 4 : i32
        %parallel_loop3A_1135 = arith.muli %parallel_loop3A_1134, %parallel_loop3A_84 : i32
        %parallel_loop3A_1136 = arith.constant 3 : i32
        %parallel_loop3A_1137 = arith.addi %parallel_loop3A_1135, %parallel_loop3A_1136 : i32
        %parallel_loop3A_1138 = arith.index_cast %parallel_loop3A_1137 : i32 to index
        %parallel_loop3A_1139 = arith.constant 432 : index
        %parallel_loop3A_1140 = tpu.vector_load %arg5[%parallel_loop3A_1138, %parallel_loop3A_1139] {strides = array<i32>} : memref<64x512xf32, #tpu.memory_space<vmem>>, vector<1x16xf32>,
        %parallel_loop3A_1141 = vector.shape_cast %parallel_loop3A_1140 : vector<1x16xf32> to vector<16xf32>
        %parallel_loop3A_1142 = arith.addf %parallel_loop3A_1133, %parallel_loop3A_1141 : vector<16xf32>
        %parallel_loop3A_1143 = arith.addf %parallel_loop3A_1125, %parallel_loop3A_1142 : vector<16xf32>
        %parallel_loop3A_1144 = arith.index_cast %parallel_loop3A_84 : i32 to index
        %parallel_loop3A_1145 = arith.constant 432 : index
        %parallel_loop3A_1146 = tpu.vector_load %arg7[%parallel_loop3A_1144, %parallel_loop3A_1145] {strides = array<i32>} : memref<16x512xf32, #tpu.memory_space<vmem>>, vector<1x16xf32>,
        %parallel_loop3A_1147 = vector.shape_cast %parallel_loop3A_1146 : vector<1x16xf32> to vector<16xf32>
        %parallel_loop3A_1148 = vector.shape_cast %parallel_loop3A_1143 : vector<16xf32> to vector<1x16xf32>
        tpu.vector_store %arg7[%parallel_loop3A_1144, %parallel_loop3A_1145], %parallel_loop3A_1148 {strides = array<i32>} : memref<16x512xf32, #tpu.memory_space<vmem>>, vector<1x16xf32>,
        %parallel_loop3A_1149 = arith.constant 4 : i32
        %parallel_loop3A_1150 = arith.muli %parallel_loop3A_1149, %parallel_loop3A_84 : i32
        %parallel_loop3A_1151 = arith.index_cast %parallel_loop3A_1150 : i32 to index
        %parallel_loop3A_1152 = arith.constant 448 : index
        %parallel_loop3A_1153 = tpu.vector_load %arg5[%parallel_loop3A_1151, %parallel_loop3A_1152] {strides = array<i32>} : memref<64x512xf32, #tpu.memory_space<vmem>>, vector<1x16xf32>,
        %parallel_loop3A_1154 = vector.shape_cast %parallel_loop3A_1153 : vector<1x16xf32> to vector<16xf32>
        %parallel_loop3A_1155 = arith.constant 4 : i32
        %parallel_loop3A_1156 = arith.muli %parallel_loop3A_1155, %parallel_loop3A_84 : i32
        %parallel_loop3A_1157 = arith.constant 1 : i32
        %parallel_loop3A_1158 = arith.addi %parallel_loop3A_1156, %parallel_loop3A_1157 : i32
        %parallel_loop3A_1159 = arith.index_cast %parallel_loop3A_1158 : i32 to index
        %parallel_loop3A_1160 = arith.constant 448 : index
        %parallel_loop3A_1161 = tpu.vector_load %arg5[%parallel_loop3A_1159, %parallel_loop3A_1160] {strides = array<i32>} : memref<64x512xf32, #tpu.memory_space<vmem>>, vector<1x16xf32>,
        %parallel_loop3A_1162 = vector.shape_cast %parallel_loop3A_1161 : vector<1x16xf32> to vector<16xf32>
        %parallel_loop3A_1163 = arith.addf %parallel_loop3A_1154, %parallel_loop3A_1162 : vector<16xf32>
        %parallel_loop3A_1164 = arith.constant 4 : i32
        %parallel_loop3A_1165 = arith.muli %parallel_loop3A_1164, %parallel_loop3A_84 : i32
        %parallel_loop3A_1166 = arith.constant 2 : i32
        %parallel_loop3A_1167 = arith.addi %parallel_loop3A_1165, %parallel_loop3A_1166 : i32
        %parallel_loop3A_1168 = arith.index_cast %parallel_loop3A_1167 : i32 to index
        %parallel_loop3A_1169 = arith.constant 448 : index
        %parallel_loop3A_1170 = tpu.vector_load %arg5[%parallel_loop3A_1168, %parallel_loop3A_1169] {strides = array<i32>} : memref<64x512xf32, #tpu.memory_space<vmem>>, vector<1x16xf32>,
        %parallel_loop3A_1171 = vector.shape_cast %parallel_loop3A_1170 : vector<1x16xf32> to vector<16xf32>
        %parallel_loop3A_1172 = arith.constant 4 : i32
        %parallel_loop3A_1173 = arith.muli %parallel_loop3A_1172, %parallel_loop3A_84 : i32
        %parallel_loop3A_1174 = arith.constant 3 : i32
        %parallel_loop3A_1175 = arith.addi %parallel_loop3A_1173, %parallel_loop3A_1174 : i32
        %parallel_loop3A_1176 = arith.index_cast %parallel_loop3A_1175 : i32 to index
        %parallel_loop3A_1177 = arith.constant 448 : index
        %parallel_loop3A_1178 = tpu.vector_load %arg5[%parallel_loop3A_1176, %parallel_loop3A_1177] {strides = array<i32>} : memref<64x512xf32, #tpu.memory_space<vmem>>, vector<1x16xf32>,
        %parallel_loop3A_1179 = vector.shape_cast %parallel_loop3A_1178 : vector<1x16xf32> to vector<16xf32>
        %parallel_loop3A_1180 = arith.addf %parallel_loop3A_1171, %parallel_loop3A_1179 : vector<16xf32>
        %parallel_loop3A_1181 = arith.addf %parallel_loop3A_1163, %parallel_loop3A_1180 : vector<16xf32>
        %parallel_loop3A_1182 = arith.index_cast %parallel_loop3A_84 : i32 to index
        %parallel_loop3A_1183 = arith.constant 448 : index
        %parallel_loop3A_1184 = tpu.vector_load %arg7[%parallel_loop3A_1182, %parallel_loop3A_1183] {strides = array<i32>} : memref<16x512xf32, #tpu.memory_space<vmem>>, vector<1x16xf32>,
        %parallel_loop3A_1185 = vector.shape_cast %parallel_loop3A_1184 : vector<1x16xf32> to vector<16xf32>
        %parallel_loop3A_1186 = vector.shape_cast %parallel_loop3A_1181 : vector<16xf32> to vector<1x16xf32>
        tpu.vector_store %arg7[%parallel_loop3A_1182, %parallel_loop3A_1183], %parallel_loop3A_1186 {strides = array<i32>} : memref<16x512xf32, #tpu.memory_space<vmem>>, vector<1x16xf32>,
        %parallel_loop3A_1187 = arith.constant 4 : i32
        %parallel_loop3A_1188 = arith.muli %parallel_loop3A_1187, %parallel_loop3A_84 : i32
        %parallel_loop3A_1189 = arith.index_cast %parallel_loop3A_1188 : i32 to index
        %parallel_loop3A_1190 = arith.constant 464 : index
        %parallel_loop3A_1191 = tpu.vector_load %arg5[%parallel_loop3A_1189, %parallel_loop3A_1190] {strides = array<i32>} : memref<64x512xf32, #tpu.memory_space<vmem>>, vector<1x16xf32>,
        %parallel_loop3A_1192 = vector.shape_cast %parallel_loop3A_1191 : vector<1x16xf32> to vector<16xf32>
        %parallel_loop3A_1193 = arith.constant 4 : i32
        %parallel_loop3A_1194 = arith.muli %parallel_loop3A_1193, %parallel_loop3A_84 : i32
        %parallel_loop3A_1195 = arith.constant 1 : i32
        %parallel_loop3A_1196 = arith.addi %parallel_loop3A_1194, %parallel_loop3A_1195 : i32
        %parallel_loop3A_1197 = arith.index_cast %parallel_loop3A_1196 : i32 to index
        %parallel_loop3A_1198 = arith.constant 464 : index
        %parallel_loop3A_1199 = tpu.vector_load %arg5[%parallel_loop3A_1197, %parallel_loop3A_1198] {strides = array<i32>} : memref<64x512xf32, #tpu.memory_space<vmem>>, vector<1x16xf32>,
        %parallel_loop3A_1200 = vector.shape_cast %parallel_loop3A_1199 : vector<1x16xf32> to vector<16xf32>
        %parallel_loop3A_1201 = arith.addf %parallel_loop3A_1192, %parallel_loop3A_1200 : vector<16xf32>
        %parallel_loop3A_1202 = arith.constant 4 : i32
        %parallel_loop3A_1203 = arith.muli %parallel_loop3A_1202, %parallel_loop3A_84 : i32
        %parallel_loop3A_1204 = arith.constant 2 : i32
        %parallel_loop3A_1205 = arith.addi %parallel_loop3A_1203, %parallel_loop3A_1204 : i32
        %parallel_loop3A_1206 = arith.index_cast %parallel_loop3A_1205 : i32 to index
        %parallel_loop3A_1207 = arith.constant 464 : index
        %parallel_loop3A_1208 = tpu.vector_load %arg5[%parallel_loop3A_1206, %parallel_loop3A_1207] {strides = array<i32>} : memref<64x512xf32, #tpu.memory_space<vmem>>, vector<1x16xf32>,
        %parallel_loop3A_1209 = vector.shape_cast %parallel_loop3A_1208 : vector<1x16xf32> to vector<16xf32>
        %parallel_loop3A_1210 = arith.constant 4 : i32
        %parallel_loop3A_1211 = arith.muli %parallel_loop3A_1210, %parallel_loop3A_84 : i32
        %parallel_loop3A_1212 = arith.constant 3 : i32
        %parallel_loop3A_1213 = arith.addi %parallel_loop3A_1211, %parallel_loop3A_1212 : i32
        %parallel_loop3A_1214 = arith.index_cast %parallel_loop3A_1213 : i32 to index
        %parallel_loop3A_1215 = arith.constant 464 : index
        %parallel_loop3A_1216 = tpu.vector_load %arg5[%parallel_loop3A_1214, %parallel_loop3A_1215] {strides = array<i32>} : memref<64x512xf32, #tpu.memory_space<vmem>>, vector<1x16xf32>,
        %parallel_loop3A_1217 = vector.shape_cast %parallel_loop3A_1216 : vector<1x16xf32> to vector<16xf32>
        %parallel_loop3A_1218 = arith.addf %parallel_loop3A_1209, %parallel_loop3A_1217 : vector<16xf32>
        %parallel_loop3A_1219 = arith.addf %parallel_loop3A_1201, %parallel_loop3A_1218 : vector<16xf32>
        %parallel_loop3A_1220 = arith.index_cast %parallel_loop3A_84 : i32 to index
        %parallel_loop3A_1221 = arith.constant 464 : index
        %parallel_loop3A_1222 = tpu.vector_load %arg7[%parallel_loop3A_1220, %parallel_loop3A_1221] {strides = array<i32>} : memref<16x512xf32, #tpu.memory_space<vmem>>, vector<1x16xf32>,
        %parallel_loop3A_1223 = vector.shape_cast %parallel_loop3A_1222 : vector<1x16xf32> to vector<16xf32>
        %parallel_loop3A_1224 = vector.shape_cast %parallel_loop3A_1219 : vector<16xf32> to vector<1x16xf32>
        tpu.vector_store %arg7[%parallel_loop3A_1220, %parallel_loop3A_1221], %parallel_loop3A_1224 {strides = array<i32>} : memref<16x512xf32, #tpu.memory_space<vmem>>, vector<1x16xf32>,
        %parallel_loop3A_1225 = arith.constant 4 : i32
        %parallel_loop3A_1226 = arith.muli %parallel_loop3A_1225, %parallel_loop3A_84 : i32
        %parallel_loop3A_1227 = arith.index_cast %parallel_loop3A_1226 : i32 to index
        %parallel_loop3A_1228 = arith.constant 480 : index
        %parallel_loop3A_1229 = tpu.vector_load %arg5[%parallel_loop3A_1227, %parallel_loop3A_1228] {strides = array<i32>} : memref<64x512xf32, #tpu.memory_space<vmem>>, vector<1x16xf32>,
        %parallel_loop3A_1230 = vector.shape_cast %parallel_loop3A_1229 : vector<1x16xf32> to vector<16xf32>
        %parallel_loop3A_1231 = arith.constant 4 : i32
        %parallel_loop3A_1232 = arith.muli %parallel_loop3A_1231, %parallel_loop3A_84 : i32
        %parallel_loop3A_1233 = arith.constant 1 : i32
        %parallel_loop3A_1234 = arith.addi %parallel_loop3A_1232, %parallel_loop3A_1233 : i32
        %parallel_loop3A_1235 = arith.index_cast %parallel_loop3A_1234 : i32 to index
        %parallel_loop3A_1236 = arith.constant 480 : index
        %parallel_loop3A_1237 = tpu.vector_load %arg5[%parallel_loop3A_1235, %parallel_loop3A_1236] {strides = array<i32>} : memref<64x512xf32, #tpu.memory_space<vmem>>, vector<1x16xf32>,
        %parallel_loop3A_1238 = vector.shape_cast %parallel_loop3A_1237 : vector<1x16xf32> to vector<16xf32>
        %parallel_loop3A_1239 = arith.addf %parallel_loop3A_1230, %parallel_loop3A_1238 : vector<16xf32>
        %parallel_loop3A_1240 = arith.constant 4 : i32
        %parallel_loop3A_1241 = arith.muli %parallel_loop3A_1240, %parallel_loop3A_84 : i32
        %parallel_loop3A_1242 = arith.constant 2 : i32
        %parallel_loop3A_1243 = arith.addi %parallel_loop3A_1241, %parallel_loop3A_1242 : i32
        %parallel_loop3A_1244 = arith.index_cast %parallel_loop3A_1243 : i32 to index
        %parallel_loop3A_1245 = arith.constant 480 : index
        %parallel_loop3A_1246 = tpu.vector_load %arg5[%parallel_loop3A_1244, %parallel_loop3A_1245] {strides = array<i32>} : memref<64x512xf32, #tpu.memory_space<vmem>>, vector<1x16xf32>,
        %parallel_loop3A_1247 = vector.shape_cast %parallel_loop3A_1246 : vector<1x16xf32> to vector<16xf32>
        %parallel_loop3A_1248 = arith.constant 4 : i32
        %parallel_loop3A_1249 = arith.muli %parallel_loop3A_1248, %parallel_loop3A_84 : i32
        %parallel_loop3A_1250 = arith.constant 3 : i32
        %parallel_loop3A_1251 = arith.addi %parallel_loop3A_1249, %parallel_loop3A_1250 : i32
        %parallel_loop3A_1252 = arith.index_cast %parallel_loop3A_1251 : i32 to index
        %parallel_loop3A_1253 = arith.constant 480 : index
        %parallel_loop3A_1254 = tpu.vector_load %arg5[%parallel_loop3A_1252, %parallel_loop3A_1253] {strides = array<i32>} : memref<64x512xf32, #tpu.memory_space<vmem>>, vector<1x16xf32>,
        %parallel_loop3A_1255 = vector.shape_cast %parallel_loop3A_1254 : vector<1x16xf32> to vector<16xf32>
        %parallel_loop3A_1256 = arith.addf %parallel_loop3A_1247, %parallel_loop3A_1255 : vector<16xf32>
        %parallel_loop3A_1257 = arith.addf %parallel_loop3A_1239, %parallel_loop3A_1256 : vector<16xf32>
        %parallel_loop3A_1258 = arith.index_cast %parallel_loop3A_84 : i32 to index
        %parallel_loop3A_1259 = arith.constant 480 : index
        %parallel_loop3A_1260 = tpu.vector_load %arg7[%parallel_loop3A_1258, %parallel_loop3A_1259] {strides = array<i32>} : memref<16x512xf32, #tpu.memory_space<vmem>>, vector<1x16xf32>,
        %parallel_loop3A_1261 = vector.shape_cast %parallel_loop3A_1260 : vector<1x16xf32> to vector<16xf32>
        %parallel_loop3A_1262 = vector.shape_cast %parallel_loop3A_1257 : vector<16xf32> to vector<1x16xf32>
        tpu.vector_store %arg7[%parallel_loop3A_1258, %parallel_loop3A_1259], %parallel_loop3A_1262 {strides = array<i32>} : memref<16x512xf32, #tpu.memory_space<vmem>>, vector<1x16xf32>,
        %parallel_loop3A_1263 = arith.constant 4 : i32
        %parallel_loop3A_1264 = arith.muli %parallel_loop3A_1263, %parallel_loop3A_84 : i32
        %parallel_loop3A_1265 = arith.index_cast %parallel_loop3A_1264 : i32 to index
        %parallel_loop3A_1266 = arith.constant 496 : index
        %parallel_loop3A_1267 = tpu.vector_load %arg5[%parallel_loop3A_1265, %parallel_loop3A_1266] {strides = array<i32>} : memref<64x512xf32, #tpu.memory_space<vmem>>, vector<1x16xf32>,
        %parallel_loop3A_1268 = vector.shape_cast %parallel_loop3A_1267 : vector<1x16xf32> to vector<16xf32>
        %parallel_loop3A_1269 = arith.constant 4 : i32
        %parallel_loop3A_1270 = arith.muli %parallel_loop3A_1269, %parallel_loop3A_84 : i32
        %parallel_loop3A_1271 = arith.constant 1 : i32
        %parallel_loop3A_1272 = arith.addi %parallel_loop3A_1270, %parallel_loop3A_1271 : i32
        %parallel_loop3A_1273 = arith.index_cast %parallel_loop3A_1272 : i32 to index
        %parallel_loop3A_1274 = arith.constant 496 : index
        %parallel_loop3A_1275 = tpu.vector_load %arg5[%parallel_loop3A_1273, %parallel_loop3A_1274] {strides = array<i32>} : memref<64x512xf32, #tpu.memory_space<vmem>>, vector<1x16xf32>,
        %parallel_loop3A_1276 = vector.shape_cast %parallel_loop3A_1275 : vector<1x16xf32> to vector<16xf32>
        %parallel_loop3A_1277 = arith.addf %parallel_loop3A_1268, %parallel_loop3A_1276 : vector<16xf32>
        %parallel_loop3A_1278 = arith.constant 4 : i32
        %parallel_loop3A_1279 = arith.muli %parallel_loop3A_1278, %parallel_loop3A_84 : i32
        %parallel_loop3A_1280 = arith.constant 2 : i32
        %parallel_loop3A_1281 = arith.addi %parallel_loop3A_1279, %parallel_loop3A_1280 : i32
        %parallel_loop3A_1282 = arith.index_cast %parallel_loop3A_1281 : i32 to index
        %parallel_loop3A_1283 = arith.constant 496 : index
        %parallel_loop3A_1284 = tpu.vector_load %arg5[%parallel_loop3A_1282, %parallel_loop3A_1283] {strides = array<i32>} : memref<64x512xf32, #tpu.memory_space<vmem>>, vector<1x16xf32>,
        %parallel_loop3A_1285 = vector.shape_cast %parallel_loop3A_1284 : vector<1x16xf32> to vector<16xf32>
        %parallel_loop3A_1286 = arith.constant 4 : i32
        %parallel_loop3A_1287 = arith.muli %parallel_loop3A_1286, %parallel_loop3A_84 : i32
        %parallel_loop3A_1288 = arith.constant 3 : i32
        %parallel_loop3A_1289 = arith.addi %parallel_loop3A_1287, %parallel_loop3A_1288 : i32
        %parallel_loop3A_1290 = arith.index_cast %parallel_loop3A_1289 : i32 to index
        %parallel_loop3A_1291 = arith.constant 496 : index
        %parallel_loop3A_1292 = tpu.vector_load %arg5[%parallel_loop3A_1290, %parallel_loop3A_1291] {strides = array<i32>} : memref<64x512xf32, #tpu.memory_space<vmem>>, vector<1x16xf32>,
        %parallel_loop3A_1293 = vector.shape_cast %parallel_loop3A_1292 : vector<1x16xf32> to vector<16xf32>
        %parallel_loop3A_1294 = arith.addf %parallel_loop3A_1285, %parallel_loop3A_1293 : vector<16xf32>
        %parallel_loop3A_1295 = arith.addf %parallel_loop3A_1277, %parallel_loop3A_1294 : vector<16xf32>
        %parallel_loop3A_1296 = arith.index_cast %parallel_loop3A_84 : i32 to index
        %parallel_loop3A_1297 = arith.constant 496 : index
        %parallel_loop3A_1298 = tpu.vector_load %arg7[%parallel_loop3A_1296, %parallel_loop3A_1297] {strides = array<i32>} : memref<16x512xf32, #tpu.memory_space<vmem>>, vector<1x16xf32>,
        %parallel_loop3A_1299 = vector.shape_cast %parallel_loop3A_1298 : vector<1x16xf32> to vector<16xf32>
        %parallel_loop3A_1300 = vector.shape_cast %parallel_loop3A_1295 : vector<16xf32> to vector<1x16xf32>
        tpu.vector_store %arg7[%parallel_loop3A_1296, %parallel_loop3A_1297], %parallel_loop3A_1300 {strides = array<i32>} : memref<16x512xf32, #tpu.memory_space<vmem>>, vector<1x16xf32>,
      } {sc.loop_unroll_factor = 2 : i64, sc.parallel_access}
      %mul3A_77 = arith.constant 16 : i32
      %mul3A_78 = arith.muli %add3A_30, %mul3A_77 : i32
      %add3A_79 = arith.addi %mul3A_2, %mul3A_78 : i32
      %dma_start3A_80 = arith.constant 0 : i32
      %dma_start3A_81 = tpu.memref_slice %arg3[%add3A_79, %dma_start3A_80] : memref<8192x512xf32, #tpu.memory_space<hbm>> -> memref<16x512xf32, #tpu.memory_space<hbm>>
      %dma_start3A_82 = arith.constant 0 : i32
      %dma_start3A_83 = tpu.memref_slice %arg3[%add3A_79, %dma_start3A_82] : memref<8192x512xf32, #tpu.memory_space<hbm>> -> memref<16x512xf32, #tpu.memory_space<hbm>>
      tpu.enqueue_dma source(%arg7 : memref<16x512xf32, #tpu.memory_space<vmem>>) target(%dma_start3A_83 : memref<16x512xf32, #tpu.memory_space<hbm>>) target_semaphore(%arg11 : memref<!tpu.dma_semaphore, #tpu.memory_space<semaphore_mem>>)
    }
    %scan3A_14 = arith.constant 8 : i32
    %dma_wait3A = arith.constant 0 : i32
    %dma_wait3A_15 = arith.constant 0 : i32
    %dma_wait3A_16 = tpu.memref_slice %arg3[%dma_wait3A, %dma_wait3A_15] : memref<8192x512xf32, #tpu.memory_space<hbm>> -> memref<16x512xf32, #tpu.memory_space<hbm>>
    %dma_wait3A_17 = arith.constant 0 : i32
    %dma_wait3A_18 = arith.constant 0 : i32
    %dma_wait3A_19 = tpu.memref_slice %arg3[%dma_wait3A_17, %dma_wait3A_18] : memref<8192x512xf32, #tpu.memory_space<hbm>> -> memref<16x512xf32, #tpu.memory_space<hbm>>
    tpu.wait_dma2 semaphore(%arg10 : memref<!tpu.dma_semaphore, #tpu.memory_space<semaphore_mem>>) src(%arg6 : memref<16x512xf32, #tpu.memory_space<vmem>>) dst(%dma_wait3A_19 : memref<16x512xf32, #tpu.memory_space<hbm>>)
    %dma_wait3A_20 = arith.constant 0 : i32
    %dma_wait3A_21 = arith.constant 0 : i32
    %dma_wait3A_22 = tpu.memref_slice %arg3[%dma_wait3A_20, %dma_wait3A_21] : memref<8192x512xf32, #tpu.memory_space<hbm>> -> memref<16x512xf32, #tpu.memory_space<hbm>>
    %dma_wait3A_23 = arith.constant 0 : i32
    %dma_wait3A_24 = arith.constant 0 : i32
    %dma_wait3A_25 = tpu.memref_slice %arg3[%dma_wait3A_23, %dma_wait3A_24] : memref<8192x512xf32, #tpu.memory_space<hbm>> -> memref<16x512xf32, #tpu.memory_space<hbm>>
    tpu.wait_dma2 semaphore(%arg11 : memref<!tpu.dma_semaphore, #tpu.memory_space<semaphore_mem>>) src(%arg7 : memref<16x512xf32, #tpu.memory_space<vmem>>) dst(%dma_wait3A_25 : memref<16x512xf32, #tpu.memory_space<hbm>>)
    return
  }
}

</mosaic_0001>

<sc_bundles>
// kernel: kernel.3.cloned.1.call-start
scs
__scs_entry_jumppad:
0x0: {  	(pc) =	sbr.rel $0x88, $3  }
0x1: {  	(tag) =	ssettag $0x0;
	lr =	simm.s32 $0x1  }
0x2: {  	[smem:$0x3FA0] =	sst lr;
	_ =	strace $0xD0000000  }
0x3: {  	_ = 	snop  }
0x4: {  	_ = 	snop  }
0x5: {  	_ = 	snop  }
0x6: {  	_ = 	snop  }
0x7: {  	_ = 	snop  }
__scs_overlays_trampoline_lowered:
0x8: {  	[smem:$0x3FAF] =	sst s0  }
0x9: {  	[smem:$0x3FB0] =	sst s1  }
0xa: {  	[smem:$0x3FB1] =	sst s2  }
0xb: {  	[smem:$0x3FB2] =	sst s3  }
0xc: {  	[smem:$0x3FB3] =	sst s4  }
0xd: {  	[smem:$0x3FB4] =	sst s5  }
0xe: {  	[smem:$0x3FB5] =	sst s6  }
0xf: {  	[smem:$0x3FB6] =	sst s7  }
0x10: {  	[smem:$0x3FB7] =	sst s8  }
0x11: {  	[smem:$0x3FB8] =	sst s9;
	s0 =	simm.s32 @!p0 $0x0  }
0x12: {  	s1 =	sld [smem:$0x3F9E];
	s0 =	simm.s32 @p0 $0x1  }
0x13: {  	[smem:$0x3FB9] =	sst s0;
	s0 =	simm.s32 @!p1 $0x0  }
0x14: {  	s2 =	sld [smem:$0x3F9D];
	s0 =	simm.s32 @p1 $0x1  }
0x15: {  	[smem:$0x3FBA] =	sst s0;
	s0 =	simm.s32 @!p2 $0x0  }
0x16: {  	s3 =	sld [smem:$0x3FDB];
	s0 =	simm.s32 @p2 $0x1  }
0x17: {  	s4 =	simm.s32 $0x1BF5;
	[smem:$0x3FBC] =	sst s0  }
0x18: {  	s0 =	sld [smem:$0x3F9F];
	_ =	swait.ge [sflag:s4], $0x0  }
0x19: {  	s7 =	sld [smem:$0x3FA0]  }
0x1a: {  	s8 =	sadd.s32 $0xFFFFE003, lr  }
0x1b: {  	s9 =	sadd.s32 $0xFFFFFEF7, lr;
	s5 =	simm.s32 $0xFFFFFFFF;
	p2 =	slt.u32 s8, $0xFFFFF086  }
0x1c: {  	p1 =	slt.u32 s9, $0xF7A;
	s5 =	simm.s32 @!p2 $0x0  }
0x1d: {  	s5 =	simm.s32 @p1 $0x1;
	p0 =	seq.s32 s7, s2  }
0x1e: {  	s7 =	smul.u32 @!p0 $0xF7A, s2;
	p2 =	seq.s32 @!p0 s5, $0x0  }
0x1f: {  	s9 =	smul.u32 $0xF7A, s1;
	s8 =	simm.s32 @!p0 $0x1BF5;
	p2 =	por !p2, p0  }
0x20: {  	[sflag:s8] =	ssyncset.s32 @!p0 $0xFFFFF086;
	s6 =	sadd.s32 @!p0 s3, s7;
	s7 =	simm.s32 @!p0 $0x108  }
0x21: {  	s3 =	sadd.s32 s3, s9;
	s6 =	sadd.s32 @!p0 $0x88, s6;
	s7 =	simm.s32 @p2 $0x1082  }
0x22: {  	[simem:s7], [sflag:s8] =	dma.local @!p0 [hbm:s6], $0xF7A  }
0x23: {  	s9 =	sor.u32 $0xD0000000, s2;
	s6 =	simm.s32 $0x108;
	_ =	swait.ge @!p0 [sflag:s8], $0x0  }
0x24: {  	s3 =	sadd.s32 $0x88, s3;
	s6 =	simm.s32 @!p1 $0x1082;
	[sflag:s4] =	ssyncset.s32 $0xFFFFF086  }
0x25: {  	[simem:s6], [sflag:s4] =	dma.local [hbm:s3], $0xF7A  }
0x26: {  	[smem:$0x3FA0] =	sst s1;
	(tag) =	ssettag s2;
	_ =	strace s9  }
0x27: {  	s1 =	sld [smem:$0x3FB0]  }
0x28: {  	s2 =	sld [smem:$0x3FB1]  }
0x29: {  	s4 =	sld [smem:$0x3FB3]  }
0x2a: {  	p0 =	seq.s32 s5, $0x0;
	s5 =	sld [smem:$0x3FB4]  }
0x2b: {  	s6 =	sld [smem:$0x3FB5]  }
0x2c: {  	s7 =	sld [smem:$0x3FB6]  }
0x2d: {  	s3 =	simm.s32 $0x108;
	s8 =	sld [smem:$0x3FB7]  }
0x2e: {  	s3 =	simm.s32 @!p0 $0x1082;
	s9 =	sld [smem:$0x3FB8]  }
0x2f: {  	lr =	sadd.s32 s0, s3;
	s0 =	sld [smem:$0x3FAF]  }
0x30: {  	s3 =	sld [smem:$0x3FB2]  }
0x31: {  	[smem:$0x3FBB] =	sst s10  }
0x32: {  	s10 =	sld [smem:$0x3FB9];
	_ =	sdelay $0x3  }
0x33: {  	p0 =	seq.s32 s10, $0x1;
	s10 =	sld [smem:$0x3FBB];
	_ =	sdelay $0x3  }
0x34: {  	[smem:$0x3FBB] =	sst s10  }
0x35: {  	s10 =	sld [smem:$0x3FBA];
	_ =	sdelay $0x3  }
0x36: {  	p1 =	seq.s32 s10, $0x1;
	s10 =	sld [smem:$0x3FBB];
	_ =	sdelay $0x3  }
0x37: {  	[smem:$0x3FBB] =	sst s10  }
0x38: {  	s10 =	sld [smem:$0x3FBC]  }
0x39: {  	_ = 	snop;
	(pc) =	sbr.ind lr, $3  }
0x3a: {  	_ = 	snop  }
0x3b: {  	_ = 	snop  }
0x3c: {  	p2 =	seq.s32 s10, $0x1;
	s10 =	sld [smem:$0x3FBB]  }
0x3d: {  	_ =	shalt  }
0x3e: {  	_ =	shalt  }
0x3f: {  	_ =	shalt  }
0x40: {  	_ =	shalt  }
0x41: {  	_ =	shalt  }
0x42: {  	_ =	shalt  }
0x43: {  	_ =	shalt  }
0x44: {  	_ =	shalt  }
0x45: {  	_ =	shalt  }
0x46: {  	_ =	shalt  }
0x47: {  	_ =	shalt  }
0x48: {  	_ =	shalt  }
0x49: {  	_ =	shalt  }
0x4a: {  	_ =	shalt  }
0x4b: {  	_ =	shalt  }
0x4c: {  	_ =	shalt  }
0x4d: {  	_ =	shalt  }
0x4e: {  	_ =	shalt  }
0x4f: {  	_ =	shalt  }
0x50: {  	_ =	shalt  }
0x51: {  	_ =	shalt  }
0x52: {  	_ =	shalt  }
0x53: {  	_ =	shalt  }
0x54: {  	_ =	shalt  }
0x55: {  	_ =	shalt  }
0x56: {  	_ =	shalt  }
0x57: {  	_ =	shalt  }
0x58: {  	_ =	shalt  }
0x59: {  	_ =	shalt  }
0x5a: {  	_ =	shalt  }
0x5b: {  	_ =	shalt  }
0x5c: {  	_ =	shalt  }
0x5d: {  	_ =	shalt  }
0x5e: {  	_ =	shalt  }
0x5f: {  	_ =	shalt  }
0x60: {  	_ =	shalt  }
0x61: {  	_ =	shalt  }
0x62: {  	_ =	shalt  }
0x63: {  	_ =	shalt  }
0x64: {  	_ =	shalt  }
0x65: {  	_ =	shalt  }
0x66: {  	_ =	shalt  }
0x67: {  	_ =	shalt  }
0x68: {  	_ =	shalt  }
0x69: {  	_ =	shalt  }
0x6a: {  	_ =	shalt  }
0x6b: {  	_ =	shalt  }
0x6c: {  	_ =	shalt  }
0x6d: {  	_ =	shalt  }
0x6e: {  	_ =	shalt  }
0x6f: {  	_ =	shalt  }
0x70: {  	_ =	shalt  }
0x71: {  	_ =	shalt  }
0x72: {  	_ =	shalt  }
0x73: {  	_ =	shalt  }
0x74: {  	_ =	shalt  }
0x75: {  	_ =	shalt  }
0x76: {  	_ =	shalt  }
0x77: {  	_ =	shalt  }
0x78: {  	_ =	shalt  }
0x79: {  	_ =	shalt  }
0x7a: {  	_ =	shalt  }
0x7b: {  	_ =	shalt  }
0x7c: {  	_ =	shalt  }
0x7d: {  	_ =	shalt  }
0x7e: {  	_ =	shalt  }
0x7f: {  	_ =	shalt  }
0x80: {  	_ =	shalt  }
0x81: {  	_ =	shalt  }
0x82: {  	_ =	shalt  }
0x83: {  	_ =	shalt  }
0x84: {  	_ =	shalt  }
0x85: {  	_ =	shalt  }
0x86: {  	_ =	shalt  }
0x87: {  	_ =	shalt  }
.Lfunc_end0:
.L_simem_size_0:
called_computation_lowered:
.L_overlay_start_0:
0x88: {  	s2 =	sld [smem:$0x3FD9]  }
0x89: {  	s3 =	sld [smem:$0x3FFE];
	_ =	sdelay $0x1  }
0x8a: {  	s1 =	srdreg.scid  }
0x8b: {  	s0 =	sand.u32 $0x1, s1  }
0x8c: {  	s18 =	sshll.u32 s0, $0xA;
	s2 =	sadd.s32 s3, s2  }
0x8d: {  	s2 =	sadd.s32 s2, s18  }
0x8e: {  	[smem:$0x3FC7] =	sst s2  }
0x8f: {  	_ = 	snop  }
0x90: {  	s2 =	sld [smem:$0x3FC9]  }
0x91: {  	s19 =	sld [smem:$0x3FD0];
	(tm) =	ssettm $0x1  }
0x92: {  	s4 =	sld [smem:$0x3FFB];
	_ =	sdelay $0x3  }
0x93: {  	_ =	strace s4  }
0x94: {  	s4 =	sld [smem:$0x3FFC];
	_ =	sdelay $0x3  }
0x95: {  	_ =	strace s4  }
0x96: {  	s4 =	sld [smem:$0x3FFD];
	_ =	sdelay $0x3  }
0x97: {  	_ =	strace s4  }
0x98: {  	_ =	strace $0x8FFFFFFF  }
0x99: {  	s20 =	sld [smem:$0x3FDB];
	_ =	sdelay $0x1  }
0x9a: {  	s5 =	simm.s32 $_scs_section_size  }
0x9b: {  	s6 =	simm.s32 $_size__tile_overlayer_lowered;
	s7 =	simm.s32 $_tile_overlayer_lowered  }
0x9c: {  	s23 =	simm.s32 $0x1BFF;
	s22 =	sshll.u32 s7, $0x1;
	s4 =	sadd.s32 s5, s20  }
0x9d: {  	s8 =	simm.s32 $0x0;
	s21 =	sshll.u32 s6, $0x1;
	s6 =	sadd.s32 s22, s4  }
0x9e: {  	[timem:s8], [sflag:s23] =	dma.local [hbm:s6], s21  }
0x9f: {  	_ =	swait.ge [sflag:s23], s21  }
0xa0: {  	s5 =	ssub.s32 $0x0, s21;
	[sflag:s23] =	ssyncset.done $0x0  }
0xa1: {  	[sflag:s23] =	ssyncadd.s32 s5;
	_ =	sdelay $0x1  }
0xa2: {  	s24 =	simm.s32 $0x1B8B  }
0xa3: {  	_ =	swait.ge [sflag:s24], $0x1  }
0xa4: {  	[sflag:s24] =	ssyncset.done $0x0  }
0xa5: {  	s25 =	simm.s32 $0x1B8E;
	[sflag:s24] =	ssyncadd.s32 $0xFFFFFFFF  }
0xa6: {  	s26 =	simm.s32 $execute0_lowered;
	[smem:$0x3FD2] =	sst s25  }
0xa7: {  	s5 =	sshll.u32 s26, $0x1;
	_ =	strace $0x80000046;
	[dreg:$0x1] =	wrdreg $0xFFFFFFFF  }
0xa8: {  	s28 =	simm.s32 $_size_execute0_lowered;
	s4 =	sadd.s32 s4, s5;
	[dreg:$0x0] =	wrdreg $0x0  }
0xa9: {  	s5 =	sshll.u32 s28, $0x1;
	[dreg:$0x2] =	wrdreg s4  }
0xaa: {  	[dreg:$0x3] =	wrdreg s5  }
0xab: {  	[dreg:$0x4] =	wrdreg $0xC0  }
0xac: {  	_ =	task [dreg:s8], $0x5FFFF  }
0xad: {  	[dreg:$0x1] =	wrdreg $0xFFFFFFFF  }
0xae: {  	[dreg:$0x0] =	wrdreg $0x60  }
0xaf: {  	[dreg:$0x2] =	wrdreg s2  }
0xb0: {  	[dreg:$0x3] =	wrdreg s19  }
0xb1: {  	[dreg:$0x4] =	wrdreg $0x9  }
0xb2: {  	_ =	task.clear_ibuf [dreg:s8], $0x5FFFF;
	_ =	strace $0x90000046  }
0xb3: {  	s29 =	simm.s32 $0x9;
	_ =	strace $0x80000048  }
0xb4: {  	_ =	swait.ge [sflag:s29], $0x1  }
0xb5: {  	[sflag:s29] =	ssyncadd.s32 $0xFFFFFFFF  }
0xb6: {  	_ =	strace $0x90000048  }
0xb7: {  	_ =	sfence  }
0xb8: {  	s30 =	sld [smem:$0x0];
	_ =	sdelay $0x2  }
0xb9: {  	s31 =	sshll.u32 s1, $0xD;
	s1 =	sshrl.u32 s1, $0x2  }
0xba: {  	s3 =	sand.u32 $0x4000, s31;
	s1 =	sadd.s32 s1, s30  }
0xbb: {  	s0 =	sor.u32 s3, s0;
	s1 =	sshll.u32 s1, $0x11  }
0xbc: {  	s0 =	sor.u32 s1, s0  }
0xbd: {  	s0 =	sadd.s32 $0x8F2B, s0  }
0xbe: {  	[sflag:s0] =	ssyncadd.remote.s32 $0x1  }
0xbf: {  	_ =	sfence.sel $0xFFFF  }
0xc0: {  	[dreg:$0x0] =	wrdreg $0xFFFFFFFF;
	(pc) =	sbr.abs _section_cstart, $3  }
0xc1: {  	[dreg:$0x1] =	wrdreg $0xFFFFFFFF  }
0xc2: {  	_ =	task.clear_ibuf [dreg:s8], $0x2FFFF;
	_ =	strace $0x9FFFFFFF  }
0xc3: {  	(tm) =	ssettm $0x7FFFFFFF  }
tec
execute0_lowered:
.L_overlay_start_1:
0x0: {  	(tag) =	ssettag $0x1  }
0x1: {  	s2 =	rddreg [dreg:$0x0]  }
0x2: {  	s3 =	rddreg [dreg:$0x1];
	s4 =	srdreg.scid  }
0x3: {  	s0 =	rddreg [dreg:$0x2];
	s1 =	stileid.u32;
	s10 =	simm.s32 $0x8000  }
0x4: {  	s11 =	simm.s32 $0x1;
	s12 =	simm.s32 $0x10000;
	s13 =	simm.s32 $0x2  }
0x5: {  	s14 =	simm.s32 $0x4;
	s15 =	simm.s32 $0x12000;
	s16 =	simm.s32 $0x3  }
0x6: {  	s17 =	simm.s32 $0x0;
	s5 =	sand.u32 $0x1, s4;
	s4 =	simm.s32 $0x0  }
0x7: {  	s7 =	sshll.u32 s1, $0x1;
	s6 =	ssub.s32 $0x2, s5;
	[smem:$0x7FF] =	sst s4  }
0x8: {  	s7 =	sor.u32 s5, s7;
	s8 =	sshrl.u32 s6, $0x1;
	_ =	strace $0x80000047  }
0x9: {  	s5 =	sshll.u32 s7, $0x10;
	s31 =	sshll.u32 s7, $0x8;
	s7 =	sshll.u32 s7, $0xE  }
0xa: {  	s9 =	ssub.s32 s6, s8;
	s5 =	sadd.s32 s2, s5;
	s6 =	sor.u32 $0x10, s31  }
0xb: {  	s7 =	sadd.s32 s3, s7;
	s8 =	sadd.s32 $0x2000, s5;
	s9 =	smax.u32 s9, $0x1  }
.LBB2_1:
0xc: {  	[tilespmem:s4], [sflag:$0x1] =	stream.linear.gather [hbm4b:s5+s4], $0x8000, $0x38;
	[tilespmem:$0x14000] =	vst v63  }
0xd: {  	s18 =	simm.s32 $0x0  }
.LBB2_2:
0xe: {  	s19 =	sshll.u32 s18, $0x5  }
0xf: {  	s19 =	sadd.s32 s6, s19  }
0x10: {  	s20 =	sshll.u32 s19, $0x8  }
0x11: {  	s20 =	sand.u32 $0x1FFFF000, s20  }
0x12: {  	s20 =	sadd.s32 s2, s20  }
0x13: {  	[tilespmem:s10], [sflag:$0x2] =	stream.linear.gather [hbm4b:s20+s4], $0x8000, $0x38;
	[tilespmem:$0x14000] =	vst v63  }
0x14: {  	_ =	swait.ge [sflag:s11], $0x8000  }
0x15: {  	p0 =	seq.s32 s18, $0x0;
	[sflag:s11] =	ssyncset.done $0x0  }
0x16: {  	s21 =	simm.s32 @!p0 $0x3;
	[sflag:s11] =	ssyncadd.s32 $0xFFFF8000  }
0x17: {  	_ =	swait.ge @!p0 [sflag:s21], $0x2000  }
0x18: {  	[sflag:s21] =	ssyncset.done @!p0 $0x0  }
0x19: {  	s20 =	sshll.u32 s18, $0xD;
	[sflag:s21] =	ssyncadd.s32 @!p0 $0xFFFFE000;
	s21 =	simm.s32 $0x0  }
.LBB2_3:
0x1a: {  	s22 =	sshll.u32 s21, $0xB  }
0x1b: {  	s22 =	sand.u32 $0x3FFFF800, s22  }
0x1c: {  	v0 =	vld [tilespmem:s22+$0x0]  }
0x1d: {  	v1 =	vld [tilespmem:s22+$0x80]  }
0x1e: {  	v2 =	vld [tilespmem:s22+$0x100]  }
0x1f: {  	v3 =	vld [tilespmem:s22+$0x180]  }
0x20: {  	v4 =	vld [tilespmem:s22+$0x200]  }
0x21: {  	v5 =	vld [tilespmem:s22+$0x280]  }
0x22: {  	v6 =	vld [tilespmem:s22+$0x300]  }
0x23: {  	v7 =	vld [tilespmem:s22+$0x380]  }
0x24: {  	s23 =	sshll.u32 s21, $0x9;
	v0 =	vadd.f32 v1, v0;
	v33 =	vadd.f32 v3, v2  }
0x25: {  	s24 =	sshll.u32 s21, $0x7;
	s25 =	sand.u32 $0x1000, s23  }
0x26: {  	s24 =	sand.u32 $0x300, s24;
	s28 =	sor.u32 $0x10000, s25;
	v0 =	vadd.f32 v33, v0  }
0x27: {  	s26 =	sor.u32 s24, s28  }
0x28: {  	v34 =	vadd.f32 v5, v4;
	v35 =	vadd.f32 v7, v6;
	[tilespmem:s26+$0x0] =	vst v0  }
0x29: {  	v36 =	vld [tilespmem:s22+$0x10]  }
0x2a: {  	s30 =	sor.u32 $0x80, s24;
	v0 =	vadd.f32 v35, v34;
	v37 =	vld [tilespmem:s22+$0x90]  }
0x2b: {  	s28 =	sor.u32 s30, s28;
	v38 =	vld [tilespmem:s22+$0x110]  }
0x2c: {  	v39 =	vld [tilespmem:s22+$0x190];
	[tilespmem:s28+$0x0] =	vst v0  }
0x2d: {  	v0 =	vld [tilespmem:s22+$0x210]  }
0x2e: {  	v40 =	vld [tilespmem:s22+$0x290]  }
0x2f: {  	v41 =	vld [tilespmem:s22+$0x310]  }
0x30: {  	v42 =	vld [tilespmem:s22+$0x390]  }
0x31: {  	v2 =	vadd.f32 v37, v36;
	v1 =	vadd.f32 v39, v38;
	_ =	sdelay $0x1  }
0x32: {  	v1 =	vadd.f32 v1, v2;
	_ =	sdelay $0x1  }
0x33: {  	v0 =	vadd.f32 v40, v0;
	v43 =	vadd.f32 v42, v41;
	[tilespmem:s26+$0x10] =	vst v1  }
0x34: {  	v44 =	vld [tilespmem:s22+$0x20]  }
0x35: {  	v0 =	vadd.f32 v43, v0;
	v45 =	vld [tilespmem:s22+$0xA0]  }
0x36: {  	v46 =	vld [tilespmem:s22+$0x120]  }
0x37: {  	v47 =	vld [tilespmem:s22+$0x1A0];
	[tilespmem:s28+$0x10] =	vst v0  }
0x38: {  	v0 =	vld [tilespmem:s22+$0x220]  }
0x39: {  	v48 =	vld [tilespmem:s22+$0x2A0]  }
0x3a: {  	v49 =	vld [tilespmem:s22+$0x320]  }
0x3b: {  	v50 =	vld [tilespmem:s22+$0x3A0]  }
0x3c: {  	v2 =	vadd.f32 v45, v44;
	v1 =	vadd.f32 v47, v46;
	_ =	sdelay $0x1  }
0x3d: {  	v1 =	vadd.f32 v1, v2;
	_ =	sdelay $0x1  }
0x3e: {  	v0 =	vadd.f32 v48, v0;
	v51 =	vadd.f32 v50, v49;
	[tilespmem:s26+$0x20] =	vst v1  }
0x3f: {  	v52 =	vld [tilespmem:s22+$0x30]  }
0x40: {  	v0 =	vadd.f32 v51, v0;
	v53 =	vld [tilespmem:s22+$0xB0]  }
0x41: {  	v54 =	vld [tilespmem:s22+$0x130]  }
0x42: {  	v55 =	vld [tilespmem:s22+$0x1B0];
	[tilespmem:s28+$0x20] =	vst v0  }
0x43: {  	v0 =	vld [tilespmem:s22+$0x230]  }
0x44: {  	v56 =	vld [tilespmem:s22+$0x2B0]  }
0x45: {  	v57 =	vld [tilespmem:s22+$0x330]  }
0x46: {  	v58 =	vld [tilespmem:s22+$0x3B0]  }
0x47: {  	v2 =	vadd.f32 v53, v52;
	v1 =	vadd.f32 v55, v54;
	_ =	sdelay $0x1  }
0x48: {  	v1 =	vadd.f32 v1, v2;
	_ =	sdelay $0x1  }
0x49: {  	v0 =	vadd.f32 v56, v0;
	v59 =	vadd.f32 v58, v57;
	[tilespmem:s26+$0x30] =	vst v1  }
0x4a: {  	v60 =	vld [tilespmem:s22+$0x40]  }
0x4b: {  	v0 =	vadd.f32 v59, v0;
	v61 =	vld [tilespmem:s22+$0xC0]  }
0x4c: {  	v62 =	vld [tilespmem:s22+$0x140]  }
0x4d: {  	v63 =	vld [tilespmem:s22+$0x1C0];
	[tilespmem:s28+$0x30] =	vst v0  }
0x4e: {  	v0 =	vld [tilespmem:s22+$0x240]  }
0x4f: {  	v9 =	vld [tilespmem:s22+$0x2C0]  }
0x50: {  	v10 =	vld [tilespmem:s22+$0x340]  }
0x51: {  	v11 =	vld [tilespmem:s22+$0x3C0]  }
0x52: {  	v2 =	vadd.f32 v61, v60;
	v1 =	vadd.f32 v63, v62;
	_ =	sdelay $0x1  }
0x53: {  	v1 =	vadd.f32 v1, v2;
	_ =	sdelay $0x1  }
0x54: {  	v0 =	vadd.f32 v9, v0;
	v12 =	vadd.f32 v11, v10;
	[tilespmem:s26+$0x40] =	vst v1  }
0x55: {  	v13 =	vld [tilespmem:s22+$0x50]  }
0x56: {  	v0 =	vadd.f32 v12, v0;
	v14 =	vld [tilespmem:s22+$0xD0]  }
0x57: {  	v15 =	vld [tilespmem:s22+$0x150]  }
0x58: {  	v16 =	vld [tilespmem:s22+$0x1D0];
	[tilespmem:s28+$0x40] =	vst v0  }
0x59: {  	v0 =	vld [tilespmem:s22+$0x250]  }
0x5a: {  	v17 =	vld [tilespmem:s22+$0x2D0]  }
0x5b: {  	v18 =	vld [tilespmem:s22+$0x350]  }
0x5c: {  	v19 =	vld [tilespmem:s22+$0x3D0]  }
0x5d: {  	v2 =	vadd.f32 v14, v13;
	v1 =	vadd.f32 v16, v15;
	_ =	sdelay $0x1  }
0x5e: {  	v1 =	vadd.f32 v1, v2;
	_ =	sdelay $0x1  }
0x5f: {  	v0 =	vadd.f32 v17, v0;
	v20 =	vadd.f32 v19, v18;
	[tilespmem:s26+$0x50] =	vst v1  }
0x60: {  	v21 =	vld [tilespmem:s22+$0x60]  }
0x61: {  	v0 =	vadd.f32 v20, v0;
	v22 =	vld [tilespmem:s22+$0xE0]  }
0x62: {  	v23 =	vld [tilespmem:s22+$0x160]  }
0x63: {  	v24 =	vld [tilespmem:s22+$0x1E0];
	[tilespmem:s28+$0x50] =	vst v0  }
0x64: {  	v0 =	vld [tilespmem:s22+$0x260]  }
0x65: {  	v25 =	vld [tilespmem:s22+$0x2E0]  }
0x66: {  	v26 =	vld [tilespmem:s22+$0x360]  }
0x67: {  	v27 =	vld [tilespmem:s22+$0x3E0]  }
0x68: {  	v2 =	vadd.f32 v22, v21;
	v1 =	vadd.f32 v24, v23;
	_ =	sdelay $0x1  }
0x69: {  	v1 =	vadd.f32 v1, v2;
	_ =	sdelay $0x1  }
0x6a: {  	v0 =	vadd.f32 v25, v0;
	v28 =	vadd.f32 v27, v26;
	[tilespmem:s26+$0x60] =	vst v1  }
0x6b: {  	v29 =	vld [tilespmem:s22+$0x70]  }
0x6c: {  	v0 =	vadd.f32 v28, v0;
	v30 =	vld [tilespmem:s22+$0xF0]  }
0x6d: {  	v31 =	vld [tilespmem:s22+$0x170]  }
0x6e: {  	v32 =	vld [tilespmem:s22+$0x1F0];
	[tilespmem:s28+$0x60] =	vst v0  }
0x6f: {  	v0 =	vld [tilespmem:s22+$0x270]  }
0x70: {  	v33 =	vld [tilespmem:s22+$0x2F0]  }
0x71: {  	v34 =	vld [tilespmem:s22+$0x370]  }
0x72: {  	v35 =	vld [tilespmem:s22+$0x3F0]  }
0x73: {  	v2 =	vadd.f32 v30, v29;
	v1 =	vadd.f32 v32, v31;
	_ =	sdelay $0x1  }
0x74: {  	v1 =	vadd.f32 v1, v2;
	_ =	sdelay $0x1  }
0x75: {  	v0 =	vadd.f32 v33, v0;
	v36 =	vadd.f32 v35, v34;
	[tilespmem:s26+$0x70] =	vst v1  }
0x76: {  	v37 =	vld [tilespmem:s22+$0x400]  }
0x77: {  	v0 =	vadd.f32 v36, v0;
	v38 =	vld [tilespmem:s22+$0x480]  }
0x78: {  	v39 =	vld [tilespmem:s22+$0x500]  }
0x79: {  	v40 =	vld [tilespmem:s22+$0x580];
	[tilespmem:s28+$0x70] =	vst v0  }
0x7a: {  	v0 =	vld [tilespmem:s22+$0x600]  }
0x7b: {  	v41 =	vld [tilespmem:s22+$0x680]  }
0x7c: {  	v42 =	vld [tilespmem:s22+$0x700]  }
0x7d: {  	v43 =	vld [tilespmem:s22+$0x780]  }
0x7e: {  	v2 =	vadd.f32 v38, v37;
	v1 =	vadd.f32 v40, v39;
	_ =	sdelay $0x1  }
0x7f: {  	v1 =	vadd.f32 v1, v2;
	_ =	sdelay $0x1  }
0x80: {  	v0 =	vadd.f32 v41, v0;
	v44 =	vadd.f32 v43, v42;
	[tilespmem:s26+$0x400] =	vst v1  }
0x81: {  	v45 =	vld [tilespmem:s22+$0x410]  }
0x82: {  	v0 =	vadd.f32 v44, v0;
	v46 =	vld [tilespmem:s22+$0x490]  }
0x83: {  	v47 =	vld [tilespmem:s22+$0x510]  }
0x84: {  	v48 =	vld [tilespmem:s22+$0x590];
	[tilespmem:s28+$0x400] =	vst v0  }
0x85: {  	v0 =	vld [tilespmem:s22+$0x610]  }
0x86: {  	v49 =	vld [tilespmem:s22+$0x690]  }
0x87: {  	v50 =	vld [tilespmem:s22+$0x710]  }
0x88: {  	v51 =	vld [tilespmem:s22+$0x790]  }
0x89: {  	v2 =	vadd.f32 v46, v45;
	v1 =	vadd.f32 v48, v47;
	_ =	sdelay $0x1  }
0x8a: {  	v1 =	vadd.f32 v1, v2;
	_ =	sdelay $0x1  }
0x8b: {  	v0 =	vadd.f32 v49, v0;
	v52 =	vadd.f32 v51, v50;
	[tilespmem:s26+$0x410] =	vst v1  }
0x8c: {  	v53 =	vld [tilespmem:s22+$0x420]  }
0x8d: {  	v0 =	vadd.f32 v52, v0;
	v54 =	vld [tilespmem:s22+$0x4A0]  }
0x8e: {  	v55 =	vld [tilespmem:s22+$0x520]  }
0x8f: {  	v56 =	vld [tilespmem:s22+$0x5A0];
	[tilespmem:s28+$0x410] =	vst v0  }
0x90: {  	v0 =	vld [tilespmem:s22+$0x620]  }
0x91: {  	v57 =	vld [tilespmem:s22+$0x6A0]  }
0x92: {  	v58 =	vld [tilespmem:s22+$0x720]  }
0x93: {  	v59 =	vld [tilespmem:s22+$0x7A0]  }
0x94: {  	v2 =	vadd.f32 v54, v53;
	v1 =	vadd.f32 v56, v55;
	_ =	sdelay $0x1  }
0x95: {  	v1 =	vadd.f32 v1, v2;
	_ =	sdelay $0x1  }
0x96: {  	v0 =	vadd.f32 v57, v0;
	v60 =	vadd.f32 v59, v58;
	[tilespmem:s26+$0x420] =	vst v1  }
0x97: {  	v61 =	vld [tilespmem:s22+$0x430]  }
0x98: {  	v0 =	vadd.f32 v60, v0;
	v62 =	vld [tilespmem:s22+$0x4B0]  }
0x99: {  	v63 =	vld [tilespmem:s22+$0x530]  }
0x9a: {  	v9 =	vld [tilespmem:s22+$0x5B0];
	[tilespmem:s28+$0x420] =	vst v0  }
0x9b: {  	v0 =	vld [tilespmem:s22+$0x630]  }
0x9c: {  	v10 =	vld [tilespmem:s22+$0x6B0]  }
0x9d: {  	v11 =	vld [tilespmem:s22+$0x730]  }
0x9e: {  	v12 =	vld [tilespmem:s22+$0x7B0]  }
0x9f: {  	v2 =	vadd.f32 v62, v61;
	v1 =	vadd.f32 v9, v63;
	_ =	sdelay $0x1  }
0xa0: {  	v1 =	vadd.f32 v1, v2;
	_ =	sdelay $0x1  }
0xa1: {  	v0 =	vadd.f32 v10, v0;
	v13 =	vadd.f32 v12, v11;
	[tilespmem:s26+$0x430] =	vst v1  }
0xa2: {  	v14 =	vld [tilespmem:s22+$0x440]  }
0xa3: {  	v0 =	vadd.f32 v13, v0;
	v15 =	vld [tilespmem:s22+$0x4C0]  }
0xa4: {  	v16 =	vld [tilespmem:s22+$0x540]  }
0xa5: {  	v17 =	vld [tilespmem:s22+$0x5C0];
	[tilespmem:s28+$0x430] =	vst v0  }
0xa6: {  	v0 =	vld [tilespmem:s22+$0x640]  }
0xa7: {  	v18 =	vld [tilespmem:s22+$0x6C0]  }
0xa8: {  	v19 =	vld [tilespmem:s22+$0x740]  }
0xa9: {  	v20 =	vld [tilespmem:s22+$0x7C0]  }
0xaa: {  	v2 =	vadd.f32 v15, v14;
	v1 =	vadd.f32 v17, v16;
	_ =	sdelay $0x1  }
0xab: {  	v1 =	vadd.f32 v1, v2;
	_ =	sdelay $0x1  }
0xac: {  	v0 =	vadd.f32 v18, v0;
	v21 =	vadd.f32 v20, v19;
	[tilespmem:s26+$0x440] =	vst v1  }
0xad: {  	v22 =	vld [tilespmem:s22+$0x450]  }
0xae: {  	v0 =	vadd.f32 v21, v0;
	v23 =	vld [tilespmem:s22+$0x4D0]  }
0xaf: {  	v24 =	vld [tilespmem:s22+$0x550]  }
0xb0: {  	v25 =	vld [tilespmem:s22+$0x5D0];
	[tilespmem:s28+$0x440] =	vst v0  }
0xb1: {  	v0 =	vld [tilespmem:s22+$0x650]  }
0xb2: {  	v26 =	vld [tilespmem:s22+$0x6D0]  }
0xb3: {  	v27 =	vld [tilespmem:s22+$0x750]  }
0xb4: {  	v28 =	vld [tilespmem:s22+$0x7D0]  }
0xb5: {  	v2 =	vadd.f32 v23, v22;
	v1 =	vadd.f32 v25, v24;
	_ =	sdelay $0x1  }
0xb6: {  	v1 =	vadd.f32 v1, v2;
	_ =	sdelay $0x1  }
0xb7: {  	v0 =	vadd.f32 v26, v0;
	v29 =	vadd.f32 v28, v27;
	[tilespmem:s26+$0x450] =	vst v1  }
0xb8: {  	v30 =	vld [tilespmem:s22+$0x460]  }
0xb9: {  	v0 =	vadd.f32 v29, v0;
	v31 =	vld [tilespmem:s22+$0x4E0]  }
0xba: {  	v32 =	vld [tilespmem:s22+$0x560]  }
0xbb: {  	v33 =	vld [tilespmem:s22+$0x5E0];
	[tilespmem:s28+$0x450] =	vst v0  }
0xbc: {  	v0 =	vld [tilespmem:s22+$0x660]  }
0xbd: {  	v34 =	vld [tilespmem:s22+$0x6E0]  }
0xbe: {  	v35 =	vld [tilespmem:s22+$0x760]  }
0xbf: {  	v36 =	vld [tilespmem:s22+$0x7E0]  }
0xc0: {  	v2 =	vadd.f32 v31, v30;
	v1 =	vadd.f32 v33, v32;
	_ =	sdelay $0x1  }
0xc1: {  	v1 =	vadd.f32 v1, v2;
	_ =	sdelay $0x1  }
0xc2: {  	v0 =	vadd.f32 v34, v0;
	v37 =	vadd.f32 v36, v35;
	[tilespmem:s26+$0x460] =	vst v1  }
0xc3: {  	v38 =	vld [tilespmem:s22+$0x470]  }
0xc4: {  	v0 =	vadd.f32 v37, v0;
	v39 =	vld [tilespmem:s22+$0x4F0]  }
0xc5: {  	v40 =	vld [tilespmem:s22+$0x570]  }
0xc6: {  	v41 =	vld [tilespmem:s22+$0x5F0];
	[tilespmem:s28+$0x460] =	vst v0  }
0xc7: {  	v0 =	vld [tilespmem:s22+$0x670]  }
0xc8: {  	v42 =	vld [tilespmem:s22+$0x6F0]  }
0xc9: {  	v43 =	vld [tilespmem:s22+$0x770]  }
0xca: {  	v44 =	vld [tilespmem:s22+$0x7F0]  }
0xcb: {  	v2 =	vadd.f32 v39, v38;
	v1 =	vadd.f32 v41, v40;
	_ =	sdelay $0x1  }
0xcc: {  	v1 =	vadd.f32 v1, v2;
	_ =	sdelay $0x1  }
0xcd: {  	v0 =	vadd.f32 v42, v0;
	v45 =	vadd.f32 v44, v43;
	[tilespmem:s26+$0x470] =	vst v1  }
0xce: {  	v46 =	vld [tilespmem:s22+$0x800]  }
0xcf: {  	v0 =	vadd.f32 v45, v0;
	v47 =	vld [tilespmem:s22+$0x880]  }
0xd0: {  	v48 =	vld [tilespmem:s22+$0x900]  }
0xd1: {  	v49 =	vld [tilespmem:s22+$0x980];
	[tilespmem:s28+$0x470] =	vst v0  }
0xd2: {  	v0 =	vld [tilespmem:s22+$0xA00]  }
0xd3: {  	v50 =	vld [tilespmem:s22+$0xA80]  }
0xd4: {  	v51 =	vld [tilespmem:s22+$0xB00]  }
0xd5: {  	v52 =	vld [tilespmem:s22+$0xB80]  }
0xd6: {  	v2 =	vadd.f32 v47, v46;
	v1 =	vadd.f32 v49, v48;
	_ =	sdelay $0x1  }
0xd7: {  	v1 =	vadd.f32 v1, v2;
	_ =	sdelay $0x1  }
0xd8: {  	v0 =	vadd.f32 v50, v0;
	v53 =	vadd.f32 v52, v51;
	[tilespmem:s26+$0x800] =	vst v1  }
0xd9: {  	v54 =	vld [tilespmem:s22+$0x810]  }
0xda: {  	v0 =	vadd.f32 v53, v0;
	v55 =	vld [tilespmem:s22+$0x890]  }
0xdb: {  	v56 =	vld [tilespmem:s22+$0x910]  }
0xdc: {  	v57 =	vld [tilespmem:s22+$0x990];
	[tilespmem:s28+$0x800] =	vst v0  }
0xdd: {  	v0 =	vld [tilespmem:s22+$0xA10]  }
0xde: {  	v58 =	vld [tilespmem:s22+$0xA90]  }
0xdf: {  	v59 =	vld [tilespmem:s22+$0xB10]  }
0xe0: {  	v60 =	vld [tilespmem:s22+$0xB90]  }
0xe1: {  	v2 =	vadd.f32 v55, v54;
	v1 =	vadd.f32 v57, v56;
	_ =	sdelay $0x1  }
0xe2: {  	v1 =	vadd.f32 v1, v2;
	_ =	sdelay $0x1  }
0xe3: {  	v0 =	vadd.f32 v58, v0;
	v61 =	vadd.f32 v60, v59;
	[tilespmem:s26+$0x810] =	vst v1  }
0xe4: {  	v62 =	vld [tilespmem:s22+$0x820]  }
0xe5: {  	v0 =	vadd.f32 v61, v0;
	v63 =	vld [tilespmem:s22+$0x8A0]  }
0xe6: {  	v9 =	vld [tilespmem:s22+$0x920]  }
0xe7: {  	v10 =	vld [tilespmem:s22+$0x9A0];
	[tilespmem:s28+$0x810] =	vst v0  }
0xe8: {  	v0 =	vld [tilespmem:s22+$0xA20]  }
0xe9: {  	v11 =	vld [tilespmem:s22+$0xAA0]  }
0xea: {  	v12 =	vld [tilespmem:s22+$0xB20]  }
0xeb: {  	v13 =	vld [tilespmem:s22+$0xBA0]  }
0xec: {  	v2 =	vadd.f32 v63, v62;
	v1 =	vadd.f32 v10, v9;
	_ =	sdelay $0x1  }
0xed: {  	v1 =	vadd.f32 v1, v2;
	_ =	sdelay $0x1  }
0xee: {  	v0 =	vadd.f32 v11, v0;
	v14 =	vadd.f32 v13, v12;
	[tilespmem:s26+$0x820] =	vst v1  }
0xef: {  	v15 =	vld [tilespmem:s22+$0x830]  }
0xf0: {  	v0 =	vadd.f32 v14, v0;
	v16 =	vld [tilespmem:s22+$0x8B0]  }
0xf1: {  	v17 =	vld [tilespmem:s22+$0x930]  }
0xf2: {  	v18 =	vld [tilespmem:s22+$0x9B0];
	[tilespmem:s28+$0x820] =	vst v0  }
0xf3: {  	v0 =	vld [tilespmem:s22+$0xA30]  }
0xf4: {  	v19 =	vld [tilespmem:s22+$0xAB0]  }
0xf5: {  	v20 =	vld [tilespmem:s22+$0xB30]  }
0xf6: {  	v21 =	vld [tilespmem:s22+$0xBB0]  }
0xf7: {  	v2 =	vadd.f32 v16, v15;
	v1 =	vadd.f32 v18, v17;
	_ =	sdelay $0x1  }
0xf8: {  	v1 =	vadd.f32 v1, v2;
	_ =	sdelay $0x1  }
0xf9: {  	v0 =	vadd.f32 v19, v0;
	v22 =	vadd.f32 v21, v20;
	[tilespmem:s26+$0x830] =	vst v1  }
0xfa: {  	v23 =	vld [tilespmem:s22+$0x840]  }
0xfb: {  	v0 =	vadd.f32 v22, v0;
	v24 =	vld [tilespmem:s22+$0x8C0]  }
0xfc: {  	v25 =	vld [tilespmem:s22+$0x940]  }
0xfd: {  	v26 =	vld [tilespmem:s22+$0x9C0];
	[tilespmem:s28+$0x830] =	vst v0  }
0xfe: {  	v0 =	vld [tilespmem:s22+$0xA40]  }
0xff: {  	v27 =	vld [tilespmem:s22+$0xAC0]  }
0x100: {  	v28 =	vld [tilespmem:s22+$0xB40]  }
0x101: {  	v29 =	vld [tilespmem:s22+$0xBC0]  }
0x102: {  	v2 =	vadd.f32 v24, v23;
	v1 =	vadd.f32 v26, v25;
	_ =	sdelay $0x1  }
0x103: {  	v1 =	vadd.f32 v1, v2;
	_ =	sdelay $0x1  }
0x104: {  	v0 =	vadd.f32 v27, v0;
	v30 =	vadd.f32 v29, v28;
	[tilespmem:s26+$0x840] =	vst v1  }
0x105: {  	v31 =	vld [tilespmem:s22+$0x850]  }
0x106: {  	v0 =	vadd.f32 v30, v0;
	v32 =	vld [tilespmem:s22+$0x8D0]  }
0x107: {  	v33 =	vld [tilespmem:s22+$0x950]  }
0x108: {  	v34 =	vld [tilespmem:s22+$0x9D0];
	[tilespmem:s28+$0x840] =	vst v0  }
0x109: {  	v0 =	vld [tilespmem:s22+$0xA50]  }
0x10a: {  	v35 =	vld [tilespmem:s22+$0xAD0]  }
0x10b: {  	v36 =	vld [tilespmem:s22+$0xB50]  }
0x10c: {  	v37 =	vld [tilespmem:s22+$0xBD0]  }
0x10d: {  	v2 =	vadd.f32 v32, v31;
	v1 =	vadd.f32 v34, v33;
	_ =	sdelay $0x1  }
0x10e: {  	v1 =	vadd.f32 v1, v2;
	_ =	sdelay $0x1  }
0x10f: {  	v0 =	vadd.f32 v35, v0;
	v38 =	vadd.f32 v37, v36;
	[tilespmem:s26+$0x850] =	vst v1  }
0x110: {  	v39 =	vld [tilespmem:s22+$0x860]  }
0x111: {  	v0 =	vadd.f32 v38, v0;
	v40 =	vld [tilespmem:s22+$0x8E0]  }
0x112: {  	v41 =	vld [tilespmem:s22+$0x960]  }
0x113: {  	v42 =	vld [tilespmem:s22+$0x9E0];
	[tilespmem:s28+$0x850] =	vst v0  }
0x114: {  	v0 =	vld [tilespmem:s22+$0xA60]  }
0x115: {  	v43 =	vld [tilespmem:s22+$0xAE0]  }
0x116: {  	v44 =	vld [tilespmem:s22+$0xB60]  }
0x117: {  	v45 =	vld [tilespmem:s22+$0xBE0]  }
0x118: {  	v2 =	vadd.f32 v40, v39;
	v1 =	vadd.f32 v42, v41;
	_ =	sdelay $0x1  }
0x119: {  	v1 =	vadd.f32 v1, v2;
	_ =	sdelay $0x1  }
0x11a: {  	v0 =	vadd.f32 v43, v0;
	v46 =	vadd.f32 v45, v44;
	[tilespmem:s26+$0x860] =	vst v1  }
0x11b: {  	v47 =	vld [tilespmem:s22+$0x870]  }
0x11c: {  	v0 =	vadd.f32 v46, v0;
	v48 =	vld [tilespmem:s22+$0x8F0]  }
0x11d: {  	v49 =	vld [tilespmem:s22+$0x970]  }
0x11e: {  	v50 =	vld [tilespmem:s22+$0x9F0];
	[tilespmem:s28+$0x860] =	vst v0  }
0x11f: {  	v0 =	vld [tilespmem:s22+$0xA70]  }
0x120: {  	v51 =	vld [tilespmem:s22+$0xAF0]  }
0x121: {  	v52 =	vld [tilespmem:s22+$0xB70]  }
0x122: {  	v53 =	vld [tilespmem:s22+$0xBF0]  }
0x123: {  	v2 =	vadd.f32 v48, v47;
	v1 =	vadd.f32 v50, v49;
	_ =	sdelay $0x1  }
0x124: {  	v1 =	vadd.f32 v1, v2;
	_ =	sdelay $0x1  }
0x125: {  	v0 =	vadd.f32 v51, v0;
	v54 =	vadd.f32 v53, v52;
	[tilespmem:s26+$0x870] =	vst v1  }
0x126: {  	v55 =	vld [tilespmem:s22+$0xC00]  }
0x127: {  	v0 =	vadd.f32 v54, v0;
	v56 =	vld [tilespmem:s22+$0xC80]  }
0x128: {  	v57 =	vld [tilespmem:s22+$0xD00]  }
0x129: {  	v58 =	vld [tilespmem:s22+$0xD80];
	[tilespmem:s28+$0x870] =	vst v0  }
0x12a: {  	v0 =	vld [tilespmem:s22+$0xE00]  }
0x12b: {  	v59 =	vld [tilespmem:s22+$0xE80]  }
0x12c: {  	v60 =	vld [tilespmem:s22+$0xF00]  }
0x12d: {  	v61 =	vld [tilespmem:s22+$0xF80]  }
0x12e: {  	v2 =	vadd.f32 v56, v55;
	v1 =	vadd.f32 v58, v57;
	_ =	sdelay $0x1  }
0x12f: {  	s24 =	sor.u32 s23, s24;
	v1 =	vadd.f32 v1, v2  }
0x130: {  	s31 =	sor.u32 $0xC00, s24  }
0x131: {  	v0 =	vadd.f32 v59, v0;
	v62 =	vadd.f32 v61, v60;
	[tilespmem:s31+$0x10000] =	vst v1  }
0x132: {  	v63 =	vld [tilespmem:s22+$0xC10]  }
0x133: {  	s23 =	sor.u32 s23, s30;
	v0 =	vadd.f32 v62, v0;
	v9 =	vld [tilespmem:s22+$0xC90]  }
0x134: {  	s25 =	sor.u32 $0xC00, s23;
	v10 =	vld [tilespmem:s22+$0xD10]  }
0x135: {  	v11 =	vld [tilespmem:s22+$0xD90];
	[tilespmem:s25+$0x10000] =	vst v0  }
0x136: {  	v0 =	vld [tilespmem:s22+$0xE10]  }
0x137: {  	v12 =	vld [tilespmem:s22+$0xE90]  }
0x138: {  	v13 =	vld [tilespmem:s22+$0xF10]  }
0x139: {  	v14 =	vld [tilespmem:s22+$0xF90]  }
0x13a: {  	v2 =	vadd.f32 v9, v63;
	v1 =	vadd.f32 v11, v10;
	_ =	sdelay $0x1  }
0x13b: {  	v1 =	vadd.f32 v1, v2  }
0x13c: {  	s26 =	sor.u32 $0xC10, s24  }
0x13d: {  	v0 =	vadd.f32 v12, v0;
	v15 =	vadd.f32 v14, v13;
	[tilespmem:s26+$0x10000] =	vst v1  }
0x13e: {  	v16 =	vld [tilespmem:s22+$0xC20]  }
0x13f: {  	v0 =	vadd.f32 v15, v0;
	v17 =	vld [tilespmem:s22+$0xCA0]  }
0x140: {  	s28 =	sor.u32 $0xC10, s23;
	v18 =	vld [tilespmem:s22+$0xD20]  }
0x141: {  	v19 =	vld [tilespmem:s22+$0xDA0];
	[tilespmem:s28+$0x10000] =	vst v0  }
0x142: {  	v0 =	vld [tilespmem:s22+$0xE20]  }
0x143: {  	v20 =	vld [tilespmem:s22+$0xEA0]  }
0x144: {  	v21 =	vld [tilespmem:s22+$0xF20]  }
0x145: {  	v22 =	vld [tilespmem:s22+$0xFA0]  }
0x146: {  	v2 =	vadd.f32 v17, v16;
	v1 =	vadd.f32 v19, v18;
	_ =	sdelay $0x1  }
0x147: {  	v1 =	vadd.f32 v1, v2  }
0x148: {  	s29 =	sor.u32 $0xC20, s24  }
0x149: {  	v0 =	vadd.f32 v20, v0;
	v23 =	vadd.f32 v22, v21;
	[tilespmem:s29+$0x10000] =	vst v1  }
0x14a: {  	v24 =	vld [tilespmem:s22+$0xC30]  }
0x14b: {  	v0 =	vadd.f32 v23, v0;
	v25 =	vld [tilespmem:s22+$0xCB0]  }
0x14c: {  	s30 =	sor.u32 $0xC20, s23;
	v26 =	vld [tilespmem:s22+$0xD30]  }
0x14d: {  	v27 =	vld [tilespmem:s22+$0xDB0];
	[tilespmem:s30+$0x10000] =	vst v0  }
0x14e: {  	v0 =	vld [tilespmem:s22+$0xE30]  }
0x14f: {  	v28 =	vld [tilespmem:s22+$0xEB0]  }
0x150: {  	v29 =	vld [tilespmem:s22+$0xF30]  }
0x151: {  	v30 =	vld [tilespmem:s22+$0xFB0]  }
0x152: {  	v2 =	vadd.f32 v25, v24;
	v1 =	vadd.f32 v27, v26;
	_ =	sdelay $0x1  }
0x153: {  	v1 =	vadd.f32 v1, v2  }
0x154: {  	s31 =	sor.u32 $0xC30, s24  }
0x155: {  	v0 =	vadd.f32 v28, v0;
	v31 =	vadd.f32 v30, v29;
	[tilespmem:s31+$0x10000] =	vst v1  }
0x156: {  	v32 =	vld [tilespmem:s22+$0xC40]  }
0x157: {  	v0 =	vadd.f32 v31, v0;
	v33 =	vld [tilespmem:s22+$0xCC0]  }
0x158: {  	s26 =	sor.u32 $0xC30, s23;
	v34 =	vld [tilespmem:s22+$0xD40]  }
0x159: {  	v35 =	vld [tilespmem:s22+$0xDC0];
	[tilespmem:s26+$0x10000] =	vst v0  }
0x15a: {  	v0 =	vld [tilespmem:s22+$0xE40]  }
0x15b: {  	v36 =	vld [tilespmem:s22+$0xEC0]  }
0x15c: {  	v37 =	vld [tilespmem:s22+$0xF40]  }
0x15d: {  	v38 =	vld [tilespmem:s22+$0xFC0]  }
0x15e: {  	v2 =	vadd.f32 v33, v32;
	v1 =	vadd.f32 v35, v34;
	_ =	sdelay $0x1  }
0x15f: {  	v1 =	vadd.f32 v1, v2  }
0x160: {  	s28 =	sor.u32 $0xC40, s24  }
0x161: {  	v0 =	vadd.f32 v36, v0;
	v39 =	vadd.f32 v38, v37;
	[tilespmem:s28+$0x10000] =	vst v1  }
0x162: {  	v40 =	vld [tilespmem:s22+$0xC50]  }
0x163: {  	v0 =	vadd.f32 v39, v0;
	v41 =	vld [tilespmem:s22+$0xCD0]  }
0x164: {  	s29 =	sor.u32 $0xC40, s23;
	v42 =	vld [tilespmem:s22+$0xD50]  }
0x165: {  	v43 =	vld [tilespmem:s22+$0xDD0];
	[tilespmem:s29+$0x10000] =	vst v0  }
0x166: {  	v0 =	vld [tilespmem:s22+$0xE50]  }
0x167: {  	v44 =	vld [tilespmem:s22+$0xED0]  }
0x168: {  	v45 =	vld [tilespmem:s22+$0xF50]  }
0x169: {  	v46 =	vld [tilespmem:s22+$0xFD0]  }
0x16a: {  	v2 =	vadd.f32 v41, v40;
	v1 =	vadd.f32 v43, v42;
	_ =	sdelay $0x1  }
0x16b: {  	v1 =	vadd.f32 v1, v2  }
0x16c: {  	s30 =	sor.u32 $0xC50, s24  }
0x16d: {  	v0 =	vadd.f32 v44, v0;
	v47 =	vadd.f32 v46, v45;
	[tilespmem:s30+$0x10000] =	vst v1  }
0x16e: {  	v48 =	vld [tilespmem:s22+$0xC60]  }
0x16f: {  	v0 =	vadd.f32 v47, v0;
	v49 =	vld [tilespmem:s22+$0xCE0]  }
0x170: {  	s31 =	sor.u32 $0xC50, s23;
	v50 =	vld [tilespmem:s22+$0xD60]  }
0x171: {  	v51 =	vld [tilespmem:s22+$0xDE0];
	[tilespmem:s31+$0x10000] =	vst v0  }
0x172: {  	v0 =	vld [tilespmem:s22+$0xE60]  }
0x173: {  	v52 =	vld [tilespmem:s22+$0xEE0]  }
0x174: {  	v53 =	vld [tilespmem:s22+$0xF60]  }
0x175: {  	v54 =	vld [tilespmem:s22+$0xFE0]  }
0x176: {  	v2 =	vadd.f32 v49, v48;
	v1 =	vadd.f32 v51, v50;
	_ =	sdelay $0x1  }
0x177: {  	v1 =	vadd.f32 v1, v2  }
0x178: {  	s26 =	sor.u32 $0xC60, s24  }
0x179: {  	v0 =	vadd.f32 v52, v0;
	v55 =	vadd.f32 v54, v53;
	[tilespmem:s26+$0x10000] =	vst v1  }
0x17a: {  	v56 =	vld [tilespmem:s22+$0xC70]  }
0x17b: {  	v0 =	vadd.f32 v55, v0;
	v57 =	vld [tilespmem:s22+$0xCF0]  }
0x17c: {  	s28 =	sor.u32 $0xC60, s23;
	v58 =	vld [tilespmem:s22+$0xD70]  }
0x17d: {  	v59 =	vld [tilespmem:s22+$0xDF0];
	[tilespmem:s28+$0x10000] =	vst v0  }
0x17e: {  	v0 =	vld [tilespmem:s22+$0xE70]  }
0x17f: {  	v60 =	vld [tilespmem:s22+$0xEF0]  }
0x180: {  	v61 =	vld [tilespmem:s22+$0xF70]  }
0x181: {  	v62 =	vld [tilespmem:s22+$0xFF0];
	_ =	sdelay $0x3  }
0x182: {  	p1 =	slt.u32 s21, $0xE;
	v2 =	vadd.f32 v57, v56;
	v1 =	vadd.f32 v59, v58  }
.Ltmp0:
0x183: {  	v0 =	vadd.f32 v60, v0;
	v63 =	vadd.f32 v62, v61;
	(pc) =	sbr.rel @p1 .LBB2_3-.Ltmp0, $4  }
0x184: {  	v1 =	vadd.f32 v1, v2  }
0x185: {  	s29 =	sor.u32 $0xC70, s24;
	v0 =	vadd.f32 v63, v0  }
0x186: {  	s30 =	sor.u32 $0xC70, s23;
	s31 =	sadd.s32 $0x2, s21;
	[tilespmem:s29+$0x10000] =	vst v1  }
0x187: {  	s21 =	smov.u32 s31;
	[tilespmem:s30+$0x10000] =	vst v0  }
0x188: {  	p1 =	sne.s32 s18, $0x7  }
.Ltmp1:
0x189: {  	_ = 	snop;
	(pc) =	sbr.rel @p1 .LBB2_6-.Ltmp1, $4  }
0x18a: {  	_ = 	snop  }
0x18b: {  	s21 =	sshll.u32 s18, $0xB  }
0x18c: {  	s21 =	sadd.s32 s21, s7  }
0x18d: {  	[hbm4b:s21+s4] =	stream.linear.scatter [tilespmem:s12], [sflag:$0x3], $0x2000, $0x38;
	[tilespmem:$0x14000] =	vst v63  }
.Ltmp2:
0x18e: {  	(pc) =	sbr.rel .LBB2_7-.Ltmp2, $4  }
0x18f: {  	_ = 	snop  }
0x190: {  	_ =	swait.ge [sflag:s13], $0x8000  }
0x191: {  	[sflag:s13] =	ssyncset.done $0x0  }
0x192: {  	[sflag:s13] =	ssyncadd.s32 $0xFFFF8000  }
.LBB2_6:
.Ltmp3:
0x193: {  	s20 =	sadd.s32 s20, s8;
	(pc) =	sbr.rel @p0 .LBB2_8-.Ltmp3, $4  }
0x194: {  	[tilespmem:s4], [sflag:$0x1] =	stream.linear.gather [hbm4b:s20+s4], $0x8000, $0x38;
	[tilespmem:$0x14000] =	vst v63  }
0x195: {  	_ =	swait.ge [sflag:s13], $0x8000  }
0x196: {  	[sflag:s13] =	ssyncset.done $0x0  }
0x197: {  	[sflag:s13] =	ssyncadd.s32 $0xFFFF8000  }
.LBB2_7:
0x198: {  	_ =	swait.ge [sflag:s14], $0x2000  }
0x199: {  	[sflag:s14] =	ssyncset.done $0x0  }
0x19a: {  	[sflag:s14] =	ssyncadd.s32 $0xFFFFE000  }
.LBB2_8:
0x19b: {  	s20 =	simm.s32 $0x0  }
.LBB2_9:
0x19c: {  	s21 =	sshll.u32 s20, $0xB  }
0x19d: {  	s21 =	sand.u32 $0x3FFFF800, s21  }
0x19e: {  	v0 =	vld [tilespmem:s21+$0x8000]  }
0x19f: {  	v1 =	vld [tilespmem:s21+$0x8080]  }
0x1a0: {  	v2 =	vld [tilespmem:s21+$0x8100]  }
0x1a1: {  	v3 =	vld [tilespmem:s21+$0x8180]  }
0x1a2: {  	v4 =	vld [tilespmem:s21+$0x8200]  }
0x1a3: {  	v5 =	vld [tilespmem:s21+$0x8280]  }
0x1a4: {  	v6 =	vld [tilespmem:s21+$0x8300]  }
0x1a5: {  	v7 =	vld [tilespmem:s21+$0x8380]  }
0x1a6: {  	s22 =	sshll.u32 s20, $0x9;
	v0 =	vadd.f32 v1, v0;
	v33 =	vadd.f32 v3, v2  }
0x1a7: {  	s23 =	sshll.u32 s20, $0x7;
	s24 =	sand.u32 $0x1000, s22  }
0x1a8: {  	s23 =	sand.u32 $0x300, s23;
	s26 =	sor.u32 $0x12000, s24;
	v0 =	vadd.f32 v33, v0  }
0x1a9: {  	s25 =	sor.u32 s23, s26  }
0x1aa: {  	v34 =	vadd.f32 v5, v4;
	v35 =	vadd.f32 v7, v6;
	[tilespmem:s25+$0x0] =	vst v0  }
0x1ab: {  	v36 =	vld [tilespmem:s21+$0x8010]  }
0x1ac: {  	s31 =	sor.u32 $0x80, s23;
	v0 =	vadd.f32 v35, v34;
	v37 =	vld [tilespmem:s21+$0x8090]  }
0x1ad: {  	s26 =	sor.u32 s31, s26;
	v38 =	vld [tilespmem:s21+$0x8110]  }
0x1ae: {  	v39 =	vld [tilespmem:s21+$0x8190];
	[tilespmem:s26+$0x0] =	vst v0  }
0x1af: {  	v0 =	vld [tilespmem:s21+$0x8210]  }
0x1b0: {  	v40 =	vld [tilespmem:s21+$0x8290]  }
0x1b1: {  	v41 =	vld [tilespmem:s21+$0x8310]  }
0x1b2: {  	v42 =	vld [tilespmem:s21+$0x8390]  }
0x1b3: {  	v2 =	vadd.f32 v37, v36;
	v1 =	vadd.f32 v39, v38;
	_ =	sdelay $0x1  }
0x1b4: {  	v1 =	vadd.f32 v1, v2;
	_ =	sdelay $0x1  }
0x1b5: {  	v0 =	vadd.f32 v40, v0;
	v43 =	vadd.f32 v42, v41;
	[tilespmem:s25+$0x10] =	vst v1  }
0x1b6: {  	v44 =	vld [tilespmem:s21+$0x8020]  }
0x1b7: {  	v0 =	vadd.f32 v43, v0;
	v45 =	vld [tilespmem:s21+$0x80A0]  }
0x1b8: {  	v46 =	vld [tilespmem:s21+$0x8120]  }
0x1b9: {  	v47 =	vld [tilespmem:s21+$0x81A0];
	[tilespmem:s26+$0x10] =	vst v0  }
0x1ba: {  	v0 =	vld [tilespmem:s21+$0x8220]  }
0x1bb: {  	v48 =	vld [tilespmem:s21+$0x82A0]  }
0x1bc: {  	v49 =	vld [tilespmem:s21+$0x8320]  }
0x1bd: {  	v50 =	vld [tilespmem:s21+$0x83A0]  }
0x1be: {  	v2 =	vadd.f32 v45, v44;
	v1 =	vadd.f32 v47, v46;
	_ =	sdelay $0x1  }
0x1bf: {  	v1 =	vadd.f32 v1, v2;
	_ =	sdelay $0x1  }
0x1c0: {  	v0 =	vadd.f32 v48, v0;
	v51 =	vadd.f32 v50, v49;
	[tilespmem:s25+$0x20] =	vst v1  }
0x1c1: {  	v52 =	vld [tilespmem:s21+$0x8030]  }
0x1c2: {  	v0 =	vadd.f32 v51, v0;
	v53 =	vld [tilespmem:s21+$0x80B0]  }
0x1c3: {  	v54 =	vld [tilespmem:s21+$0x8130]  }
0x1c4: {  	v55 =	vld [tilespmem:s21+$0x81B0];
	[tilespmem:s26+$0x20] =	vst v0  }
0x1c5: {  	v0 =	vld [tilespmem:s21+$0x8230]  }
0x1c6: {  	v56 =	vld [tilespmem:s21+$0x82B0]  }
0x1c7: {  	v57 =	vld [tilespmem:s21+$0x8330]  }
0x1c8: {  	v58 =	vld [tilespmem:s21+$0x83B0]  }
0x1c9: {  	v2 =	vadd.f32 v53, v52;
	v1 =	vadd.f32 v55, v54;
	_ =	sdelay $0x1  }
0x1ca: {  	v1 =	vadd.f32 v1, v2;
	_ =	sdelay $0x1  }
0x1cb: {  	v0 =	vadd.f32 v56, v0;
	v59 =	vadd.f32 v58, v57;
	[tilespmem:s25+$0x30] =	vst v1  }
0x1cc: {  	v60 =	vld [tilespmem:s21+$0x8040]  }
0x1cd: {  	v0 =	vadd.f32 v59, v0;
	v61 =	vld [tilespmem:s21+$0x80C0]  }
0x1ce: {  	v62 =	vld [tilespmem:s21+$0x8140]  }
0x1cf: {  	v63 =	vld [tilespmem:s21+$0x81C0];
	[tilespmem:s26+$0x30] =	vst v0  }
0x1d0: {  	v0 =	vld [tilespmem:s21+$0x8240]  }
0x1d1: {  	v9 =	vld [tilespmem:s21+$0x82C0]  }
0x1d2: {  	v10 =	vld [tilespmem:s21+$0x8340]  }
0x1d3: {  	v11 =	vld [tilespmem:s21+$0x83C0]  }
0x1d4: {  	v2 =	vadd.f32 v61, v60;
	v1 =	vadd.f32 v63, v62;
	_ =	sdelay $0x1  }
0x1d5: {  	v1 =	vadd.f32 v1, v2;
	_ =	sdelay $0x1  }
0x1d6: {  	v0 =	vadd.f32 v9, v0;
	v12 =	vadd.f32 v11, v10;
	[tilespmem:s25+$0x40] =	vst v1  }
0x1d7: {  	v13 =	vld [tilespmem:s21+$0x8050]  }
0x1d8: {  	v0 =	vadd.f32 v12, v0;
	v14 =	vld [tilespmem:s21+$0x80D0]  }
0x1d9: {  	v15 =	vld [tilespmem:s21+$0x8150]  }
0x1da: {  	v16 =	vld [tilespmem:s21+$0x81D0];
	[tilespmem:s26+$0x40] =	vst v0  }
0x1db: {  	v0 =	vld [tilespmem:s21+$0x8250]  }
0x1dc: {  	v17 =	vld [tilespmem:s21+$0x82D0]  }
0x1dd: {  	v18 =	vld [tilespmem:s21+$0x8350]  }
0x1de: {  	v19 =	vld [tilespmem:s21+$0x83D0]  }
0x1df: {  	v2 =	vadd.f32 v14, v13;
	v1 =	vadd.f32 v16, v15;
	_ =	sdelay $0x1  }
0x1e0: {  	v1 =	vadd.f32 v1, v2;
	_ =	sdelay $0x1  }
0x1e1: {  	v0 =	vadd.f32 v17, v0;
	v20 =	vadd.f32 v19, v18;
	[tilespmem:s25+$0x50] =	vst v1  }
0x1e2: {  	v21 =	vld [tilespmem:s21+$0x8060]  }
0x1e3: {  	v0 =	vadd.f32 v20, v0;
	v22 =	vld [tilespmem:s21+$0x80E0]  }
0x1e4: {  	v23 =	vld [tilespmem:s21+$0x8160]  }
0x1e5: {  	v24 =	vld [tilespmem:s21+$0x81E0];
	[tilespmem:s26+$0x50] =	vst v0  }
0x1e6: {  	v0 =	vld [tilespmem:s21+$0x8260]  }
0x1e7: {  	v25 =	vld [tilespmem:s21+$0x82E0]  }
0x1e8: {  	v26 =	vld [tilespmem:s21+$0x8360]  }
0x1e9: {  	v27 =	vld [tilespmem:s21+$0x83E0]  }
0x1ea: {  	v2 =	vadd.f32 v22, v21;
	v1 =	vadd.f32 v24, v23;
	_ =	sdelay $0x1  }
0x1eb: {  	v1 =	vadd.f32 v1, v2;
	_ =	sdelay $0x1  }
0x1ec: {  	v0 =	vadd.f32 v25, v0;
	v28 =	vadd.f32 v27, v26;
	[tilespmem:s25+$0x60] =	vst v1  }
0x1ed: {  	v29 =	vld [tilespmem:s21+$0x8070]  }
0x1ee: {  	v0 =	vadd.f32 v28, v0;
	v30 =	vld [tilespmem:s21+$0x80F0]  }
0x1ef: {  	v31 =	vld [tilespmem:s21+$0x8170]  }
0x1f0: {  	v32 =	vld [tilespmem:s21+$0x81F0];
	[tilespmem:s26+$0x60] =	vst v0  }
0x1f1: {  	v0 =	vld [tilespmem:s21+$0x8270]  }
0x1f2: {  	v33 =	vld [tilespmem:s21+$0x82F0]  }
0x1f3: {  	v34 =	vld [tilespmem:s21+$0x8370]  }
0x1f4: {  	v35 =	vld [tilespmem:s21+$0x83F0]  }
0x1f5: {  	v2 =	vadd.f32 v30, v29;
	v1 =	vadd.f32 v32, v31;
	_ =	sdelay $0x1  }
0x1f6: {  	v1 =	vadd.f32 v1, v2;
	_ =	sdelay $0x1  }
0x1f7: {  	v0 =	vadd.f32 v33, v0;
	v36 =	vadd.f32 v35, v34;
	[tilespmem:s25+$0x70] =	vst v1  }
0x1f8: {  	v37 =	vld [tilespmem:s21+$0x8400]  }
0x1f9: {  	v0 =	vadd.f32 v36, v0;
	v38 =	vld [tilespmem:s21+$0x8480]  }
0x1fa: {  	v39 =	vld [tilespmem:s21+$0x8500]  }
0x1fb: {  	v40 =	vld [tilespmem:s21+$0x8580];
	[tilespmem:s26+$0x70] =	vst v0  }
0x1fc: {  	v0 =	vld [tilespmem:s21+$0x8600]  }
0x1fd: {  	v41 =	vld [tilespmem:s21+$0x8680]  }
0x1fe: {  	v42 =	vld [tilespmem:s21+$0x8700]  }
0x1ff: {  	v43 =	vld [tilespmem:s21+$0x8780]  }
0x200: {  	v2 =	vadd.f32 v38, v37;
	v1 =	vadd.f32 v40, v39;
	_ =	sdelay $0x1  }
0x201: {  	v1 =	vadd.f32 v1, v2;
	_ =	sdelay $0x1  }
0x202: {  	v0 =	vadd.f32 v41, v0;
	v44 =	vadd.f32 v43, v42;
	[tilespmem:s25+$0x400] =	vst v1  }
0x203: {  	v45 =	vld [tilespmem:s21+$0x8410]  }
0x204: {  	v0 =	vadd.f32 v44, v0;
	v46 =	vld [tilespmem:s21+$0x8490]  }
0x205: {  	v47 =	vld [tilespmem:s21+$0x8510]  }
0x206: {  	v48 =	vld [tilespmem:s21+$0x8590];
	[tilespmem:s26+$0x400] =	vst v0  }
0x207: {  	v0 =	vld [tilespmem:s21+$0x8610]  }
0x208: {  	v49 =	vld [tilespmem:s21+$0x8690]  }
0x209: {  	v50 =	vld [tilespmem:s21+$0x8710]  }
0x20a: {  	v51 =	vld [tilespmem:s21+$0x8790]  }
0x20b: {  	v2 =	vadd.f32 v46, v45;
	v1 =	vadd.f32 v48, v47;
	_ =	sdelay $0x1  }
0x20c: {  	v1 =	vadd.f32 v1, v2;
	_ =	sdelay $0x1  }
0x20d: {  	v0 =	vadd.f32 v49, v0;
	v52 =	vadd.f32 v51, v50;
	[tilespmem:s25+$0x410] =	vst v1  }
0x20e: {  	v53 =	vld [tilespmem:s21+$0x8420]  }
0x20f: {  	v0 =	vadd.f32 v52, v0;
	v54 =	vld [tilespmem:s21+$0x84A0]  }
0x210: {  	v55 =	vld [tilespmem:s21+$0x8520]  }
0x211: {  	v56 =	vld [tilespmem:s21+$0x85A0];
	[tilespmem:s26+$0x410] =	vst v0  }
0x212: {  	v0 =	vld [tilespmem:s21+$0x8620]  }
0x213: {  	v57 =	vld [tilespmem:s21+$0x86A0]  }
0x214: {  	v58 =	vld [tilespmem:s21+$0x8720]  }
0x215: {  	v59 =	vld [tilespmem:s21+$0x87A0]  }
0x216: {  	v2 =	vadd.f32 v54, v53;
	v1 =	vadd.f32 v56, v55;
	_ =	sdelay $0x1  }
0x217: {  	v1 =	vadd.f32 v1, v2;
	_ =	sdelay $0x1  }
0x218: {  	v0 =	vadd.f32 v57, v0;
	v60 =	vadd.f32 v59, v58;
	[tilespmem:s25+$0x420] =	vst v1  }
0x219: {  	v61 =	vld [tilespmem:s21+$0x8430]  }
0x21a: {  	v0 =	vadd.f32 v60, v0;
	v62 =	vld [tilespmem:s21+$0x84B0]  }
0x21b: {  	v63 =	vld [tilespmem:s21+$0x8530]  }
0x21c: {  	v9 =	vld [tilespmem:s21+$0x85B0];
	[tilespmem:s26+$0x420] =	vst v0  }
0x21d: {  	v0 =	vld [tilespmem:s21+$0x8630]  }
0x21e: {  	v10 =	vld [tilespmem:s21+$0x86B0]  }
0x21f: {  	v11 =	vld [tilespmem:s21+$0x8730]  }
0x220: {  	v12 =	vld [tilespmem:s21+$0x87B0]  }
0x221: {  	v2 =	vadd.f32 v62, v61;
	v1 =	vadd.f32 v9, v63;
	_ =	sdelay $0x1  }
0x222: {  	v1 =	vadd.f32 v1, v2;
	_ =	sdelay $0x1  }
0x223: {  	v0 =	vadd.f32 v10, v0;
	v13 =	vadd.f32 v12, v11;
	[tilespmem:s25+$0x430] =	vst v1  }
0x224: {  	v14 =	vld [tilespmem:s21+$0x8440]  }
0x225: {  	v0 =	vadd.f32 v13, v0;
	v15 =	vld [tilespmem:s21+$0x84C0]  }
0x226: {  	v16 =	vld [tilespmem:s21+$0x8540]  }
0x227: {  	v17 =	vld [tilespmem:s21+$0x85C0];
	[tilespmem:s26+$0x430] =	vst v0  }
0x228: {  	v0 =	vld [tilespmem:s21+$0x8640]  }
0x229: {  	v18 =	vld [tilespmem:s21+$0x86C0]  }
0x22a: {  	v19 =	vld [tilespmem:s21+$0x8740]  }
0x22b: {  	v20 =	vld [tilespmem:s21+$0x87C0]  }
0x22c: {  	v2 =	vadd.f32 v15, v14;
	v1 =	vadd.f32 v17, v16;
	_ =	sdelay $0x1  }
0x22d: {  	v1 =	vadd.f32 v1, v2;
	_ =	sdelay $0x1  }
0x22e: {  	v0 =	vadd.f32 v18, v0;
	v21 =	vadd.f32 v20, v19;
	[tilespmem:s25+$0x440] =	vst v1  }
0x22f: {  	v22 =	vld [tilespmem:s21+$0x8450]  }
0x230: {  	v0 =	vadd.f32 v21, v0;
	v23 =	vld [tilespmem:s21+$0x84D0]  }
0x231: {  	v24 =	vld [tilespmem:s21+$0x8550]  }
0x232: {  	v25 =	vld [tilespmem:s21+$0x85D0];
	[tilespmem:s26+$0x440] =	vst v0  }
0x233: {  	v0 =	vld [tilespmem:s21+$0x8650]  }
0x234: {  	v26 =	vld [tilespmem:s21+$0x86D0]  }
0x235: {  	v27 =	vld [tilespmem:s21+$0x8750]  }
0x236: {  	v28 =	vld [tilespmem:s21+$0x87D0]  }
0x237: {  	v2 =	vadd.f32 v23, v22;
	v1 =	vadd.f32 v25, v24;
	_ =	sdelay $0x1  }
0x238: {  	v1 =	vadd.f32 v1, v2;
	_ =	sdelay $0x1  }
0x239: {  	v0 =	vadd.f32 v26, v0;
	v29 =	vadd.f32 v28, v27;
	[tilespmem:s25+$0x450] =	vst v1  }
0x23a: {  	v30 =	vld [tilespmem:s21+$0x8460]  }
0x23b: {  	v0 =	vadd.f32 v29, v0;
	v31 =	vld [tilespmem:s21+$0x84E0]  }
0x23c: {  	v32 =	vld [tilespmem:s21+$0x8560]  }
0x23d: {  	v33 =	vld [tilespmem:s21+$0x85E0];
	[tilespmem:s26+$0x450] =	vst v0  }
0x23e: {  	v0 =	vld [tilespmem:s21+$0x8660]  }
0x23f: {  	v34 =	vld [tilespmem:s21+$0x86E0]  }
0x240: {  	v35 =	vld [tilespmem:s21+$0x8760]  }
0x241: {  	v36 =	vld [tilespmem:s21+$0x87E0]  }
0x242: {  	v2 =	vadd.f32 v31, v30;
	v1 =	vadd.f32 v33, v32;
	_ =	sdelay $0x1  }
0x243: {  	v1 =	vadd.f32 v1, v2;
	_ =	sdelay $0x1  }
0x244: {  	v0 =	vadd.f32 v34, v0;
	v37 =	vadd.f32 v36, v35;
	[tilespmem:s25+$0x460] =	vst v1  }
0x245: {  	v38 =	vld [tilespmem:s21+$0x8470]  }
0x246: {  	v0 =	vadd.f32 v37, v0;
	v39 =	vld [tilespmem:s21+$0x84F0]  }
0x247: {  	v40 =	vld [tilespmem:s21+$0x8570]  }
0x248: {  	v41 =	vld [tilespmem:s21+$0x85F0];
	[tilespmem:s26+$0x460] =	vst v0  }
0x249: {  	v0 =	vld [tilespmem:s21+$0x8670]  }
0x24a: {  	v42 =	vld [tilespmem:s21+$0x86F0]  }
0x24b: {  	v43 =	vld [tilespmem:s21+$0x8770]  }
0x24c: {  	v44 =	vld [tilespmem:s21+$0x87F0]  }
0x24d: {  	v2 =	vadd.f32 v39, v38;
	v1 =	vadd.f32 v41, v40;
	_ =	sdelay $0x1  }
0x24e: {  	v1 =	vadd.f32 v1, v2;
	_ =	sdelay $0x1  }
0x24f: {  	v0 =	vadd.f32 v42, v0;
	v45 =	vadd.f32 v44, v43;
	[tilespmem:s25+$0x470] =	vst v1  }
0x250: {  	v46 =	vld [tilespmem:s21+$0x8800]  }
0x251: {  	v0 =	vadd.f32 v45, v0;
	v47 =	vld [tilespmem:s21+$0x8880]  }
0x252: {  	v48 =	vld [tilespmem:s21+$0x8900]  }
0x253: {  	v49 =	vld [tilespmem:s21+$0x8980];
	[tilespmem:s26+$0x470] =	vst v0  }
0x254: {  	v0 =	vld [tilespmem:s21+$0x8A00]  }
0x255: {  	v50 =	vld [tilespmem:s21+$0x8A80]  }
0x256: {  	v51 =	vld [tilespmem:s21+$0x8B00]  }
0x257: {  	v52 =	vld [tilespmem:s21+$0x8B80]  }
0x258: {  	v2 =	vadd.f32 v47, v46;
	v1 =	vadd.f32 v49, v48;
	_ =	sdelay $0x1  }
0x259: {  	v1 =	vadd.f32 v1, v2;
	_ =	sdelay $0x1  }
0x25a: {  	v0 =	vadd.f32 v50, v0;
	v53 =	vadd.f32 v52, v51;
	[tilespmem:s25+$0x800] =	vst v1  }
0x25b: {  	v54 =	vld [tilespmem:s21+$0x8810]  }
0x25c: {  	v0 =	vadd.f32 v53, v0;
	v55 =	vld [tilespmem:s21+$0x8890]  }
0x25d: {  	v56 =	vld [tilespmem:s21+$0x8910]  }
0x25e: {  	v57 =	vld [tilespmem:s21+$0x8990];
	[tilespmem:s26+$0x800] =	vst v0  }
0x25f: {  	v0 =	vld [tilespmem:s21+$0x8A10]  }
0x260: {  	v58 =	vld [tilespmem:s21+$0x8A90]  }
0x261: {  	v59 =	vld [tilespmem:s21+$0x8B10]  }
0x262: {  	v60 =	vld [tilespmem:s21+$0x8B90]  }
0x263: {  	v2 =	vadd.f32 v55, v54;
	v1 =	vadd.f32 v57, v56;
	_ =	sdelay $0x1  }
0x264: {  	v1 =	vadd.f32 v1, v2;
	_ =	sdelay $0x1  }
0x265: {  	v0 =	vadd.f32 v58, v0;
	v61 =	vadd.f32 v60, v59;
	[tilespmem:s25+$0x810] =	vst v1  }
0x266: {  	v62 =	vld [tilespmem:s21+$0x8820]  }
0x267: {  	v0 =	vadd.f32 v61, v0;
	v63 =	vld [tilespmem:s21+$0x88A0]  }
0x268: {  	v9 =	vld [tilespmem:s21+$0x8920]  }
0x269: {  	v10 =	vld [tilespmem:s21+$0x89A0];
	[tilespmem:s26+$0x810] =	vst v0  }
0x26a: {  	v0 =	vld [tilespmem:s21+$0x8A20]  }
0x26b: {  	v11 =	vld [tilespmem:s21+$0x8AA0]  }
0x26c: {  	v12 =	vld [tilespmem:s21+$0x8B20]  }
0x26d: {  	v13 =	vld [tilespmem:s21+$0x8BA0]  }
0x26e: {  	v2 =	vadd.f32 v63, v62;
	v1 =	vadd.f32 v10, v9;
	_ =	sdelay $0x1  }
0x26f: {  	v1 =	vadd.f32 v1, v2;
	_ =	sdelay $0x1  }
0x270: {  	v0 =	vadd.f32 v11, v0;
	v14 =	vadd.f32 v13, v12;
	[tilespmem:s25+$0x820] =	vst v1  }
0x271: {  	v15 =	vld [tilespmem:s21+$0x8830]  }
0x272: {  	v0 =	vadd.f32 v14, v0;
	v16 =	vld [tilespmem:s21+$0x88B0]  }
0x273: {  	v17 =	vld [tilespmem:s21+$0x8930]  }
0x274: {  	v18 =	vld [tilespmem:s21+$0x89B0];
	[tilespmem:s26+$0x820] =	vst v0  }
0x275: {  	v0 =	vld [tilespmem:s21+$0x8A30]  }
0x276: {  	v19 =	vld [tilespmem:s21+$0x8AB0]  }
0x277: {  	v20 =	vld [tilespmem:s21+$0x8B30]  }
0x278: {  	v21 =	vld [tilespmem:s21+$0x8BB0]  }
0x279: {  	v2 =	vadd.f32 v16, v15;
	v1 =	vadd.f32 v18, v17;
	_ =	sdelay $0x1  }
0x27a: {  	v1 =	vadd.f32 v1, v2;
	_ =	sdelay $0x1  }
0x27b: {  	v0 =	vadd.f32 v19, v0;
	v22 =	vadd.f32 v21, v20;
	[tilespmem:s25+$0x830] =	vst v1  }
0x27c: {  	v23 =	vld [tilespmem:s21+$0x8840]  }
0x27d: {  	v0 =	vadd.f32 v22, v0;
	v24 =	vld [tilespmem:s21+$0x88C0]  }
0x27e: {  	v25 =	vld [tilespmem:s21+$0x8940]  }
0x27f: {  	v26 =	vld [tilespmem:s21+$0x89C0];
	[tilespmem:s26+$0x830] =	vst v0  }
0x280: {  	v0 =	vld [tilespmem:s21+$0x8A40]  }
0x281: {  	v27 =	vld [tilespmem:s21+$0x8AC0]  }
0x282: {  	v28 =	vld [tilespmem:s21+$0x8B40]  }
0x283: {  	v29 =	vld [tilespmem:s21+$0x8BC0]  }
0x284: {  	v2 =	vadd.f32 v24, v23;
	v1 =	vadd.f32 v26, v25;
	_ =	sdelay $0x1  }
0x285: {  	v1 =	vadd.f32 v1, v2;
	_ =	sdelay $0x1  }
0x286: {  	v0 =	vadd.f32 v27, v0;
	v30 =	vadd.f32 v29, v28;
	[tilespmem:s25+$0x840] =	vst v1  }
0x287: {  	v31 =	vld [tilespmem:s21+$0x8850]  }
0x288: {  	v0 =	vadd.f32 v30, v0;
	v32 =	vld [tilespmem:s21+$0x88D0]  }
0x289: {  	v33 =	vld [tilespmem:s21+$0x8950]  }
0x28a: {  	v34 =	vld [tilespmem:s21+$0x89D0];
	[tilespmem:s26+$0x840] =	vst v0  }
0x28b: {  	v0 =	vld [tilespmem:s21+$0x8A50]  }
0x28c: {  	v35 =	vld [tilespmem:s21+$0x8AD0]  }
0x28d: {  	v36 =	vld [tilespmem:s21+$0x8B50]  }
0x28e: {  	v37 =	vld [tilespmem:s21+$0x8BD0]  }
0x28f: {  	v2 =	vadd.f32 v32, v31;
	v1 =	vadd.f32 v34, v33;
	_ =	sdelay $0x1  }
0x290: {  	v1 =	vadd.f32 v1, v2;
	_ =	sdelay $0x1  }
0x291: {  	v0 =	vadd.f32 v35, v0;
	v38 =	vadd.f32 v37, v36;
	[tilespmem:s25+$0x850] =	vst v1  }
0x292: {  	v39 =	vld [tilespmem:s21+$0x8860]  }
0x293: {  	v0 =	vadd.f32 v38, v0;
	v40 =	vld [tilespmem:s21+$0x88E0]  }
0x294: {  	v41 =	vld [tilespmem:s21+$0x8960]  }
0x295: {  	v42 =	vld [tilespmem:s21+$0x89E0];
	[tilespmem:s26+$0x850] =	vst v0  }
0x296: {  	v0 =	vld [tilespmem:s21+$0x8A60]  }
0x297: {  	v43 =	vld [tilespmem:s21+$0x8AE0]  }
0x298: {  	v44 =	vld [tilespmem:s21+$0x8B60]  }
0x299: {  	v45 =	vld [tilespmem:s21+$0x8BE0]  }
0x29a: {  	v2 =	vadd.f32 v40, v39;
	v1 =	vadd.f32 v42, v41;
	_ =	sdelay $0x1  }
0x29b: {  	v1 =	vadd.f32 v1, v2;
	_ =	sdelay $0x1  }
0x29c: {  	v0 =	vadd.f32 v43, v0;
	v46 =	vadd.f32 v45, v44;
	[tilespmem:s25+$0x860] =	vst v1  }
0x29d: {  	v47 =	vld [tilespmem:s21+$0x8870]  }
0x29e: {  	v0 =	vadd.f32 v46, v0;
	v48 =	vld [tilespmem:s21+$0x88F0]  }
0x29f: {  	v49 =	vld [tilespmem:s21+$0x8970]  }
0x2a0: {  	v50 =	vld [tilespmem:s21+$0x89F0];
	[tilespmem:s26+$0x860] =	vst v0  }
0x2a1: {  	v0 =	vld [tilespmem:s21+$0x8A70]  }
0x2a2: {  	v51 =	vld [tilespmem:s21+$0x8AF0]  }
0x2a3: {  	v52 =	vld [tilespmem:s21+$0x8B70]  }
0x2a4: {  	v53 =	vld [tilespmem:s21+$0x8BF0]  }
0x2a5: {  	v2 =	vadd.f32 v48, v47;
	v1 =	vadd.f32 v50, v49;
	_ =	sdelay $0x1  }
0x2a6: {  	v1 =	vadd.f32 v1, v2;
	_ =	sdelay $0x1  }
0x2a7: {  	v0 =	vadd.f32 v51, v0;
	v54 =	vadd.f32 v53, v52;
	[tilespmem:s25+$0x870] =	vst v1  }
0x2a8: {  	v55 =	vld [tilespmem:s21+$0x8C00]  }
0x2a9: {  	v0 =	vadd.f32 v54, v0;
	v56 =	vld [tilespmem:s21+$0x8C80]  }
0x2aa: {  	v57 =	vld [tilespmem:s21+$0x8D00]  }
0x2ab: {  	v58 =	vld [tilespmem:s21+$0x8D80];
	[tilespmem:s26+$0x870] =	vst v0  }
0x2ac: {  	v0 =	vld [tilespmem:s21+$0x8E00]  }
0x2ad: {  	v59 =	vld [tilespmem:s21+$0x8E80]  }
0x2ae: {  	v60 =	vld [tilespmem:s21+$0x8F00]  }
0x2af: {  	v61 =	vld [tilespmem:s21+$0x8F80]  }
0x2b0: {  	v2 =	vadd.f32 v56, v55;
	v1 =	vadd.f32 v58, v57;
	_ =	sdelay $0x1  }
0x2b1: {  	s23 =	sor.u32 s22, s23;
	v1 =	vadd.f32 v1, v2  }
0x2b2: {  	s28 =	sor.u32 $0xC00, s23  }
0x2b3: {  	v0 =	vadd.f32 v59, v0;
	v62 =	vadd.f32 v61, v60;
	[tilespmem:s28+$0x12000] =	vst v1  }
0x2b4: {  	v63 =	vld [tilespmem:s21+$0x8C10]  }
0x2b5: {  	s22 =	sor.u32 s22, s31;
	v0 =	vadd.f32 v62, v0;
	v9 =	vld [tilespmem:s21+$0x8C90]  }
0x2b6: {  	s24 =	sor.u32 $0xC00, s22;
	v10 =	vld [tilespmem:s21+$0x8D10]  }
0x2b7: {  	v11 =	vld [tilespmem:s21+$0x8D90];
	[tilespmem:s24+$0x12000] =	vst v0  }
0x2b8: {  	v0 =	vld [tilespmem:s21+$0x8E10]  }
0x2b9: {  	v12 =	vld [tilespmem:s21+$0x8E90]  }
0x2ba: {  	v13 =	vld [tilespmem:s21+$0x8F10]  }
0x2bb: {  	v14 =	vld [tilespmem:s21+$0x8F90]  }
0x2bc: {  	v2 =	vadd.f32 v9, v63;
	v1 =	vadd.f32 v11, v10;
	_ =	sdelay $0x1  }
0x2bd: {  	v1 =	vadd.f32 v1, v2  }
0x2be: {  	s29 =	sor.u32 $0xC10, s23  }
0x2bf: {  	v0 =	vadd.f32 v12, v0;
	v15 =	vadd.f32 v14, v13;
	[tilespmem:s29+$0x12000] =	vst v1  }
0x2c0: {  	v16 =	vld [tilespmem:s21+$0x8C20]  }
0x2c1: {  	v0 =	vadd.f32 v15, v0;
	v17 =	vld [tilespmem:s21+$0x8CA0]  }
0x2c2: {  	s30 =	sor.u32 $0xC10, s22;
	v18 =	vld [tilespmem:s21+$0x8D20]  }
0x2c3: {  	v19 =	vld [tilespmem:s21+$0x8DA0];
	[tilespmem:s30+$0x12000] =	vst v0  }
0x2c4: {  	v0 =	vld [tilespmem:s21+$0x8E20]  }
0x2c5: {  	v20 =	vld [tilespmem:s21+$0x8EA0]  }
0x2c6: {  	v21 =	vld [tilespmem:s21+$0x8F20]  }
0x2c7: {  	v22 =	vld [tilespmem:s21+$0x8FA0]  }
0x2c8: {  	v2 =	vadd.f32 v17, v16;
	v1 =	vadd.f32 v19, v18;
	_ =	sdelay $0x1  }
0x2c9: {  	v1 =	vadd.f32 v1, v2  }
0x2ca: {  	s31 =	sor.u32 $0xC20, s23  }
0x2cb: {  	v0 =	vadd.f32 v20, v0;
	v23 =	vadd.f32 v22, v21;
	[tilespmem:s31+$0x12000] =	vst v1  }
0x2cc: {  	v24 =	vld [tilespmem:s21+$0x8C30]  }
0x2cd: {  	v0 =	vadd.f32 v23, v0;
	v25 =	vld [tilespmem:s21+$0x8CB0]  }
0x2ce: {  	s25 =	sor.u32 $0xC20, s22;
	v26 =	vld [tilespmem:s21+$0x8D30]  }
0x2cf: {  	v27 =	vld [tilespmem:s21+$0x8DB0];
	[tilespmem:s25+$0x12000] =	vst v0  }
0x2d0: {  	v0 =	vld [tilespmem:s21+$0x8E30]  }
0x2d1: {  	v28 =	vld [tilespmem:s21+$0x8EB0]  }
0x2d2: {  	v29 =	vld [tilespmem:s21+$0x8F30]  }
0x2d3: {  	v30 =	vld [tilespmem:s21+$0x8FB0]  }
0x2d4: {  	v2 =	vadd.f32 v25, v24;
	v1 =	vadd.f32 v27, v26;
	_ =	sdelay $0x1  }
0x2d5: {  	v1 =	vadd.f32 v1, v2  }
0x2d6: {  	s26 =	sor.u32 $0xC30, s23  }
0x2d7: {  	v0 =	vadd.f32 v28, v0;
	v31 =	vadd.f32 v30, v29;
	[tilespmem:s26+$0x12000] =	vst v1  }
0x2d8: {  	v32 =	vld [tilespmem:s21+$0x8C40]  }
0x2d9: {  	v0 =	vadd.f32 v31, v0;
	v33 =	vld [tilespmem:s21+$0x8CC0]  }
0x2da: {  	s28 =	sor.u32 $0xC30, s22;
	v34 =	vld [tilespmem:s21+$0x8D40]  }
0x2db: {  	v35 =	vld [tilespmem:s21+$0x8DC0];
	[tilespmem:s28+$0x12000] =	vst v0  }
0x2dc: {  	v0 =	vld [tilespmem:s21+$0x8E40]  }
0x2dd: {  	v36 =	vld [tilespmem:s21+$0x8EC0]  }
0x2de: {  	v37 =	vld [tilespmem:s21+$0x8F40]  }
0x2df: {  	v38 =	vld [tilespmem:s21+$0x8FC0]  }
0x2e0: {  	v2 =	vadd.f32 v33, v32;
	v1 =	vadd.f32 v35, v34;
	_ =	sdelay $0x1  }
0x2e1: {  	v1 =	vadd.f32 v1, v2  }
0x2e2: {  	s29 =	sor.u32 $0xC40, s23  }
0x2e3: {  	v0 =	vadd.f32 v36, v0;
	v39 =	vadd.f32 v38, v37;
	[tilespmem:s29+$0x12000] =	vst v1  }
0x2e4: {  	v40 =	vld [tilespmem:s21+$0x8C50]  }
0x2e5: {  	v0 =	vadd.f32 v39, v0;
	v41 =	vld [tilespmem:s21+$0x8CD0]  }
0x2e6: {  	s30 =	sor.u32 $0xC40, s22;
	v42 =	vld [tilespmem:s21+$0x8D50]  }
0x2e7: {  	v43 =	vld [tilespmem:s21+$0x8DD0];
	[tilespmem:s30+$0x12000] =	vst v0  }
0x2e8: {  	v0 =	vld [tilespmem:s21+$0x8E50]  }
0x2e9: {  	v44 =	vld [tilespmem:s21+$0x8ED0]  }
0x2ea: {  	v45 =	vld [tilespmem:s21+$0x8F50]  }
0x2eb: {  	v46 =	vld [tilespmem:s21+$0x8FD0]  }
0x2ec: {  	v2 =	vadd.f32 v41, v40;
	v1 =	vadd.f32 v43, v42;
	_ =	sdelay $0x1  }
0x2ed: {  	v1 =	vadd.f32 v1, v2  }
0x2ee: {  	s31 =	sor.u32 $0xC50, s23  }
0x2ef: {  	v0 =	vadd.f32 v44, v0;
	v47 =	vadd.f32 v46, v45;
	[tilespmem:s31+$0x12000] =	vst v1  }
0x2f0: {  	v48 =	vld [tilespmem:s21+$0x8C60]  }
0x2f1: {  	v0 =	vadd.f32 v47, v0;
	v49 =	vld [tilespmem:s21+$0x8CE0]  }
0x2f2: {  	s25 =	sor.u32 $0xC50, s22;
	v50 =	vld [tilespmem:s21+$0x8D60]  }
0x2f3: {  	v51 =	vld [tilespmem:s21+$0x8DE0];
	[tilespmem:s25+$0x12000] =	vst v0  }
0x2f4: {  	v0 =	vld [tilespmem:s21+$0x8E60]  }
0x2f5: {  	v52 =	vld [tilespmem:s21+$0x8EE0]  }
0x2f6: {  	v53 =	vld [tilespmem:s21+$0x8F60]  }
0x2f7: {  	v54 =	vld [tilespmem:s21+$0x8FE0]  }
0x2f8: {  	v2 =	vadd.f32 v49, v48;
	v1 =	vadd.f32 v51, v50;
	_ =	sdelay $0x1  }
0x2f9: {  	v1 =	vadd.f32 v1, v2  }
0x2fa: {  	s26 =	sor.u32 $0xC60, s23  }
0x2fb: {  	v0 =	vadd.f32 v52, v0;
	v55 =	vadd.f32 v54, v53;
	[tilespmem:s26+$0x12000] =	vst v1  }
0x2fc: {  	v56 =	vld [tilespmem:s21+$0x8C70]  }
0x2fd: {  	v0 =	vadd.f32 v55, v0;
	v57 =	vld [tilespmem:s21+$0x8CF0]  }
0x2fe: {  	s28 =	sor.u32 $0xC60, s22;
	v58 =	vld [tilespmem:s21+$0x8D70]  }
0x2ff: {  	v59 =	vld [tilespmem:s21+$0x8DF0];
	[tilespmem:s28+$0x12000] =	vst v0  }
0x300: {  	v0 =	vld [tilespmem:s21+$0x8E70]  }
0x301: {  	v60 =	vld [tilespmem:s21+$0x8EF0]  }
0x302: {  	v61 =	vld [tilespmem:s21+$0x8F70]  }
0x303: {  	v62 =	vld [tilespmem:s21+$0x8FF0];
	_ =	sdelay $0x3  }
0x304: {  	p0 =	slt.u32 s20, $0xE;
	v2 =	vadd.f32 v57, v56;
	v1 =	vadd.f32 v59, v58  }
.Ltmp4:
0x305: {  	v0 =	vadd.f32 v60, v0;
	v63 =	vadd.f32 v62, v61;
	(pc) =	sbr.rel @p0 .LBB2_9-.Ltmp4, $4  }
0x306: {  	v1 =	vadd.f32 v1, v2  }
0x307: {  	s29 =	sor.u32 $0xC70, s23;
	v0 =	vadd.f32 v63, v0  }
0x308: {  	s30 =	sor.u32 $0xC70, s22;
	s31 =	sadd.s32 $0x2, s20;
	[tilespmem:s29+$0x12000] =	vst v1  }
0x309: {  	s20 =	smov.u32 s31;
	[tilespmem:s30+$0x12000] =	vst v0  }
0x30a: {  	s18 =	sadd.s32 $0x1, s18  }
0x30b: {  	p0 =	sne.s32 s18, $0x8  }
.Ltmp5:
0x30c: {  	_ = 	snop;
	(pc) =	sbr.rel @p0 .LBB2_2-.Ltmp5, $4  }
0x30d: {  	_ = 	snop  }
0x30e: {  	s19 =	sshll.u32 s19, $0x6  }
0x30f: {  	s19 =	sadd.s32 s3, s19  }
0x310: {  	[hbm4b:s19+s4] =	stream.linear.scatter [tilespmem:s15], [sflag:$0x4], $0x2000, $0x38;
	[tilespmem:$0x14000] =	vst v63  }
0x311: {  	s17 =	sadd.s32 $0x1, s17  }
0x312: {  	_ =	swait.ge [sflag:s16], $0x2000;
	p0 =	sne.s32 s17, s9  }
.Ltmp6:
0x313: {  	[sflag:s16] =	ssyncset.done $0x0;
	(pc) =	sbr.rel @p0 .LBB2_1-.Ltmp6, $4  }
0x314: {  	[sflag:s16] =	ssyncadd.s32 $0xFFFFE000  }
0x315: {  	_ =	swait.ge [sflag:s14], $0x2000  }
0x316: {  	[sflag:s14] =	ssyncset.done $0x0  }
0x317: {  	[sflag:s14] =	ssyncadd.s32 $0xFFFFE000  }
0x318: {  	_ =	sfence.sel $0x180000  }
0x319: {  	[bflag:$0x0] =	sbarrier.arrive $0xFFFF  }
0x31a: {  	p0 =	sne.s32 s1, $0x0;
	_ =	strace $0x90000047  }
0x31b: {  	s0 =	sadd.s32 @!p0 $0x100000, s0;
	[bflag:$0x2] =	sbarrier.arrive $0xFFFF  }
0x31c: {  	[sflag:s0] =	ssyncadd.tile.s32 @!p0 $0x1;
	_ =	shalt  }
.Lfunc_end2:
_tile_overlayer_lowered:
.L_overlay_start_2:
0x31d: {  	(tag) =	ssettag $0x2  }
0x31e: {  	s0 =	rddreg [dreg:$0x0];
	s2 =	stileid.u32  }
0x31f: {  	s1 =	rddreg [dreg:$0x1];
	p0 =	sne.s32 s2, $0x0  }
0x320: {  	s3 =	rddreg [dreg:$0x2];
	[bflag:$0x3] =	sbarrier.arrive $0xFFFF;
	s2 =	simm.s32 @!p0 $0x1C05  }
0x321: {  	[timem:s3], [sflag:s2] =	dma.local @!p0 [hbm:s0], s1  }
0x322: {  	s0 =	simm.s32 @!p0 $0x5  }
0x323: {  	_ =	swait.ge @!p0 [sflag:s0], s1  }
0x324: {  	s1 =	ssub.s32 @!p0 $0x0, s1;
	[sflag:s0] =	ssyncset.done @!p0 $0x0  }
0x325: {  	[sflag:s0] =	ssyncadd.s32 @!p0 s1  }
0x326: {  	[bflag:$0x3] =	sbarrier.arrive $0xFFFF  }
0x327: {  	_ =	shalt  }

</sc_bundles>
